<compile_context>
chip_gen: v7x
topology: tpu7x:2x2x1
jax: 0.10.2.dev20260603
libtpu: 0.0.44.dev20260713+nightly
codegen_flags: <defaults>
</compile_context>

<pallas_src>
import jax
import jax.numpy as jnp
from jax import lax
from jax.experimental import pallas as pl
from jax.experimental.pallas import tpu as pltpu
from jax.experimental.pallas import tpu_sc as plsc

N = 10000
E = 160000
D = 256
NP = 2
DH = D // NP

NC = 2
NS = 16
L = 16
HALF = N // NC
CHUNK = E // NS
KB = 80
NBK = (CHUNK + KB - 1) // KB
PADC = NBK * KB
DUMP = HALF
ACC_ROWS = 5008
SLAB = ACC_ROWS // NS
DEN_ROWS = 48
DEN_LANES = 128


def _tc_body(h_ref, w_ref, wl_ref, wr_ref, z1_ref, z2_ref, el_ref, er_ref):
    zb = lax.dot_general(h_ref[...], w_ref[...],
                         (((1,), (1,)), ((), ())),
                         preferred_element_type=jnp.float32)
    z1_ref[...] = zb[:, :DH]
    z2_ref[...] = zb[:, DH:]
    el_ref[...] = jnp.sum(zb * wl_ref[...], axis=1, keepdims=True)
    er_ref[...] = jnp.sum(zb * wr_ref[...], axis=1, keepdims=True)


def _tc_part(h, W_fc, w_l, w_r):
    bn = 1000
    grid = (N // bn,)
    z1, z2, el, er = pl.pallas_call(
        _tc_body,
        grid=grid,
        in_specs=[
            pl.BlockSpec((bn, D), lambda i: (i, 0)),
            pl.BlockSpec((D, D), lambda i: (0, 0)),
            pl.BlockSpec((1, D), lambda i: (0, 0)),
            pl.BlockSpec((1, D), lambda i: (0, 0)),
        ],
        out_specs=[
            pl.BlockSpec((bn, DH), lambda i: (i, 0)),
            pl.BlockSpec((bn, DH), lambda i: (i, 0)),
            pl.BlockSpec((bn, 1), lambda i: (i, 0)),
            pl.BlockSpec((bn, 1), lambda i: (i, 0)),
        ],
        out_shape=[
            jax.ShapeDtypeStruct((N, DH), jnp.float32),
            jax.ShapeDtypeStruct((N, DH), jnp.float32),
            jax.ShapeDtypeStruct((N, 1), jnp.float32),
            jax.ShapeDtypeStruct((N, 1), jnp.float32),
        ],
    )(h, W_fc, w_l, w_r)
    return (z1, z2), el[:, 0], er[:, 0]


def _sc_body(src_hbm, dst_hbm, el_hbm, er_hbm, z1_hbm, z2_hbm, out_hbm,
             el_v, er_v, srcc, dstcl, exv,
             den2, gbuf, gidx, sidx, gbuf2, gidx2, sidx2, iota_ref,
             out_acc, den_acc, gsem, gsem2):
    c = lax.axis_index("c")
    s = lax.axis_index("s")
    lo = c * HALF
    lane = lax.iota(jnp.int32, L)
    base = s * SLAB

    pltpu.sync_copy(el_hbm, el_v)
    pltpu.sync_copy(er_hbm.at[pl.ds(lo, HALF)], er_v)
    pltpu.sync_copy(src_hbm.at[pl.ds(s * CHUNK, CHUNK)],
                    srcc.at[pl.ds(0, CHUNK)])
    pltpu.sync_copy(dst_hbm.at[pl.ds(s * CHUNK, CHUNK)],
                    dstcl.at[pl.ds(0, CHUNK)])

    def _zero_gbuf():
        def _zrow(r, _):
            for cc in range(DH // L):
                gbuf[r, pl.ds(cc * L, L)] = jnp.zeros((L,), jnp.float32)
            return 0
        lax.fori_loop(0, KB, _zrow, 0)

    def _zero_acc_slab():
        for q in range(SLAB // KB):
            pltpu.sync_copy(gbuf, out_acc.at[pl.ds(base + q * KB, KB)])
        rem = SLAB % KB
        if rem:
            pltpu.sync_copy(gbuf.at[pl.ds(0, rem)],
                            out_acc.at[pl.ds(base + SLAB - rem, rem)])

    _zero_gbuf()
    _zero_acc_slab()

    def _zden(i, _):
        for cc in range(DEN_LANES // L):
            den2[i, pl.ds(cc * L, L)] = jnp.zeros((L,), jnp.float32)
        return 0
    lax.fori_loop(0, DEN_ROWS, _zden, 0)

    def _ziota(j, _):
        iota_ref[pl.ds(j * L, L)] = lane + j * L
        return 0
    lax.fori_loop(0, DEN_ROWS // L, _ziota, 0)

    for t in range((PADC - CHUNK) // L):
        fl = CHUNK + t * L
        srcc[pl.ds(fl, L)] = jnp.zeros((L,), jnp.int32)
        exv[pl.ds(fl, L)] = jnp.zeros((L,), jnp.float32)
        dstcl[pl.ds(fl, L)] = jnp.full((L,), DUMP, jnp.int32)

    @pl.when(s == 0)
    def _():
        pltpu.sync_copy(den2, den_acc)

    plsc.subcore_barrier()

    masks = [lane == k for k in range(L)]

    def _phase_a(i, cnt):
        sl = pl.ds(i * L, L)
        sv = srcc[sl]
        dv = dstcl[sl]
        m = (dv >= lo) & (dv < lo + HALF)
        dl = jnp.where(m, dv - lo, DUMP)
        elg = plsc.load_gather(el_v, [sv])
        erg = plsc.load_gather(er_v, [jnp.where(m, dv - lo, 0)])
        e = elg + erg
        e = jnp.maximum(e, e * 0.01)
        ex = jnp.where(m, jnp.exp(e), 0.0)
        dr = lax.shift_right_logical(dl, 7)
        dc = lax.bitwise_and(dl, DEN_LANES - 1)
        for k in range(L):
            plsc.addupdate_scatter(den2, [dr, dc], ex, mask=masks[k])
        plsc.store_compressed(srcc.at[pl.ds(cnt, L)], sv, mask=m)
        plsc.store_compressed(dstcl.at[pl.ds(cnt, L)], dl, mask=m)
        plsc.store_compressed(exv.at[pl.ds(cnt, L)], ex, mask=m)
        return cnt + jnp.sum(m.astype(jnp.int32))
    cnt = lax.fori_loop(0, CHUNK // L, _phase_a, jnp.int32(0))

    zf = jnp.zeros((L,), jnp.float32)
    dmp = jnp.full((L,), DUMP, jnp.int32)
    for v in range(KB // L):
        exv[pl.ds(cnt + v * L, L)] = zf
        dstcl[pl.ds(cnt + v * L, L)] = dmp

    nblocks = (cnt + (KB - 1)) // KB

    pltpu.sync_copy(den2, den_acc.at[iota_ref], add=True)
    plsc.subcore_barrier()
    pltpu.sync_copy(den_acc, den2)

    def _phase_c(i, _):
        sl = pl.ds(i * L, L)
        dl = dstcl[sl]
        ex = exv[sl]
        dr = lax.shift_right_logical(dl, 7)
        dc = lax.bitwise_and(dl, DEN_LANES - 1)
        den = plsc.load_gather(den2, [dr, dc])
        exv[sl] = ex / (den + 1e-9)
        return 0
    lax.fori_loop(0, nblocks * (KB // L), _phase_c, 0)

    for p, z_hbm in enumerate((z1_hbm, z2_hbm)):
        def _fill(gi, si, off):
            for u in range(KB // L):
                usl = pl.ds(off + u * L, L)
                gi[pl.ds(u * L, L)] = srcc[usl]
                si[pl.ds(u * L, L)] = dstcl[usl]

        def _start(gi, gb, sem):
            pltpu.make_async_copy(z_hbm.at[gi], gb, sem).start()

        def _wait(gi, gb, sem):
            pltpu.make_async_copy(z_hbm.at[gi], gb, sem).wait()

        def _proc(gb, si, off):
            def _scale(r, _):
                bav = plsc.load_gather(
                    exv, [jnp.broadcast_to(off + r, (L,))])
                for cc in range(DH // L):
                    cs = pl.ds(cc * L, L)
                    gb[r, cs] = gb[r, cs] * bav
                return 0
            lax.fori_loop(0, KB, _scale, 0)
            pltpu.sync_copy(gb, out_acc.at[si], add=True)

        @pl.when(nblocks > 0)
        def _():
            _fill(gidx, sidx, 0)
            _start(gidx, gbuf, gsem)

        def _pair(i, _):
            offa = (2 * i) * KB
            offb = offa + KB
            _fill(gidx2, sidx2, offb)
            _start(gidx2, gbuf2, gsem2)
            _wait(gidx, gbuf, gsem)
            _proc(gbuf, sidx, offa)

            @pl.when(2 * i + 2 < nblocks)
            def _():
                _fill(gidx, sidx, offa + 2 * KB)
                _start(gidx, gbuf, gsem)

            _wait(gidx2, gbuf2, gsem2)
            _proc(gbuf2, sidx2, offb)
            return 0
        lax.fori_loop(0, nblocks // 2, _pair, 0)

        @pl.when(lax.rem(nblocks, 2) == 1)
        def _():
            _wait(gidx, gbuf, gsem)
            _proc(gbuf, sidx, (nblocks - 1) * KB)

        plsc.subcore_barrier()

        @pl.when(s < 8)
        def _():
            pltpu.sync_copy(
                out_acc.at[pl.ds(s * 624, 624)],
                out_hbm.at[pl.ds(lo + s * 624, 624), pl.ds(p * DH, DH)])

        @pl.when(s == 8)
        def _():
            pltpu.sync_copy(
                out_acc.at[pl.ds(4992, 8)],
                out_hbm.at[pl.ds(lo + 4992, 8), pl.ds(p * DH, DH)])

        if p != NP - 1:
            plsc.subcore_barrier()
            _zero_gbuf()
            _zero_acc_slab()
            plsc.subcore_barrier()


def _sc_part(src, dst, el, er, zs):
    mesh = plsc.VectorSubcoreMesh(core_axis_name="c", subcore_axis_name="s")
    f = pl.kernel(
        _sc_body,
        out_type=jax.ShapeDtypeStruct((N, D), jnp.float32),
        mesh=mesh,
        compiler_params=pltpu.CompilerParams(needs_layout_passes=False),
        scratch_types=[
            pltpu.VMEM((N,), jnp.float32),
            pltpu.VMEM((HALF,), jnp.float32),
            pltpu.VMEM((PADC + KB,), jnp.int32),
            pltpu.VMEM((PADC + KB,), jnp.int32),
            pltpu.VMEM((PADC + KB,), jnp.float32),
            pltpu.VMEM((DEN_ROWS, DEN_LANES), jnp.float32),
            pltpu.VMEM((KB, DH), jnp.float32),
            pltpu.VMEM((KB,), jnp.int32),
            pltpu.VMEM((KB,), jnp.int32),
            pltpu.VMEM((KB, DH), jnp.float32),
            pltpu.VMEM((KB,), jnp.int32),
            pltpu.VMEM((KB,), jnp.int32),
            pltpu.VMEM((DEN_ROWS,), jnp.int32),
            pltpu.VMEM_SHARED((ACC_ROWS, DH), jnp.float32),
            pltpu.VMEM_SHARED((DEN_ROWS, DEN_LANES), jnp.float32),
            pltpu.SemaphoreType.DMA,
            pltpu.SemaphoreType.DMA,
        ],
    )
    return f(src, dst, el, er, *zs)


@jax.jit
def kernel(h, edge_index, W_fc, w_l, w_r):
    zs, el, er = _tc_part(h, W_fc, w_l, w_r)
    src = edge_index[0]
    dst = edge_index[1]
    return _sc_part(src, dst, el, er, zs)

# --- scband reference (transcript-rebuilt; emitter-appended) ---
"""Pipeline reference for scband-gatlayer-42889543418167 (READ-ONLY COPY).

The authoritative reference and input builder live on the scoring server;
editing this copy changes nothing except your own understanding.
"""

import jax, jax.numpy as jnp
import numpy as np

N = 10000
E = 160000
D_IN = 256
D_OUT = 256


def setup_inputs(seed: int = 0) -> dict:
    key = jax.random.key(seed)
    k1, k2, k3, k4, k5 = jax.random.split(key, 5)
    h = jax.random.normal(k1, (N, D_IN), dtype=jnp.float32)
    edge_index = jax.random.randint(k2, (2, E), 0, N, dtype=jnp.int32)
    # learned params (xavier-ish scale)
    W_fc = jax.random.normal(k3, (D_OUT, D_IN), dtype=jnp.float32) * (np.sqrt(2.0) * np.sqrt(2.0 / (D_IN + D_OUT)))
    w_l = jax.random.normal(k4, (1, D_OUT), dtype=jnp.float32) * np.sqrt(2.0 / (D_OUT + 1))
    w_r = jax.random.normal(k5, (1, D_OUT), dtype=jnp.float32) * np.sqrt(2.0 / (D_OUT + 1))
    return {"h": h, "edge_index": edge_index, "W_fc": W_fc, "w_l": w_l, "w_r": w_r}


def reference(h, edge_index, W_fc, w_l, w_r):
    # z = fc(h)  (Linear without bias: x @ W.T)
    z = h @ W_fc.T  # [N, D_OUT]
    src = edge_index[0]
    dst = edge_index[1]
    # edge attention: e = leaky_relu(attn_l(z_src) + attn_r(z_dst))
    el = (z @ w_l.T)[:, 0]  # [N]
    er = (z @ w_r.T)[:, 0]  # [N]
    e = jax.nn.leaky_relu(el[src] + er[dst], negative_slope=0.01)  # [E]
    # segment softmax over incoming edges of each dst node
    e_max = jax.ops.segment_max(e, dst, num_segments=N)
    e_max = jnp.where(jnp.isfinite(e_max), e_max, 0.0)
    ex = jnp.exp(e - e_max[dst])
    denom = jax.ops.segment_sum(ex, dst, num_segments=N)
    alpha = ex / (denom[dst] + 1e-9)
    # dropout is identity in eval mode
    msg = alpha[:, None] * z[src]  # [E, D_OUT]
    out = jax.ops.segment_sum(msg, dst, num_segments=N)  # [N, D_OUT]
    return out

if __name__ == "__main__":
    import jax
    _d = setup_inputs()
    print(jax.jit(kernel)(*tuple(_d.values())))

</pallas_src>

<mosaic_0001>
#map = affine_map<(d0, d1) -> (0)>
#map1 = affine_map<(d0, d1) -> (0, 0)>
module attributes {stable_mosaic.version = 14 : i64} {
  func.func @_sc_body(%arg0: i32, %arg1: i32, %arg2: memref<160000xi32, #tpu.memory_space<hbm>>, %arg3: memref<160000xi32, #tpu.memory_space<hbm>>, %arg4: memref<10000xf32, #tpu.memory_space<hbm>>, %arg5: memref<10000xf32, #tpu.memory_space<hbm>>, %arg6: memref<10000x128xf32, #tpu.memory_space<hbm>>, %arg7: memref<10000x128xf32, #tpu.memory_space<hbm>>, %arg8: memref<10000x256xf32, #tpu.memory_space<hbm>>, %arg9: memref<10000xf32, #tpu.memory_space<vmem>>, %arg10: memref<5000xf32, #tpu.memory_space<vmem>>, %arg11: memref<10080xi32, #tpu.memory_space<vmem>>, %arg12: memref<10080xi32, #tpu.memory_space<vmem>>, %arg13: memref<10080xf32, #tpu.memory_space<vmem>>, %arg14: memref<48x128xf32, #tpu.memory_space<vmem>>, %arg15: memref<80x128xf32, #tpu.memory_space<vmem>>, %arg16: memref<80xi32, #tpu.memory_space<vmem>>, %arg17: memref<80xi32, #tpu.memory_space<vmem>>, %arg18: memref<80x128xf32, #tpu.memory_space<vmem>>, %arg19: memref<80xi32, #tpu.memory_space<vmem>>, %arg20: memref<80xi32, #tpu.memory_space<vmem>>, %arg21: memref<48xi32, #tpu.memory_space<vmem>>, %arg22: memref<5008x128xf32, #tpu.memory_space<vmem_shared>>, %arg23: memref<48x128xf32, #tpu.memory_space<vmem_shared>>, %arg24: memref<!tpu.dma_semaphore, #tpu.memory_space<semaphore_mem>>, %arg25: memref<!tpu.dma_semaphore, #tpu.memory_space<semaphore_mem>>) attributes {dimension_semantics = [#tpu.dimension_semantics<core_parallel>, #tpu.dimension_semantics<subcore_parallel>], iteration_bounds = array<i64: 2, 16>, scalar_prefetch = 0 : i64, scratch_operands = 17 : i64, tpu.core_type = #tpu.core_type<sc_vector_subcore>, window_params = [{transform_indices = #map}, {transform_indices = #map}, {transform_indices = #map}, {transform_indices = #map}, {transform_indices = #map1}, {transform_indices = #map1}, {transform_indices = #map1}]} {
    %mul3A = arith.constant 5000 : i32
    %mul3A_0 = arith.muli %arg0, %mul3A : i32
    %iota3A = tpu.iota {dimensions = array<i32: 0>} : vector<16xi32>
    %mul3A_1 = arith.constant 313 : i32
    %mul3A_2 = arith.muli %arg1, %mul3A_1 : i32
    "tpu.region"() ({
      %run_scoped3A = tpu.sem_alloc : memref<!tpu.dma_semaphore, #tpu.memory_space<semaphore_mem>>
      tpu.enqueue_dma source(%arg4 : memref<10000xf32, #tpu.memory_space<hbm>>) target(%arg9 : memref<10000xf32, #tpu.memory_space<vmem>>) target_semaphore(%run_scoped3A : memref<!tpu.dma_semaphore, #tpu.memory_space<semaphore_mem>>)
      tpu.wait_dma2 semaphore(%run_scoped3A : memref<!tpu.dma_semaphore, #tpu.memory_space<semaphore_mem>>) src(%arg4 : memref<10000xf32, #tpu.memory_space<hbm>>) dst(%arg9 : memref<10000xf32, #tpu.memory_space<vmem>>)
      tpu.yield
    }) : () -> ()
    "tpu.region"() ({
      %run_scoped3A = tpu.sem_alloc : memref<!tpu.dma_semaphore, #tpu.memory_space<semaphore_mem>>
      %dma_start3A = tpu.memref_slice %arg5[%mul3A_0] : memref<10000xf32, #tpu.memory_space<hbm>> -> memref<5000xf32, #tpu.memory_space<hbm>>
      %dma_start3A_302 = tpu.memref_slice %arg5[%mul3A_0] : memref<10000xf32, #tpu.memory_space<hbm>> -> memref<5000xf32, #tpu.memory_space<hbm>>
      tpu.enqueue_dma source(%dma_start3A_302 : memref<5000xf32, #tpu.memory_space<hbm>>) target(%arg10 : memref<5000xf32, #tpu.memory_space<vmem>>) target_semaphore(%run_scoped3A : memref<!tpu.dma_semaphore, #tpu.memory_space<semaphore_mem>>)
      %dma_wait3A = tpu.memref_slice %arg5[%mul3A_0] : memref<10000xf32, #tpu.memory_space<hbm>> -> memref<5000xf32, #tpu.memory_space<hbm>>
      %dma_wait3A_303 = tpu.memref_slice %arg5[%mul3A_0] : memref<10000xf32, #tpu.memory_space<hbm>> -> memref<5000xf32, #tpu.memory_space<hbm>>
      tpu.wait_dma2 semaphore(%run_scoped3A : memref<!tpu.dma_semaphore, #tpu.memory_space<semaphore_mem>>) src(%dma_wait3A_303 : memref<5000xf32, #tpu.memory_space<hbm>>) dst(%arg10 : memref<5000xf32, #tpu.memory_space<vmem>>)
      tpu.yield
    }) : () -> ()
    %mul3A_3 = arith.constant 10000 : i32
    %mul3A_4 = arith.muli %arg1, %mul3A_3 : i32
    "tpu.region"() ({
      %run_scoped3A = tpu.sem_alloc : memref<!tpu.dma_semaphore, #tpu.memory_space<semaphore_mem>>
      %dma_start3A = arith.constant 0 : i32
      %dma_start3A_302 = tpu.memref_slice %arg11[%dma_start3A] : memref<10080xi32, #tpu.memory_space<vmem>> -> memref<10000xi32, #tpu.memory_space<vmem>>
      %dma_start3A_303 = tpu.memref_slice %arg2[%mul3A_4] : memref<160000xi32, #tpu.memory_space<hbm>> -> memref<10000xi32, #tpu.memory_space<hbm>>
      %dma_start3A_304 = arith.constant 0 : i32
      %dma_start3A_305 = tpu.memref_slice %arg11[%dma_start3A_304] : memref<10080xi32, #tpu.memory_space<vmem>> -> memref<10000xi32, #tpu.memory_space<vmem>>
      %dma_start3A_306 = tpu.memref_slice %arg2[%mul3A_4] : memref<160000xi32, #tpu.memory_space<hbm>> -> memref<10000xi32, #tpu.memory_space<hbm>>
      tpu.enqueue_dma source(%dma_start3A_306 : memref<10000xi32, #tpu.memory_space<hbm>>) target(%dma_start3A_305 : memref<10000xi32, #tpu.memory_space<vmem>>) target_semaphore(%run_scoped3A : memref<!tpu.dma_semaphore, #tpu.memory_space<semaphore_mem>>)
      %dma_wait3A = arith.constant 0 : i32
      %dma_wait3A_307 = tpu.memref_slice %arg11[%dma_wait3A] : memref<10080xi32, #tpu.memory_space<vmem>> -> memref<10000xi32, #tpu.memory_space<vmem>>
      %dma_wait3A_308 = tpu.memref_slice %arg2[%mul3A_4] : memref<160000xi32, #tpu.memory_space<hbm>> -> memref<10000xi32, #tpu.memory_space<hbm>>
      %dma_wait3A_309 = arith.constant 0 : i32
      %dma_wait3A_310 = tpu.memref_slice %arg11[%dma_wait3A_309] : memref<10080xi32, #tpu.memory_space<vmem>> -> memref<10000xi32, #tpu.memory_space<vmem>>
      %dma_wait3A_311 = tpu.memref_slice %arg2[%mul3A_4] : memref<160000xi32, #tpu.memory_space<hbm>> -> memref<10000xi32, #tpu.memory_space<hbm>>
      tpu.wait_dma2 semaphore(%run_scoped3A : memref<!tpu.dma_semaphore, #tpu.memory_space<semaphore_mem>>) src(%dma_wait3A_311 : memref<10000xi32, #tpu.memory_space<hbm>>) dst(%dma_wait3A_310 : memref<10000xi32, #tpu.memory_space<vmem>>)
      tpu.yield
    }) : () -> ()
    %mul3A_5 = arith.constant 10000 : i32
    %mul3A_6 = arith.muli %arg1, %mul3A_5 : i32
    "tpu.region"() ({
      %run_scoped3A = tpu.sem_alloc : memref<!tpu.dma_semaphore, #tpu.memory_space<semaphore_mem>>
      %dma_start3A = arith.constant 0 : i32
      %dma_start3A_302 = tpu.memref_slice %arg12[%dma_start3A] : memref<10080xi32, #tpu.memory_space<vmem>> -> memref<10000xi32, #tpu.memory_space<vmem>>
      %dma_start3A_303 = tpu.memref_slice %arg3[%mul3A_6] : memref<160000xi32, #tpu.memory_space<hbm>> -> memref<10000xi32, #tpu.memory_space<hbm>>
      %dma_start3A_304 = arith.constant 0 : i32
      %dma_start3A_305 = tpu.memref_slice %arg12[%dma_start3A_304] : memref<10080xi32, #tpu.memory_space<vmem>> -> memref<10000xi32, #tpu.memory_space<vmem>>
      %dma_start3A_306 = tpu.memref_slice %arg3[%mul3A_6] : memref<160000xi32, #tpu.memory_space<hbm>> -> memref<10000xi32, #tpu.memory_space<hbm>>
      tpu.enqueue_dma source(%dma_start3A_306 : memref<10000xi32, #tpu.memory_space<hbm>>) target(%dma_start3A_305 : memref<10000xi32, #tpu.memory_space<vmem>>) target_semaphore(%run_scoped3A : memref<!tpu.dma_semaphore, #tpu.memory_space<semaphore_mem>>)
      %dma_wait3A = arith.constant 0 : i32
      %dma_wait3A_307 = tpu.memref_slice %arg12[%dma_wait3A] : memref<10080xi32, #tpu.memory_space<vmem>> -> memref<10000xi32, #tpu.memory_space<vmem>>
      %dma_wait3A_308 = tpu.memref_slice %arg3[%mul3A_6] : memref<160000xi32, #tpu.memory_space<hbm>> -> memref<10000xi32, #tpu.memory_space<hbm>>
      %dma_wait3A_309 = arith.constant 0 : i32
      %dma_wait3A_310 = tpu.memref_slice %arg12[%dma_wait3A_309] : memref<10080xi32, #tpu.memory_space<vmem>> -> memref<10000xi32, #tpu.memory_space<vmem>>
      %dma_wait3A_311 = tpu.memref_slice %arg3[%mul3A_6] : memref<160000xi32, #tpu.memory_space<hbm>> -> memref<10000xi32, #tpu.memory_space<hbm>>
      tpu.wait_dma2 semaphore(%run_scoped3A : memref<!tpu.dma_semaphore, #tpu.memory_space<semaphore_mem>>) src(%dma_wait3A_311 : memref<10000xi32, #tpu.memory_space<hbm>>) dst(%dma_wait3A_310 : memref<10000xi32, #tpu.memory_space<vmem>>)
      tpu.yield
    }) : () -> ()
    %scan3A = arith.constant 0 : i32
    %scan3A_7 = arith.constant 0 : i32
    %scan3A_8 = arith.constant 80 : i32
    %scan3A_9 = arith.addi %scan3A_7, %scan3A_8 : i32
    %scan3A_10 = arith.constant 1 : i32
    %scan3A_11 = scf.for %scan3A_302 = %scan3A_7 to %scan3A_9 step %scan3A_10 iter_args(%scan3A_303 = %scan3A) -> (i32)  : i32 {
      %broadcast_in_dim3A_304 = arith.constant 0.000000e+00 : f32
      %broadcast_in_dim3A_305 = vector.broadcast %broadcast_in_dim3A_304 : f32 to vector<16xf32>
      %swap3A_306 = arith.index_cast %scan3A_302 : i32 to index
      %swap3A_307 = arith.constant 0 : index
      %swap3A_308 = tpu.vector_load %arg15[%swap3A_306, %swap3A_307] {strides = array<i32>} : memref<80x128xf32, #tpu.memory_space<vmem>>, vector<16xf32>,
      tpu.vector_store %arg15[%swap3A_306, %swap3A_307], %broadcast_in_dim3A_305 {strides = array<i32>} : memref<80x128xf32, #tpu.memory_space<vmem>>, vector<16xf32>,
      %broadcast_in_dim3A_309 = arith.constant 0.000000e+00 : f32
      %broadcast_in_dim3A_310 = vector.broadcast %broadcast_in_dim3A_309 : f32 to vector<16xf32>
      %swap3A_311 = arith.index_cast %scan3A_302 : i32 to index
      %swap3A_312 = arith.constant 16 : index
      %swap3A_313 = tpu.vector_load %arg15[%swap3A_311, %swap3A_312] {strides = array<i32>} : memref<80x128xf32, #tpu.memory_space<vmem>>, vector<16xf32>,
      tpu.vector_store %arg15[%swap3A_311, %swap3A_312], %broadcast_in_dim3A_310 {strides = array<i32>} : memref<80x128xf32, #tpu.memory_space<vmem>>, vector<16xf32>,
      %broadcast_in_dim3A_314 = arith.constant 0.000000e+00 : f32
      %broadcast_in_dim3A_315 = vector.broadcast %broadcast_in_dim3A_314 : f32 to vector<16xf32>
      %swap3A_316 = arith.index_cast %scan3A_302 : i32 to index
      %swap3A_317 = arith.constant 32 : index
      %swap3A_318 = tpu.vector_load %arg15[%swap3A_316, %swap3A_317] {strides = array<i32>} : memref<80x128xf32, #tpu.memory_space<vmem>>, vector<16xf32>,
      tpu.vector_store %arg15[%swap3A_316, %swap3A_317], %broadcast_in_dim3A_315 {strides = array<i32>} : memref<80x128xf32, #tpu.memory_space<vmem>>, vector<16xf32>,
      %broadcast_in_dim3A_319 = arith.constant 0.000000e+00 : f32
      %broadcast_in_dim3A_320 = vector.broadcast %broadcast_in_dim3A_319 : f32 to vector<16xf32>
      %swap3A_321 = arith.index_cast %scan3A_302 : i32 to index
      %swap3A_322 = arith.constant 48 : index
      %swap3A_323 = tpu.vector_load %arg15[%swap3A_321, %swap3A_322] {strides = array<i32>} : memref<80x128xf32, #tpu.memory_space<vmem>>, vector<16xf32>,
      tpu.vector_store %arg15[%swap3A_321, %swap3A_322], %broadcast_in_dim3A_320 {strides = array<i32>} : memref<80x128xf32, #tpu.memory_space<vmem>>, vector<16xf32>,
      %broadcast_in_dim3A_324 = arith.constant 0.000000e+00 : f32
      %broadcast_in_dim3A_325 = vector.broadcast %broadcast_in_dim3A_324 : f32 to vector<16xf32>
      %swap3A_326 = arith.index_cast %scan3A_302 : i32 to index
      %swap3A_327 = arith.constant 64 : index
      %swap3A_328 = tpu.vector_load %arg15[%swap3A_326, %swap3A_327] {strides = array<i32>} : memref<80x128xf32, #tpu.memory_space<vmem>>, vector<16xf32>,
      tpu.vector_store %arg15[%swap3A_326, %swap3A_327], %broadcast_in_dim3A_325 {strides = array<i32>} : memref<80x128xf32, #tpu.memory_space<vmem>>, vector<16xf32>,
      %broadcast_in_dim3A_329 = arith.constant 0.000000e+00 : f32
      %broadcast_in_dim3A_330 = vector.broadcast %broadcast_in_dim3A_329 : f32 to vector<16xf32>
      %swap3A_331 = arith.index_cast %scan3A_302 : i32 to index
      %swap3A_332 = arith.constant 80 : index
      %swap3A_333 = tpu.vector_load %arg15[%swap3A_331, %swap3A_332] {strides = array<i32>} : memref<80x128xf32, #tpu.memory_space<vmem>>, vector<16xf32>,
      tpu.vector_store %arg15[%swap3A_331, %swap3A_332], %broadcast_in_dim3A_330 {strides = array<i32>} : memref<80x128xf32, #tpu.memory_space<vmem>>, vector<16xf32>,
      %broadcast_in_dim3A_334 = arith.constant 0.000000e+00 : f32
      %broadcast_in_dim3A_335 = vector.broadcast %broadcast_in_dim3A_334 : f32 to vector<16xf32>
      %swap3A_336 = arith.index_cast %scan3A_302 : i32 to index
      %swap3A_337 = arith.constant 96 : index
      %swap3A_338 = tpu.vector_load %arg15[%swap3A_336, %swap3A_337] {strides = array<i32>} : memref<80x128xf32, #tpu.memory_space<vmem>>, vector<16xf32>,
      tpu.vector_store %arg15[%swap3A_336, %swap3A_337], %broadcast_in_dim3A_335 {strides = array<i32>} : memref<80x128xf32, #tpu.memory_space<vmem>>, vector<16xf32>,
      %broadcast_in_dim3A_339 = arith.constant 0.000000e+00 : f32
      %broadcast_in_dim3A_340 = vector.broadcast %broadcast_in_dim3A_339 : f32 to vector<16xf32>
      %swap3A_341 = arith.index_cast %scan3A_302 : i32 to index
      %swap3A_342 = arith.constant 112 : index
      %swap3A_343 = tpu.vector_load %arg15[%swap3A_341, %swap3A_342] {strides = array<i32>} : memref<80x128xf32, #tpu.memory_space<vmem>>, vector<16xf32>,
      tpu.vector_store %arg15[%swap3A_341, %swap3A_342], %broadcast_in_dim3A_340 {strides = array<i32>} : memref<80x128xf32, #tpu.memory_space<vmem>>, vector<16xf32>,
      %scan3A_344 = arith.constant 0 : i32
      scf.yield %scan3A_344 : i32
    }
    %scan3A_12 = arith.constant 80 : i32
    %add3A = arith.constant 0 : i32
    %add3A_13 = arith.addi %mul3A_2, %add3A : i32
    "tpu.region"() ({
      %run_scoped3A = tpu.sem_alloc : memref<!tpu.dma_semaphore, #tpu.memory_space<semaphore_mem>>
      %dma_start3A = arith.constant 0 : i32
      %dma_start3A_302 = tpu.memref_slice %arg22[%add3A_13, %dma_start3A] : memref<5008x128xf32, #tpu.memory_space<vmem_shared>> -> memref<80x128xf32, #tpu.memory_space<vmem_shared>>
      %dma_start3A_303 = arith.constant 0 : i32
      %dma_start3A_304 = tpu.memref_slice %arg22[%add3A_13, %dma_start3A_303] : memref<5008x128xf32, #tpu.memory_space<vmem_shared>> -> memref<80x128xf32, #tpu.memory_space<vmem_shared>>
      tpu.enqueue_dma source(%arg15 : memref<80x128xf32, #tpu.memory_space<vmem>>) target(%dma_start3A_304 : memref<80x128xf32, #tpu.memory_space<vmem_shared>>) target_semaphore(%run_scoped3A : memref<!tpu.dma_semaphore, #tpu.memory_space<semaphore_mem>>)
      %dma_wait3A = arith.constant 0 : i32
      %dma_wait3A_305 = tpu.memref_slice %arg22[%add3A_13, %dma_wait3A] : memref<5008x128xf32, #tpu.memory_space<vmem_shared>> -> memref<80x128xf32, #tpu.memory_space<vmem_shared>>
      %dma_wait3A_306 = arith.constant 0 : i32
      %dma_wait3A_307 = tpu.memref_slice %arg22[%add3A_13, %dma_wait3A_306] : memref<5008x128xf32, #tpu.memory_space<vmem_shared>> -> memref<80x128xf32, #tpu.memory_space<vmem_shared>>
      tpu.wait_dma2 semaphore(%run_scoped3A : memref<!tpu.dma_semaphore, #tpu.memory_space<semaphore_mem>>) src(%arg15 : memref<80x128xf32, #tpu.memory_space<vmem>>) dst(%dma_wait3A_307 : memref<80x128xf32, #tpu.memory_space<vmem_shared>>)
      tpu.yield
    }) : () -> ()
    %add3A_14 = arith.constant 80 : i32
    %add3A_15 = arith.addi %mul3A_2, %add3A_14 : i32
    "tpu.region"() ({
      %run_scoped3A = tpu.sem_alloc : memref<!tpu.dma_semaphore, #tpu.memory_space<semaphore_mem>>
      %dma_start3A = arith.constant 0 : i32
      %dma_start3A_302 = tpu.memref_slice %arg22[%add3A_15, %dma_start3A] : memref<5008x128xf32, #tpu.memory_space<vmem_shared>> -> memref<80x128xf32, #tpu.memory_space<vmem_shared>>
      %dma_start3A_303 = arith.constant 0 : i32
      %dma_start3A_304 = tpu.memref_slice %arg22[%add3A_15, %dma_start3A_303] : memref<5008x128xf32, #tpu.memory_space<vmem_shared>> -> memref<80x128xf32, #tpu.memory_space<vmem_shared>>
      tpu.enqueue_dma source(%arg15 : memref<80x128xf32, #tpu.memory_space<vmem>>) target(%dma_start3A_304 : memref<80x128xf32, #tpu.memory_space<vmem_shared>>) target_semaphore(%run_scoped3A : memref<!tpu.dma_semaphore, #tpu.memory_space<semaphore_mem>>)
      %dma_wait3A = arith.constant 0 : i32
      %dma_wait3A_305 = tpu.memref_slice %arg22[%add3A_15, %dma_wait3A] : memref<5008x128xf32, #tpu.memory_space<vmem_shared>> -> memref<80x128xf32, #tpu.memory_space<vmem_shared>>
      %dma_wait3A_306 = arith.constant 0 : i32
      %dma_wait3A_307 = tpu.memref_slice %arg22[%add3A_15, %dma_wait3A_306] : memref<5008x128xf32, #tpu.memory_space<vmem_shared>> -> memref<80x128xf32, #tpu.memory_space<vmem_shared>>
      tpu.wait_dma2 semaphore(%run_scoped3A : memref<!tpu.dma_semaphore, #tpu.memory_space<semaphore_mem>>) src(%arg15 : memref<80x128xf32, #tpu.memory_space<vmem>>) dst(%dma_wait3A_307 : memref<80x128xf32, #tpu.memory_space<vmem_shared>>)
      tpu.yield
    }) : () -> ()
    %add3A_16 = arith.constant 160 : i32
    %add3A_17 = arith.addi %mul3A_2, %add3A_16 : i32
    "tpu.region"() ({
      %run_scoped3A = tpu.sem_alloc : memref<!tpu.dma_semaphore, #tpu.memory_space<semaphore_mem>>
      %dma_start3A = arith.constant 0 : i32
      %dma_start3A_302 = tpu.memref_slice %arg22[%add3A_17, %dma_start3A] : memref<5008x128xf32, #tpu.memory_space<vmem_shared>> -> memref<80x128xf32, #tpu.memory_space<vmem_shared>>
      %dma_start3A_303 = arith.constant 0 : i32
      %dma_start3A_304 = tpu.memref_slice %arg22[%add3A_17, %dma_start3A_303] : memref<5008x128xf32, #tpu.memory_space<vmem_shared>> -> memref<80x128xf32, #tpu.memory_space<vmem_shared>>
      tpu.enqueue_dma source(%arg15 : memref<80x128xf32, #tpu.memory_space<vmem>>) target(%dma_start3A_304 : memref<80x128xf32, #tpu.memory_space<vmem_shared>>) target_semaphore(%run_scoped3A : memref<!tpu.dma_semaphore, #tpu.memory_space<semaphore_mem>>)
      %dma_wait3A = arith.constant 0 : i32
      %dma_wait3A_305 = tpu.memref_slice %arg22[%add3A_17, %dma_wait3A] : memref<5008x128xf32, #tpu.memory_space<vmem_shared>> -> memref<80x128xf32, #tpu.memory_space<vmem_shared>>
      %dma_wait3A_306 = arith.constant 0 : i32
      %dma_wait3A_307 = tpu.memref_slice %arg22[%add3A_17, %dma_wait3A_306] : memref<5008x128xf32, #tpu.memory_space<vmem_shared>> -> memref<80x128xf32, #tpu.memory_space<vmem_shared>>
      tpu.wait_dma2 semaphore(%run_scoped3A : memref<!tpu.dma_semaphore, #tpu.memory_space<semaphore_mem>>) src(%arg15 : memref<80x128xf32, #tpu.memory_space<vmem>>) dst(%dma_wait3A_307 : memref<80x128xf32, #tpu.memory_space<vmem_shared>>)
      tpu.yield
    }) : () -> ()
    %add3A_18 = arith.constant 313 : i32
    %add3A_19 = arith.addi %mul3A_2, %add3A_18 : i32
    %sub3A = arith.constant 73 : i32
    %sub3A_20 = arith.subi %add3A_19, %sub3A : i32
    "tpu.region"() ({
      %run_scoped3A = tpu.sem_alloc : memref<!tpu.dma_semaphore, #tpu.memory_space<semaphore_mem>>
      %dma_start3A = arith.constant 0 : i32
      %dma_start3A_302 = arith.constant 0 : i32
      %dma_start3A_303 = tpu.memref_slice %arg15[%dma_start3A, %dma_start3A_302] : memref<80x128xf32, #tpu.memory_space<vmem>> -> memref<73x128xf32, #tpu.memory_space<vmem>>
      %dma_start3A_304 = arith.constant 0 : i32
      %dma_start3A_305 = tpu.memref_slice %arg22[%sub3A_20, %dma_start3A_304] : memref<5008x128xf32, #tpu.memory_space<vmem_shared>> -> memref<73x128xf32, #tpu.memory_space<vmem_shared>>
      %dma_start3A_306 = arith.constant 0 : i32
      %dma_start3A_307 = tpu.memref_slice %arg22[%sub3A_20, %dma_start3A_306] : memref<5008x128xf32, #tpu.memory_space<vmem_shared>> -> memref<73x128xf32, #tpu.memory_space<vmem_shared>>
      %dma_start3A_308 = arith.constant 0 : i32
      %dma_start3A_309 = arith.constant 0 : i32
      %dma_start3A_310 = tpu.memref_slice %arg15[%dma_start3A_308, %dma_start3A_309] : memref<80x128xf32, #tpu.memory_space<vmem>> -> memref<73x128xf32, #tpu.memory_space<vmem>>
      tpu.enqueue_dma source(%dma_start3A_310 : memref<73x128xf32, #tpu.memory_space<vmem>>) target(%dma_start3A_307 : memref<73x128xf32, #tpu.memory_space<vmem_shared>>) target_semaphore(%run_scoped3A : memref<!tpu.dma_semaphore, #tpu.memory_space<semaphore_mem>>)
      %dma_wait3A = arith.constant 0 : i32
      %dma_wait3A_311 = arith.constant 0 : i32
      %dma_wait3A_312 = tpu.memref_slice %arg15[%dma_wait3A, %dma_wait3A_311] : memref<80x128xf32, #tpu.memory_space<vmem>> -> memref<73x128xf32, #tpu.memory_space<vmem>>
      %dma_wait3A_313 = arith.constant 0 : i32
      %dma_wait3A_314 = tpu.memref_slice %arg22[%sub3A_20, %dma_wait3A_313] : memref<5008x128xf32, #tpu.memory_space<vmem_shared>> -> memref<73x128xf32, #tpu.memory_space<vmem_shared>>
      %dma_wait3A_315 = arith.constant 0 : i32
      %dma_wait3A_316 = tpu.memref_slice %arg22[%sub3A_20, %dma_wait3A_315] : memref<5008x128xf32, #tpu.memory_space<vmem_shared>> -> memref<73x128xf32, #tpu.memory_space<vmem_shared>>
      %dma_wait3A_317 = arith.constant 0 : i32
      %dma_wait3A_318 = arith.constant 0 : i32
      %dma_wait3A_319 = tpu.memref_slice %arg15[%dma_wait3A_317, %dma_wait3A_318] : memref<80x128xf32, #tpu.memory_space<vmem>> -> memref<73x128xf32, #tpu.memory_space<vmem>>
      tpu.wait_dma2 semaphore(%run_scoped3A : memref<!tpu.dma_semaphore, #tpu.memory_space<semaphore_mem>>) src(%dma_wait3A_319 : memref<73x128xf32, #tpu.memory_space<vmem>>) dst(%dma_wait3A_316 : memref<73x128xf32, #tpu.memory_space<vmem_shared>>)
      tpu.yield
    }) : () -> ()
    %scan3A_21 = arith.constant 0 : i32
    %scan3A_22 = arith.constant 0 : i32
    %scan3A_23 = arith.constant 48 : i32
    %scan3A_24 = arith.addi %scan3A_22, %scan3A_23 : i32
    %scan3A_25 = arith.constant 1 : i32
    %scan3A_26 = scf.for %scan3A_302 = %scan3A_22 to %scan3A_24 step %scan3A_25 iter_args(%scan3A_303 = %scan3A_21) -> (i32)  : i32 {
      %broadcast_in_dim3A_304 = arith.constant 0.000000e+00 : f32
      %broadcast_in_dim3A_305 = vector.broadcast %broadcast_in_dim3A_304 : f32 to vector<16xf32>
      %swap3A_306 = arith.index_cast %scan3A_302 : i32 to index
      %swap3A_307 = arith.constant 0 : index
      %swap3A_308 = tpu.vector_load %arg14[%swap3A_306, %swap3A_307] {strides = array<i32>} : memref<48x128xf32, #tpu.memory_space<vmem>>, vector<16xf32>,
      tpu.vector_store %arg14[%swap3A_306, %swap3A_307], %broadcast_in_dim3A_305 {strides = array<i32>} : memref<48x128xf32, #tpu.memory_space<vmem>>, vector<16xf32>,
      %broadcast_in_dim3A_309 = arith.constant 0.000000e+00 : f32
      %broadcast_in_dim3A_310 = vector.broadcast %broadcast_in_dim3A_309 : f32 to vector<16xf32>
      %swap3A_311 = arith.index_cast %scan3A_302 : i32 to index
      %swap3A_312 = arith.constant 16 : index
      %swap3A_313 = tpu.vector_load %arg14[%swap3A_311, %swap3A_312] {strides = array<i32>} : memref<48x128xf32, #tpu.memory_space<vmem>>, vector<16xf32>,
      tpu.vector_store %arg14[%swap3A_311, %swap3A_312], %broadcast_in_dim3A_310 {strides = array<i32>} : memref<48x128xf32, #tpu.memory_space<vmem>>, vector<16xf32>,
      %broadcast_in_dim3A_314 = arith.constant 0.000000e+00 : f32
      %broadcast_in_dim3A_315 = vector.broadcast %broadcast_in_dim3A_314 : f32 to vector<16xf32>
      %swap3A_316 = arith.index_cast %scan3A_302 : i32 to index
      %swap3A_317 = arith.constant 32 : index
      %swap3A_318 = tpu.vector_load %arg14[%swap3A_316, %swap3A_317] {strides = array<i32>} : memref<48x128xf32, #tpu.memory_space<vmem>>, vector<16xf32>,
      tpu.vector_store %arg14[%swap3A_316, %swap3A_317], %broadcast_in_dim3A_315 {strides = array<i32>} : memref<48x128xf32, #tpu.memory_space<vmem>>, vector<16xf32>,
      %broadcast_in_dim3A_319 = arith.constant 0.000000e+00 : f32
      %broadcast_in_dim3A_320 = vector.broadcast %broadcast_in_dim3A_319 : f32 to vector<16xf32>
      %swap3A_321 = arith.index_cast %scan3A_302 : i32 to index
      %swap3A_322 = arith.constant 48 : index
      %swap3A_323 = tpu.vector_load %arg14[%swap3A_321, %swap3A_322] {strides = array<i32>} : memref<48x128xf32, #tpu.memory_space<vmem>>, vector<16xf32>,
      tpu.vector_store %arg14[%swap3A_321, %swap3A_322], %broadcast_in_dim3A_320 {strides = array<i32>} : memref<48x128xf32, #tpu.memory_space<vmem>>, vector<16xf32>,
      %broadcast_in_dim3A_324 = arith.constant 0.000000e+00 : f32
      %broadcast_in_dim3A_325 = vector.broadcast %broadcast_in_dim3A_324 : f32 to vector<16xf32>
      %swap3A_326 = arith.index_cast %scan3A_302 : i32 to index
      %swap3A_327 = arith.constant 64 : index
      %swap3A_328 = tpu.vector_load %arg14[%swap3A_326, %swap3A_327] {strides = array<i32>} : memref<48x128xf32, #tpu.memory_space<vmem>>, vector<16xf32>,
      tpu.vector_store %arg14[%swap3A_326, %swap3A_327], %broadcast_in_dim3A_325 {strides = array<i32>} : memref<48x128xf32, #tpu.memory_space<vmem>>, vector<16xf32>,
      %broadcast_in_dim3A_329 = arith.constant 0.000000e+00 : f32
      %broadcast_in_dim3A_330 = vector.broadcast %broadcast_in_dim3A_329 : f32 to vector<16xf32>
      %swap3A_331 = arith.index_cast %scan3A_302 : i32 to index
      %swap3A_332 = arith.constant 80 : index
      %swap3A_333 = tpu.vector_load %arg14[%swap3A_331, %swap3A_332] {strides = array<i32>} : memref<48x128xf32, #tpu.memory_space<vmem>>, vector<16xf32>,
      tpu.vector_store %arg14[%swap3A_331, %swap3A_332], %broadcast_in_dim3A_330 {strides = array<i32>} : memref<48x128xf32, #tpu.memory_space<vmem>>, vector<16xf32>,
      %broadcast_in_dim3A_334 = arith.constant 0.000000e+00 : f32
      %broadcast_in_dim3A_335 = vector.broadcast %broadcast_in_dim3A_334 : f32 to vector<16xf32>
      %swap3A_336 = arith.index_cast %scan3A_302 : i32 to index
      %swap3A_337 = arith.constant 96 : index
      %swap3A_338 = tpu.vector_load %arg14[%swap3A_336, %swap3A_337] {strides = array<i32>} : memref<48x128xf32, #tpu.memory_space<vmem>>, vector<16xf32>,
      tpu.vector_store %arg14[%swap3A_336, %swap3A_337], %broadcast_in_dim3A_335 {strides = array<i32>} : memref<48x128xf32, #tpu.memory_space<vmem>>, vector<16xf32>,
      %broadcast_in_dim3A_339 = arith.constant 0.000000e+00 : f32
      %broadcast_in_dim3A_340 = vector.broadcast %broadcast_in_dim3A_339 : f32 to vector<16xf32>
      %swap3A_341 = arith.index_cast %scan3A_302 : i32 to index
      %swap3A_342 = arith.constant 112 : index
      %swap3A_343 = tpu.vector_load %arg14[%swap3A_341, %swap3A_342] {strides = array<i32>} : memref<48x128xf32, #tpu.memory_space<vmem>>, vector<16xf32>,
      tpu.vector_store %arg14[%swap3A_341, %swap3A_342], %broadcast_in_dim3A_340 {strides = array<i32>} : memref<48x128xf32, #tpu.memory_space<vmem>>, vector<16xf32>,
      %scan3A_344 = arith.constant 0 : i32
      scf.yield %scan3A_344 : i32
    }
    %scan3A_27 = arith.constant 48 : i32
    %scan3A_28 = arith.constant 0 : i32
    %scan3A_29 = arith.constant 0 : i32
    %scan3A_30 = arith.constant 3 : i32
    %scan3A_31 = arith.addi %scan3A_29, %scan3A_30 : i32
    %scan3A_32 = arith.constant 1 : i32
    %scan3A_33 = scf.for %scan3A_302 = %scan3A_29 to %scan3A_31 step %scan3A_32 iter_args(%scan3A_303 = %scan3A_28) -> (i32)  : i32 {
      %mul3A_304 = arith.constant 16 : i32
      %mul3A_305 = arith.muli %scan3A_302, %mul3A_304 : i32
      %add3A_306 = vector.broadcast %mul3A_305 : i32 to vector<16xi32>
      %add3A_307 = arith.addi %iota3A, %add3A_306 : vector<16xi32>
      %mul3A_308 = arith.constant 16 : i32
      %mul3A_309 = arith.muli %scan3A_302, %mul3A_308 : i32
      %swap3A_310 = arith.index_cast %mul3A_309 : i32 to index
      %swap3A_311 = tpu.vector_load %arg21[%swap3A_310] {strides = array<i32>} : memref<48xi32, #tpu.memory_space<vmem>>, vector<16xi32>,
      tpu.vector_store %arg21[%swap3A_310], %add3A_307 {strides = array<i32>} : memref<48xi32, #tpu.memory_space<vmem>>, vector<16xi32>,
      %scan3A_312 = arith.constant 0 : i32
      scf.yield %scan3A_312 : i32
    }
    %scan3A_34 = arith.constant 3 : i32
    %eq3A = arith.constant 0 : i32
    %eq3A_35 = arith.cmpi eq, %arg1, %eq3A : i32
    %convert_element_type3A = arith.extui %eq3A_35 : i1 to i32
    %cond3A = arith.constant 0 : i32
    %cond3A_36 = arith.cmpi ne, %convert_element_type3A, %cond3A : i32
    scf.if %cond3A_36 {
      "tpu.region"() ({
        %run_scoped3A = tpu.sem_alloc : memref<!tpu.dma_semaphore, #tpu.memory_space<semaphore_mem>>
        tpu.enqueue_dma source(%arg14 : memref<48x128xf32, #tpu.memory_space<vmem>>) target(%arg23 : memref<48x128xf32, #tpu.memory_space<vmem_shared>>) target_semaphore(%run_scoped3A : memref<!tpu.dma_semaphore, #tpu.memory_space<semaphore_mem>>)
        tpu.wait_dma2 semaphore(%run_scoped3A : memref<!tpu.dma_semaphore, #tpu.memory_space<semaphore_mem>>) src(%arg14 : memref<48x128xf32, #tpu.memory_space<vmem>>) dst(%arg23 : memref<48x128xf32, #tpu.memory_space<vmem_shared>>)
        tpu.yield
      }) : () -> ()
    } else {
    }
    %barrier3A = arith.constant 0 : index
    tpu.barrier barrier_id(%barrier3A)
    %eq3A_37 = arith.constant 0 : i32
    %eq3A_38 = vector.broadcast %eq3A_37 : i32 to vector<16xi32>
    %eq3A_39 = arith.cmpi eq, %iota3A, %eq3A_38 : vector<16xi32>
    %eq3A_40 = arith.constant 1 : i32
    %eq3A_41 = vector.broadcast %eq3A_40 : i32 to vector<16xi32>
    %eq3A_42 = arith.cmpi eq, %iota3A, %eq3A_41 : vector<16xi32>
    %eq3A_43 = arith.constant 2 : i32
    %eq3A_44 = vector.broadcast %eq3A_43 : i32 to vector<16xi32>
    %eq3A_45 = arith.cmpi eq, %iota3A, %eq3A_44 : vector<16xi32>
    %eq3A_46 = arith.constant 3 : i32
    %eq3A_47 = vector.broadcast %eq3A_46 : i32 to vector<16xi32>
    %eq3A_48 = arith.cmpi eq, %iota3A, %eq3A_47 : vector<16xi32>
    %eq3A_49 = arith.constant 4 : i32
    %eq3A_50 = vector.broadcast %eq3A_49 : i32 to vector<16xi32>
    %eq3A_51 = arith.cmpi eq, %iota3A, %eq3A_50 : vector<16xi32>
    %eq3A_52 = arith.constant 5 : i32
    %eq3A_53 = vector.broadcast %eq3A_52 : i32 to vector<16xi32>
    %eq3A_54 = arith.cmpi eq, %iota3A, %eq3A_53 : vector<16xi32>
    %eq3A_55 = arith.constant 6 : i32
    %eq3A_56 = vector.broadcast %eq3A_55 : i32 to vector<16xi32>
    %eq3A_57 = arith.cmpi eq, %iota3A, %eq3A_56 : vector<16xi32>
    %eq3A_58 = arith.constant 7 : i32
    %eq3A_59 = vector.broadcast %eq3A_58 : i32 to vector<16xi32>
    %eq3A_60 = arith.cmpi eq, %iota3A, %eq3A_59 : vector<16xi32>
    %eq3A_61 = arith.constant 8 : i32
    %eq3A_62 = vector.broadcast %eq3A_61 : i32 to vector<16xi32>
    %eq3A_63 = arith.cmpi eq, %iota3A, %eq3A_62 : vector<16xi32>
    %eq3A_64 = arith.constant 9 : i32
    %eq3A_65 = vector.broadcast %eq3A_64 : i32 to vector<16xi32>
    %eq3A_66 = arith.cmpi eq, %iota3A, %eq3A_65 : vector<16xi32>
    %eq3A_67 = arith.constant 10 : i32
    %eq3A_68 = vector.broadcast %eq3A_67 : i32 to vector<16xi32>
    %eq3A_69 = arith.cmpi eq, %iota3A, %eq3A_68 : vector<16xi32>
    %eq3A_70 = arith.constant 11 : i32
    %eq3A_71 = vector.broadcast %eq3A_70 : i32 to vector<16xi32>
    %eq3A_72 = arith.cmpi eq, %iota3A, %eq3A_71 : vector<16xi32>
    %eq3A_73 = arith.constant 12 : i32
    %eq3A_74 = vector.broadcast %eq3A_73 : i32 to vector<16xi32>
    %eq3A_75 = arith.cmpi eq, %iota3A, %eq3A_74 : vector<16xi32>
    %eq3A_76 = arith.constant 13 : i32
    %eq3A_77 = vector.broadcast %eq3A_76 : i32 to vector<16xi32>
    %eq3A_78 = arith.cmpi eq, %iota3A, %eq3A_77 : vector<16xi32>
    %eq3A_79 = arith.constant 14 : i32
    %eq3A_80 = vector.broadcast %eq3A_79 : i32 to vector<16xi32>
    %eq3A_81 = arith.cmpi eq, %iota3A, %eq3A_80 : vector<16xi32>
    %eq3A_82 = arith.constant 15 : i32
    %eq3A_83 = vector.broadcast %eq3A_82 : i32 to vector<16xi32>
    %eq3A_84 = arith.cmpi eq, %iota3A, %eq3A_83 : vector<16xi32>
    %scan3A_85 = arith.constant 0 : i32
    %scan3A_86 = arith.constant 0 : i32
    %scan3A_87 = arith.constant 625 : i32
    %scan3A_88 = arith.addi %scan3A_86, %scan3A_87 : i32
    %scan3A_89 = arith.constant 1 : i32
    %scan3A_90 = scf.for %scan3A_302 = %scan3A_86 to %scan3A_88 step %scan3A_89 iter_args(%scan3A_303 = %scan3A_85) -> (i32)  : i32 {
      %mul3A_304 = arith.constant 16 : i32
      %mul3A_305 = arith.muli %scan3A_302, %mul3A_304 : i32
      %get3A = arith.index_cast %mul3A_305 : i32 to index
      %get3A_306 = tpu.vector_load %arg11[%get3A] {strides = array<i32>} : memref<10080xi32, #tpu.memory_space<vmem>>, vector<16xi32>,
      %get3A_307 = arith.index_cast %mul3A_305 : i32 to index
      %get3A_308 = tpu.vector_load %arg12[%get3A_307] {strides = array<i32>} : memref<10080xi32, #tpu.memory_space<vmem>>, vector<16xi32>,
      %ge3A = vector.broadcast %mul3A_0 : i32 to vector<16xi32>
      %ge3A_309 = arith.cmpi sge, %get3A_308, %ge3A : vector<16xi32>
      %add3A_310 = arith.constant 5000 : i32
      %add3A_311 = arith.addi %mul3A_0, %add3A_310 : i32
      %lt3A_312 = vector.broadcast %add3A_311 : i32 to vector<16xi32>
      %lt3A_313 = arith.cmpi slt, %get3A_308, %lt3A_312 : vector<16xi32>
      %and3A_314 = arith.andi %ge3A_309, %lt3A_313 : vector<16xi1>
      %sub3A_315 = vector.broadcast %mul3A_0 : i32 to vector<16xi32>
      %sub3A_316 = arith.subi %get3A_308, %sub3A_315 : vector<16xi32>
      %jit3A_317 = arith.constant 5000 : i32
      %broadcast_in_dim3A_318 = vector.broadcast %jit3A_317 : i32 to vector<16xi32>
      %select_n3A_319 = arith.select %and3A_314, %sub3A_316, %broadcast_in_dim3A_318 : vector<16xi1>, vector<16xi32>
      %gather3A = tpu.vector_load_idx %arg9[%get3A_306] : memref<10000xf32, #tpu.memory_space<vmem>>[vector<16xi32>], vector<16xf32>,
      %sub3A_320 = vector.broadcast %mul3A_0 : i32 to vector<16xi32>
      %sub3A_321 = arith.subi %get3A_308, %sub3A_320 : vector<16xi32>
      %jit3A_322 = arith.constant 0 : i32
      %broadcast_in_dim3A_323 = vector.broadcast %jit3A_322 : i32 to vector<16xi32>
      %select_n3A_324 = arith.select %and3A_314, %sub3A_321, %broadcast_in_dim3A_323 : vector<16xi1>, vector<16xi32>
      %gather3A_325 = tpu.vector_load_idx %arg10[%select_n3A_324] : memref<5000xf32, #tpu.memory_space<vmem>>[vector<16xi32>], vector<16xf32>,
      %add3A_326 = arith.addf %gather3A, %gather3A_325 : vector<16xf32>
      %mul3A_327 = arith.constant 0.00999999977 : f32
      %mul3A_328 = vector.broadcast %mul3A_327 : f32 to vector<16xf32>
      %mul3A_329 = arith.mulf %add3A_326, %mul3A_328 : vector<16xf32>
      %max3A = arith.maximumf %add3A_326, %mul3A_329 : vector<16xf32>
      %exp3A = math.exp %max3A : vector<16xf32>
      %jit3A_330 = arith.constant 0.000000e+00 : f32
      %broadcast_in_dim3A_331 = vector.broadcast %jit3A_330 : f32 to vector<16xf32>
      %select_n3A_332 = arith.select %and3A_314, %exp3A, %broadcast_in_dim3A_331 : vector<16xi1>, vector<16xf32>
      %shift_right_logical3A = arith.constant 7 : i32
      %shift_right_logical3A_333 = vector.broadcast %shift_right_logical3A : i32 to vector<16xi32>
      %shift_right_logical3A_334 = arith.shrui %select_n3A_319, %shift_right_logical3A_333 : vector<16xi32>
      %and3A_335 = arith.constant 127 : i32
      %and3A_336 = vector.broadcast %and3A_335 : i32 to vector<16xi32>
      %and3A_337 = arith.andi %select_n3A_319, %and3A_336 : vector<16xi32>
      tpu.vector_store_idx %arg14[%shift_right_logical3A_334, %and3A_337], %select_n3A_332 masked %eq3A_39 {add = true} : memref<48x128xf32, #tpu.memory_space<vmem>>[vector<16xi32>, vector<16xi32>], vector<16xf32>, vector<16xi1>
      tpu.vector_store_idx %arg14[%shift_right_logical3A_334, %and3A_337], %select_n3A_332 masked %eq3A_42 {add = true} : memref<48x128xf32, #tpu.memory_space<vmem>>[vector<16xi32>, vector<16xi32>], vector<16xf32>, vector<16xi1>
      tpu.vector_store_idx %arg14[%shift_right_logical3A_334, %and3A_337], %select_n3A_332 masked %eq3A_45 {add = true} : memref<48x128xf32, #tpu.memory_space<vmem>>[vector<16xi32>, vector<16xi32>], vector<16xf32>, vector<16xi1>
      tpu.vector_store_idx %arg14[%shift_right_logical3A_334, %and3A_337], %select_n3A_332 masked %eq3A_48 {add = true} : memref<48x128xf32, #tpu.memory_space<vmem>>[vector<16xi32>, vector<16xi32>], vector<16xf32>, vector<16xi1>
      tpu.vector_store_idx %arg14[%shift_right_logical3A_334, %and3A_337], %select_n3A_332 masked %eq3A_51 {add = true} : memref<48x128xf32, #tpu.memory_space<vmem>>[vector<16xi32>, vector<16xi32>], vector<16xf32>, vector<16xi1>
      tpu.vector_store_idx %arg14[%shift_right_logical3A_334, %and3A_337], %select_n3A_332 masked %eq3A_54 {add = true} : memref<48x128xf32, #tpu.memory_space<vmem>>[vector<16xi32>, vector<16xi32>], vector<16xf32>, vector<16xi1>
      tpu.vector_store_idx %arg14[%shift_right_logical3A_334, %and3A_337], %select_n3A_332 masked %eq3A_57 {add = true} : memref<48x128xf32, #tpu.memory_space<vmem>>[vector<16xi32>, vector<16xi32>], vector<16xf32>, vector<16xi1>
      tpu.vector_store_idx %arg14[%shift_right_logical3A_334, %and3A_337], %select_n3A_332 masked %eq3A_60 {add = true} : memref<48x128xf32, #tpu.memory_space<vmem>>[vector<16xi32>, vector<16xi32>], vector<16xf32>, vector<16xi1>
      tpu.vector_store_idx %arg14[%shift_right_logical3A_334, %and3A_337], %select_n3A_332 masked %eq3A_63 {add = true} : memref<48x128xf32, #tpu.memory_space<vmem>>[vector<16xi32>, vector<16xi32>], vector<16xf32>, vector<16xi1>
      tpu.vector_store_idx %arg14[%shift_right_logical3A_334, %and3A_337], %select_n3A_332 masked %eq3A_66 {add = true} : memref<48x128xf32, #tpu.memory_space<vmem>>[vector<16xi32>, vector<16xi32>], vector<16xf32>, vector<16xi1>
      tpu.vector_store_idx %arg14[%shift_right_logical3A_334, %and3A_337], %select_n3A_332 masked %eq3A_69 {add = true} : memref<48x128xf32, #tpu.memory_space<vmem>>[vector<16xi32>, vector<16xi32>], vector<16xf32>, vector<16xi1>
      tpu.vector_store_idx %arg14[%shift_right_logical3A_334, %and3A_337], %select_n3A_332 masked %eq3A_72 {add = true} : memref<48x128xf32, #tpu.memory_space<vmem>>[vector<16xi32>, vector<16xi32>], vector<16xf32>, vector<16xi1>
      tpu.vector_store_idx %arg14[%shift_right_logical3A_334, %and3A_337], %select_n3A_332 masked %eq3A_75 {add = true} : memref<48x128xf32, #tpu.memory_space<vmem>>[vector<16xi32>, vector<16xi32>], vector<16xf32>, vector<16xi1>
      tpu.vector_store_idx %arg14[%shift_right_logical3A_334, %and3A_337], %select_n3A_332 masked %eq3A_78 {add = true} : memref<48x128xf32, #tpu.memory_space<vmem>>[vector<16xi32>, vector<16xi32>], vector<16xf32>, vector<16xi1>
      tpu.vector_store_idx %arg14[%shift_right_logical3A_334, %and3A_337], %select_n3A_332 masked %eq3A_81 {add = true} : memref<48x128xf32, #tpu.memory_space<vmem>>[vector<16xi32>, vector<16xi32>], vector<16xf32>, vector<16xi1>
      tpu.vector_store_idx %arg14[%shift_right_logical3A_334, %and3A_337], %select_n3A_332 masked %eq3A_84 {add = true} : memref<48x128xf32, #tpu.memory_space<vmem>>[vector<16xi32>, vector<16xi32>], vector<16xf32>, vector<16xi1>
      %swap3A_338 = arith.index_cast %scan3A_303 : i32 to index
      %swap3A_339 = tpu.vector_load %arg11[%swap3A_338] masked %and3A_314 {strides = array<i32>} : memref<10080xi32, #tpu.memory_space<vmem>>, vector<16xi32>, vector<16xi1>
      tpu.vector_store %arg11[%swap3A_338], %get3A_306 masked %and3A_314 {strides = array<i32>} : memref<10080xi32, #tpu.memory_space<vmem>>, vector<16xi32>, vector<16xi1>
      %swap3A_340 = arith.index_cast %scan3A_303 : i32 to index
      %swap3A_341 = tpu.vector_load %arg12[%swap3A_340] masked %and3A_314 {strides = array<i32>} : memref<10080xi32, #tpu.memory_space<vmem>>, vector<16xi32>, vector<16xi1>
      tpu.vector_store %arg12[%swap3A_340], %select_n3A_319 masked %and3A_314 {strides = array<i32>} : memref<10080xi32, #tpu.memory_space<vmem>>, vector<16xi32>, vector<16xi1>
      %swap3A_342 = arith.index_cast %scan3A_303 : i32 to index
      %swap3A_343 = tpu.vector_load %arg13[%swap3A_342] masked %and3A_314 {strides = array<i32>} : memref<10080xf32, #tpu.memory_space<vmem>>, vector<16xf32>, vector<16xi1>
      tpu.vector_store %arg13[%swap3A_342], %select_n3A_332 masked %and3A_314 {strides = array<i32>} : memref<10080xf32, #tpu.memory_space<vmem>>, vector<16xf32>, vector<16xi1>
      %convert_element_type3A_344 = arith.extui %and3A_314 : vector<16xi1> to vector<16xi32>
      %reduce_sum3A = arith.constant true
      %reduce_sum3A_345 = vector.broadcast %reduce_sum3A : i1 to vector<16xi1>
      %reduce_sum3A_346 = tpu.scan <sum>, %convert_element_type3A_344 masked %reduce_sum3A_345 : vector<16xi32>, vector<16xi1> -> vector<16xi32>
      %reduce_sum3A_347 = vector.extract %reduce_sum3A_346[15] : i32 from vector<16xi32>
      %add3A_348 = arith.addi %scan3A_303, %reduce_sum3A_347 : i32
      scf.yield %add3A_348 : i32
    }
    %scan3A_91 = arith.constant 625 : i32
    %broadcast_in_dim3A = arith.constant 0.000000e+00 : f32
    %broadcast_in_dim3A_92 = vector.broadcast %broadcast_in_dim3A : f32 to vector<16xf32>
    %broadcast_in_dim3A_93 = arith.constant 5000 : i32
    %broadcast_in_dim3A_94 = vector.broadcast %broadcast_in_dim3A_93 : i32 to vector<16xi32>
    %add3A_95 = arith.constant 0 : i32
    %add3A_96 = arith.addi %scan3A_90, %add3A_95 : i32
    %swap3A = arith.index_cast %add3A_96 : i32 to index
    %swap3A_97 = tpu.vector_load %arg13[%swap3A] {strides = array<i32>} : memref<10080xf32, #tpu.memory_space<vmem>>, vector<16xf32>,
    tpu.vector_store %arg13[%swap3A], %broadcast_in_dim3A_92 {strides = array<i32>} : memref<10080xf32, #tpu.memory_space<vmem>>, vector<16xf32>,
    %add3A_98 = arith.constant 0 : i32
    %add3A_99 = arith.addi %scan3A_90, %add3A_98 : i32
    %swap3A_100 = arith.index_cast %add3A_99 : i32 to index
    %swap3A_101 = tpu.vector_load %arg12[%swap3A_100] {strides = array<i32>} : memref<10080xi32, #tpu.memory_space<vmem>>, vector<16xi32>,
    tpu.vector_store %arg12[%swap3A_100], %broadcast_in_dim3A_94 {strides = array<i32>} : memref<10080xi32, #tpu.memory_space<vmem>>, vector<16xi32>,
    %add3A_102 = arith.constant 16 : i32
    %add3A_103 = arith.addi %scan3A_90, %add3A_102 : i32
    %swap3A_104 = arith.index_cast %add3A_103 : i32 to index
    %swap3A_105 = tpu.vector_load %arg13[%swap3A_104] {strides = array<i32>} : memref<10080xf32, #tpu.memory_space<vmem>>, vector<16xf32>,
    tpu.vector_store %arg13[%swap3A_104], %broadcast_in_dim3A_92 {strides = array<i32>} : memref<10080xf32, #tpu.memory_space<vmem>>, vector<16xf32>,
    %add3A_106 = arith.constant 16 : i32
    %add3A_107 = arith.addi %scan3A_90, %add3A_106 : i32
    %swap3A_108 = arith.index_cast %add3A_107 : i32 to index
    %swap3A_109 = tpu.vector_load %arg12[%swap3A_108] {strides = array<i32>} : memref<10080xi32, #tpu.memory_space<vmem>>, vector<16xi32>,
    tpu.vector_store %arg12[%swap3A_108], %broadcast_in_dim3A_94 {strides = array<i32>} : memref<10080xi32, #tpu.memory_space<vmem>>, vector<16xi32>,
    %add3A_110 = arith.constant 32 : i32
    %add3A_111 = arith.addi %scan3A_90, %add3A_110 : i32
    %swap3A_112 = arith.index_cast %add3A_111 : i32 to index
    %swap3A_113 = tpu.vector_load %arg13[%swap3A_112] {strides = array<i32>} : memref<10080xf32, #tpu.memory_space<vmem>>, vector<16xf32>,
    tpu.vector_store %arg13[%swap3A_112], %broadcast_in_dim3A_92 {strides = array<i32>} : memref<10080xf32, #tpu.memory_space<vmem>>, vector<16xf32>,
    %add3A_114 = arith.constant 32 : i32
    %add3A_115 = arith.addi %scan3A_90, %add3A_114 : i32
    %swap3A_116 = arith.index_cast %add3A_115 : i32 to index
    %swap3A_117 = tpu.vector_load %arg12[%swap3A_116] {strides = array<i32>} : memref<10080xi32, #tpu.memory_space<vmem>>, vector<16xi32>,
    tpu.vector_store %arg12[%swap3A_116], %broadcast_in_dim3A_94 {strides = array<i32>} : memref<10080xi32, #tpu.memory_space<vmem>>, vector<16xi32>,
    %add3A_118 = arith.constant 48 : i32
    %add3A_119 = arith.addi %scan3A_90, %add3A_118 : i32
    %swap3A_120 = arith.index_cast %add3A_119 : i32 to index
    %swap3A_121 = tpu.vector_load %arg13[%swap3A_120] {strides = array<i32>} : memref<10080xf32, #tpu.memory_space<vmem>>, vector<16xf32>,
    tpu.vector_store %arg13[%swap3A_120], %broadcast_in_dim3A_92 {strides = array<i32>} : memref<10080xf32, #tpu.memory_space<vmem>>, vector<16xf32>,
    %add3A_122 = arith.constant 48 : i32
    %add3A_123 = arith.addi %scan3A_90, %add3A_122 : i32
    %swap3A_124 = arith.index_cast %add3A_123 : i32 to index
    %swap3A_125 = tpu.vector_load %arg12[%swap3A_124] {strides = array<i32>} : memref<10080xi32, #tpu.memory_space<vmem>>, vector<16xi32>,
    tpu.vector_store %arg12[%swap3A_124], %broadcast_in_dim3A_94 {strides = array<i32>} : memref<10080xi32, #tpu.memory_space<vmem>>, vector<16xi32>,
    %add3A_126 = arith.constant 64 : i32
    %add3A_127 = arith.addi %scan3A_90, %add3A_126 : i32
    %swap3A_128 = arith.index_cast %add3A_127 : i32 to index
    %swap3A_129 = tpu.vector_load %arg13[%swap3A_128] {strides = array<i32>} : memref<10080xf32, #tpu.memory_space<vmem>>, vector<16xf32>,
    tpu.vector_store %arg13[%swap3A_128], %broadcast_in_dim3A_92 {strides = array<i32>} : memref<10080xf32, #tpu.memory_space<vmem>>, vector<16xf32>,
    %add3A_130 = arith.constant 64 : i32
    %add3A_131 = arith.addi %scan3A_90, %add3A_130 : i32
    %swap3A_132 = arith.index_cast %add3A_131 : i32 to index
    %swap3A_133 = tpu.vector_load %arg12[%swap3A_132] {strides = array<i32>} : memref<10080xi32, #tpu.memory_space<vmem>>, vector<16xi32>,
    tpu.vector_store %arg12[%swap3A_132], %broadcast_in_dim3A_94 {strides = array<i32>} : memref<10080xi32, #tpu.memory_space<vmem>>, vector<16xi32>,
    %add3A_134 = arith.constant 79 : i32
    %add3A_135 = arith.addi %scan3A_90, %add3A_134 : i32
    %jit3A = arith.constant 80 : i32
    %div3A = arith.divsi %add3A_135, %jit3A : i32
    %sign3A = arith.constant 0 : i32
    %sign3A_136 = arith.cmpi sgt, %add3A_135, %sign3A : i32
    %sign3A_137 = arith.extui %sign3A_136 : i1 to i32
    %sign3A_138 = arith.constant 0 : i32
    %sign3A_139 = arith.cmpi slt, %add3A_135, %sign3A_138 : i32
    %sign3A_140 = arith.extui %sign3A_139 : i1 to i32
    %sign3A_141 = arith.subi %sign3A_137, %sign3A_140 : i32
    %sign3A_142 = arith.constant 0 : i32
    %sign3A_143 = arith.cmpi sgt, %jit3A, %sign3A_142 : i32
    %sign3A_144 = arith.extui %sign3A_143 : i1 to i32
    %sign3A_145 = arith.constant 0 : i32
    %sign3A_146 = arith.cmpi slt, %jit3A, %sign3A_145 : i32
    %sign3A_147 = arith.extui %sign3A_146 : i1 to i32
    %sign3A_148 = arith.subi %sign3A_144, %sign3A_147 : i32
    %ne3A = arith.cmpi ne, %sign3A_141, %sign3A_148 : i32
    %rem3A = arith.remsi %add3A_135, %jit3A : i32
    %ne3A_149 = arith.constant 0 : i32
    %ne3A_150 = arith.cmpi ne, %rem3A, %ne3A_149 : i32
    %and3A = arith.andi %ne3A, %ne3A_150 : i1
    %sub3A_151 = arith.constant 1 : i32
    %sub3A_152 = arith.subi %div3A, %sub3A_151 : i32
    %select_n3A = arith.select %and3A, %sub3A_152, %div3A : i32
    "tpu.region"() ({
      %run_scoped3A = tpu.sem_alloc : memref<!tpu.dma_semaphore, #tpu.memory_space<semaphore_mem>>
      %dma_start3A = arith.constant 0 : i32
      %dma_start3A_302 = arith.constant 0 : i32
      %dma_start3A_303 = tpu.memref_slice %arg23[%dma_start3A, %dma_start3A_302] : memref<48x128xf32, #tpu.memory_space<vmem_shared>> -> memref<48x128xf32, #tpu.memory_space<vmem_shared>>
      tpu.enqueue_indirect_dma source(%arg14 : memref<48x128xf32, #tpu.memory_space<vmem>>) target(%dma_start3A_303 : memref<48x128xf32, #tpu.memory_space<vmem_shared>>) offsets(%arg21 : memref<48xi32, #tpu.memory_space<vmem>>) semaphore(%run_scoped3A : memref<!tpu.dma_semaphore, #tpu.memory_space<semaphore_mem>>) {add = true}
      %dma_wait3A = arith.constant 0 : i32
      %dma_wait3A_304 = arith.constant 0 : i32
      %dma_wait3A_305 = tpu.memref_slice %arg23[%dma_wait3A, %dma_wait3A_304] : memref<48x128xf32, #tpu.memory_space<vmem_shared>> -> memref<48x128xf32, #tpu.memory_space<vmem_shared>>
      tpu.wait_indirect_dma semaphore(%run_scoped3A : memref<!tpu.dma_semaphore, #tpu.memory_space<semaphore_mem>>) src(%arg14 : memref<48x128xf32, #tpu.memory_space<vmem>>) dst(%dma_wait3A_305 : memref<48x128xf32, #tpu.memory_space<vmem_shared>>)
      tpu.yield
    }) : () -> ()
    %barrier3A_153 = arith.constant 0 : index
    tpu.barrier barrier_id(%barrier3A_153)
    "tpu.region"() ({
      %run_scoped3A = tpu.sem_alloc : memref<!tpu.dma_semaphore, #tpu.memory_space<semaphore_mem>>
      tpu.enqueue_dma source(%arg23 : memref<48x128xf32, #tpu.memory_space<vmem_shared>>) target(%arg14 : memref<48x128xf32, #tpu.memory_space<vmem>>) target_semaphore(%run_scoped3A : memref<!tpu.dma_semaphore, #tpu.memory_space<semaphore_mem>>)
      tpu.wait_dma2 semaphore(%run_scoped3A : memref<!tpu.dma_semaphore, #tpu.memory_space<semaphore_mem>>) src(%arg23 : memref<48x128xf32, #tpu.memory_space<vmem_shared>>) dst(%arg14 : memref<48x128xf32, #tpu.memory_space<vmem>>)
      tpu.yield
    }) : () -> ()
    %mul3A_154 = arith.constant 5 : i32
    %mul3A_155 = arith.muli %select_n3A, %mul3A_154 : i32
    %while3A = arith.constant 0 : i32
    %while3A_156 = arith.constant 0 : i32
    %while3A_157 = arith.subi %mul3A_155, %while3A : i32
    %while3A_158 = arith.addi %while3A, %while3A_157 : i32
    %while3A_159 = arith.constant 1 : i32
    %while3A_160 = arith.divsi %while3A_157, %while3A_159 : i32
    %while3A_161 = arith.muli %while3A_160, %while3A_159 : i32
    %while3A_162 = arith.addi %while3A, %while3A_161 : i32
    %while3A_163 = arith.constant 1 : i32
    %while3A_164 = scf.for %while3A_302 = %while3A to %while3A_162 step %while3A_163 iter_args(%while3A_303 = %while3A_156) -> (i32)  : i32 {
      %mul3A_304 = arith.constant 16 : i32
      %mul3A_305 = arith.muli %while3A_302, %mul3A_304 : i32
      %get3A = arith.index_cast %mul3A_305 : i32 to index
      %get3A_306 = tpu.vector_load %arg12[%get3A] {strides = array<i32>} : memref<10080xi32, #tpu.memory_space<vmem>>, vector<16xi32>,
      %get3A_307 = arith.index_cast %mul3A_305 : i32 to index
      %get3A_308 = tpu.vector_load %arg13[%get3A_307] {strides = array<i32>} : memref<10080xf32, #tpu.memory_space<vmem>>, vector<16xf32>,
      %shift_right_logical3A = arith.constant 7 : i32
      %shift_right_logical3A_309 = vector.broadcast %shift_right_logical3A : i32 to vector<16xi32>
      %shift_right_logical3A_310 = arith.shrui %get3A_306, %shift_right_logical3A_309 : vector<16xi32>
      %and3A_311 = arith.constant 127 : i32
      %and3A_312 = vector.broadcast %and3A_311 : i32 to vector<16xi32>
      %and3A_313 = arith.andi %get3A_306, %and3A_312 : vector<16xi32>
      %gather3A = tpu.vector_load_idx %arg14[%shift_right_logical3A_310, %and3A_313] : memref<48x128xf32, #tpu.memory_space<vmem>>[vector<16xi32>, vector<16xi32>], vector<16xf32>,
      %add3A_314 = arith.constant 9.99999971E-10 : f32
      %add3A_315 = vector.broadcast %add3A_314 : f32 to vector<16xf32>
      %add3A_316 = arith.addf %gather3A, %add3A_315 : vector<16xf32>
      %div3A_317 = arith.divf %get3A_308, %add3A_316 : vector<16xf32>
      %swap3A_318 = arith.index_cast %mul3A_305 : i32 to index
      %swap3A_319 = tpu.vector_load %arg13[%swap3A_318] {strides = array<i32>} : memref<10080xf32, #tpu.memory_space<vmem>>, vector<16xf32>,
      tpu.vector_store %arg13[%swap3A_318], %div3A_317 {strides = array<i32>} : memref<10080xf32, #tpu.memory_space<vmem>>, vector<16xf32>,
      %while3A_320 = arith.constant 0 : i32
      scf.yield %while3A_320 : i32
    }
    %while3A_165 = arith.constant 1 : i32
    %while3A_166 = scf.for %while3A_302 = %while3A_162 to %while3A_158 step %while3A_165 iter_args(%while3A_303 = %while3A_164) -> (i32)  : i32 {
      %mul3A_304 = arith.constant 16 : i32
      %mul3A_305 = arith.muli %while3A_302, %mul3A_304 : i32
      %get3A = arith.index_cast %mul3A_305 : i32 to index
      %get3A_306 = tpu.vector_load %arg12[%get3A] {strides = array<i32>} : memref<10080xi32, #tpu.memory_space<vmem>>, vector<16xi32>,
      %get3A_307 = arith.index_cast %mul3A_305 : i32 to index
      %get3A_308 = tpu.vector_load %arg13[%get3A_307] {strides = array<i32>} : memref<10080xf32, #tpu.memory_space<vmem>>, vector<16xf32>,
      %shift_right_logical3A = arith.constant 7 : i32
      %shift_right_logical3A_309 = vector.broadcast %shift_right_logical3A : i32 to vector<16xi32>
      %shift_right_logical3A_310 = arith.shrui %get3A_306, %shift_right_logical3A_309 : vector<16xi32>
      %and3A_311 = arith.constant 127 : i32
      %and3A_312 = vector.broadcast %and3A_311 : i32 to vector<16xi32>
      %and3A_313 = arith.andi %get3A_306, %and3A_312 : vector<16xi32>
      %gather3A = tpu.vector_load_idx %arg14[%shift_right_logical3A_310, %and3A_313] : memref<48x128xf32, #tpu.memory_space<vmem>>[vector<16xi32>, vector<16xi32>], vector<16xf32>,
      %add3A_314 = arith.constant 9.99999971E-10 : f32
      %add3A_315 = vector.broadcast %add3A_314 : f32 to vector<16xf32>
      %add3A_316 = arith.addf %gather3A, %add3A_315 : vector<16xf32>
      %div3A_317 = arith.divf %get3A_308, %add3A_316 : vector<16xf32>
      %swap3A_318 = arith.index_cast %mul3A_305 : i32 to index
      %swap3A_319 = tpu.vector_load %arg13[%swap3A_318] {strides = array<i32>} : memref<10080xf32, #tpu.memory_space<vmem>>, vector<16xf32>,
      tpu.vector_store %arg13[%swap3A_318], %div3A_317 {strides = array<i32>} : memref<10080xf32, #tpu.memory_space<vmem>>, vector<16xf32>,
      %while3A_320 = arith.constant 0 : i32
      scf.yield %while3A_320 : i32
    }
    %gt3A = arith.constant 0 : i32
    %gt3A_167 = arith.cmpi sgt, %select_n3A, %gt3A : i32
    %convert_element_type3A_168 = arith.extui %gt3A_167 : i1 to i32
    %cond3A_169 = arith.constant 0 : i32
    %cond3A_170 = arith.cmpi ne, %convert_element_type3A_168, %cond3A_169 : i32
    scf.if %cond3A_170 {
      %get3A = arith.constant 0 : index
      %get3A_302 = tpu.vector_load %arg11[%get3A] {strides = array<i32>} : memref<10080xi32, #tpu.memory_space<vmem>>, vector<16xi32>,
      %swap3A_303 = arith.constant 0 : index
      %swap3A_304 = tpu.vector_load %arg16[%swap3A_303] {strides = array<i32>} : memref<80xi32, #tpu.memory_space<vmem>>, vector<16xi32>,
      tpu.vector_store %arg16[%swap3A_303], %get3A_302 {strides = array<i32>} : memref<80xi32, #tpu.memory_space<vmem>>, vector<16xi32>,
      %get3A_305 = arith.constant 0 : index
      %get3A_306 = tpu.vector_load %arg12[%get3A_305] {strides = array<i32>} : memref<10080xi32, #tpu.memory_space<vmem>>, vector<16xi32>,
      %swap3A_307 = arith.constant 0 : index
      %swap3A_308 = tpu.vector_load %arg17[%swap3A_307] {strides = array<i32>} : memref<80xi32, #tpu.memory_space<vmem>>, vector<16xi32>,
      tpu.vector_store %arg17[%swap3A_307], %get3A_306 {strides = array<i32>} : memref<80xi32, #tpu.memory_space<vmem>>, vector<16xi32>,
      %get3A_309 = arith.constant 16 : index
      %get3A_310 = tpu.vector_load %arg11[%get3A_309] {strides = array<i32>} : memref<10080xi32, #tpu.memory_space<vmem>>, vector<16xi32>,
      %swap3A_311 = arith.constant 16 : index
      %swap3A_312 = tpu.vector_load %arg16[%swap3A_311] {strides = array<i32>} : memref<80xi32, #tpu.memory_space<vmem>>, vector<16xi32>,
      tpu.vector_store %arg16[%swap3A_311], %get3A_310 {strides = array<i32>} : memref<80xi32, #tpu.memory_space<vmem>>, vector<16xi32>,
      %get3A_313 = arith.constant 16 : index
      %get3A_314 = tpu.vector_load %arg12[%get3A_313] {strides = array<i32>} : memref<10080xi32, #tpu.memory_space<vmem>>, vector<16xi32>,
      %swap3A_315 = arith.constant 16 : index
      %swap3A_316 = tpu.vector_load %arg17[%swap3A_315] {strides = array<i32>} : memref<80xi32, #tpu.memory_space<vmem>>, vector<16xi32>,
      tpu.vector_store %arg17[%swap3A_315], %get3A_314 {strides = array<i32>} : memref<80xi32, #tpu.memory_space<vmem>>, vector<16xi32>,
      %get3A_317 = arith.constant 32 : index
      %get3A_318 = tpu.vector_load %arg11[%get3A_317] {strides = array<i32>} : memref<10080xi32, #tpu.memory_space<vmem>>, vector<16xi32>,
      %swap3A_319 = arith.constant 32 : index
      %swap3A_320 = tpu.vector_load %arg16[%swap3A_319] {strides = array<i32>} : memref<80xi32, #tpu.memory_space<vmem>>, vector<16xi32>,
      tpu.vector_store %arg16[%swap3A_319], %get3A_318 {strides = array<i32>} : memref<80xi32, #tpu.memory_space<vmem>>, vector<16xi32>,
      %get3A_321 = arith.constant 32 : index
      %get3A_322 = tpu.vector_load %arg12[%get3A_321] {strides = array<i32>} : memref<10080xi32, #tpu.memory_space<vmem>>, vector<16xi32>,
      %swap3A_323 = arith.constant 32 : index
      %swap3A_324 = tpu.vector_load %arg17[%swap3A_323] {strides = array<i32>} : memref<80xi32, #tpu.memory_space<vmem>>, vector<16xi32>,
      tpu.vector_store %arg17[%swap3A_323], %get3A_322 {strides = array<i32>} : memref<80xi32, #tpu.memory_space<vmem>>, vector<16xi32>,
      %get3A_325 = arith.constant 48 : index
      %get3A_326 = tpu.vector_load %arg11[%get3A_325] {strides = array<i32>} : memref<10080xi32, #tpu.memory_space<vmem>>, vector<16xi32>,
      %swap3A_327 = arith.constant 48 : index
      %swap3A_328 = tpu.vector_load %arg16[%swap3A_327] {strides = array<i32>} : memref<80xi32, #tpu.memory_space<vmem>>, vector<16xi32>,
      tpu.vector_store %arg16[%swap3A_327], %get3A_326 {strides = array<i32>} : memref<80xi32, #tpu.memory_space<vmem>>, vector<16xi32>,
      %get3A_329 = arith.constant 48 : index
      %get3A_330 = tpu.vector_load %arg12[%get3A_329] {strides = array<i32>} : memref<10080xi32, #tpu.memory_space<vmem>>, vector<16xi32>,
      %swap3A_331 = arith.constant 48 : index
      %swap3A_332 = tpu.vector_load %arg17[%swap3A_331] {strides = array<i32>} : memref<80xi32, #tpu.memory_space<vmem>>, vector<16xi32>,
      tpu.vector_store %arg17[%swap3A_331], %get3A_330 {strides = array<i32>} : memref<80xi32, #tpu.memory_space<vmem>>, vector<16xi32>,
      %get3A_333 = arith.constant 64 : index
      %get3A_334 = tpu.vector_load %arg11[%get3A_333] {strides = array<i32>} : memref<10080xi32, #tpu.memory_space<vmem>>, vector<16xi32>,
      %swap3A_335 = arith.constant 64 : index
      %swap3A_336 = tpu.vector_load %arg16[%swap3A_335] {strides = array<i32>} : memref<80xi32, #tpu.memory_space<vmem>>, vector<16xi32>,
      tpu.vector_store %arg16[%swap3A_335], %get3A_334 {strides = array<i32>} : memref<80xi32, #tpu.memory_space<vmem>>, vector<16xi32>,
      %get3A_337 = arith.constant 64 : index
      %get3A_338 = tpu.vector_load %arg12[%get3A_337] {strides = array<i32>} : memref<10080xi32, #tpu.memory_space<vmem>>, vector<16xi32>,
      %swap3A_339 = arith.constant 64 : index
      %swap3A_340 = tpu.vector_load %arg17[%swap3A_339] {strides = array<i32>} : memref<80xi32, #tpu.memory_space<vmem>>, vector<16xi32>,
      tpu.vector_store %arg17[%swap3A_339], %get3A_338 {strides = array<i32>} : memref<80xi32, #tpu.memory_space<vmem>>, vector<16xi32>,
      %dma_start3A = arith.constant 0 : i32
      %dma_start3A_341 = arith.constant 0 : i32
      %dma_start3A_342 = tpu.memref_slice %arg6[%dma_start3A, %dma_start3A_341] : memref<10000x128xf32, #tpu.memory_space<hbm>> -> memref<10000x128xf32, #tpu.memory_space<hbm>>
      tpu.enqueue_indirect_dma source(%dma_start3A_342 : memref<10000x128xf32, #tpu.memory_space<hbm>>) target(%arg15 : memref<80x128xf32, #tpu.memory_space<vmem>>) offsets(%arg16 : memref<80xi32, #tpu.memory_space<vmem>>) semaphore(%arg24 : memref<!tpu.dma_semaphore, #tpu.memory_space<semaphore_mem>>)
    } else {
    }
    %jit3A_171 = arith.constant 2 : i32
    %div3A_172 = arith.divsi %select_n3A, %jit3A_171 : i32
    %sign3A_173 = arith.constant 0 : i32
    %sign3A_174 = arith.cmpi sgt, %select_n3A, %sign3A_173 : i32
    %sign3A_175 = arith.extui %sign3A_174 : i1 to i32
    %sign3A_176 = arith.constant 0 : i32
    %sign3A_177 = arith.cmpi slt, %select_n3A, %sign3A_176 : i32
    %sign3A_178 = arith.extui %sign3A_177 : i1 to i32
    %sign3A_179 = arith.subi %sign3A_175, %sign3A_178 : i32
    %sign3A_180 = arith.constant 0 : i32
    %sign3A_181 = arith.cmpi sgt, %jit3A_171, %sign3A_180 : i32
    %sign3A_182 = arith.extui %sign3A_181 : i1 to i32
    %sign3A_183 = arith.constant 0 : i32
    %sign3A_184 = arith.cmpi slt, %jit3A_171, %sign3A_183 : i32
    %sign3A_185 = arith.extui %sign3A_184 : i1 to i32
    %sign3A_186 = arith.subi %sign3A_182, %sign3A_185 : i32
    %ne3A_187 = arith.cmpi ne, %sign3A_179, %sign3A_186 : i32
    %rem3A_188 = arith.remsi %select_n3A, %jit3A_171 : i32
    %ne3A_189 = arith.constant 0 : i32
    %ne3A_190 = arith.cmpi ne, %rem3A_188, %ne3A_189 : i32
    %and3A_191 = arith.andi %ne3A_187, %ne3A_190 : i1
    %sub3A_192 = arith.constant 1 : i32
    %sub3A_193 = arith.subi %div3A_172, %sub3A_192 : i32
    %select_n3A_194 = arith.select %and3A_191, %sub3A_193, %div3A_172 : i32
    %while3A_195 = arith.constant 0 : i32
    %while3A_196 = arith.constant 0 : i32
    %while3A_197 = arith.subi %select_n3A_194, %while3A_195 : i32
    %while3A_198 = arith.addi %while3A_195, %while3A_197 : i32
    %while3A_199 = arith.constant 1 : i32
    %while3A_200 = arith.divsi %while3A_197, %while3A_199 : i32
    %while3A_201 = arith.muli %while3A_200, %while3A_199 : i32
    %while3A_202 = arith.addi %while3A_195, %while3A_201 : i32
    %while3A_203 = arith.constant 1 : i32
    %while3A_204 = scf.for %while3A_302 = %while3A_195 to %while3A_202 step %while3A_203 iter_args(%while3A_303 = %while3A_196) -> (i32)  : i32 {
      %mul3A_304 = arith.constant 2 : i32
      %mul3A_305 = arith.muli %mul3A_304, %while3A_302 : i32
      %mul3A_306 = arith.constant 80 : i32
      %mul3A_307 = arith.muli %mul3A_305, %mul3A_306 : i32
      %add3A_308 = arith.constant 80 : i32
      %add3A_309 = arith.addi %mul3A_307, %add3A_308 : i32
      %add3A_310 = arith.constant 0 : i32
      %add3A_311 = arith.addi %add3A_309, %add3A_310 : i32
      %get3A = arith.index_cast %add3A_311 : i32 to index
      %get3A_312 = tpu.vector_load %arg11[%get3A] {strides = array<i32>} : memref<10080xi32, #tpu.memory_space<vmem>>, vector<16xi32>,
      %swap3A_313 = arith.constant 0 : index
      %swap3A_314 = tpu.vector_load %arg19[%swap3A_313] {strides = array<i32>} : memref<80xi32, #tpu.memory_space<vmem>>, vector<16xi32>,
      tpu.vector_store %arg19[%swap3A_313], %get3A_312 {strides = array<i32>} : memref<80xi32, #tpu.memory_space<vmem>>, vector<16xi32>,
      %get3A_315 = arith.index_cast %add3A_311 : i32 to index
      %get3A_316 = tpu.vector_load %arg12[%get3A_315] {strides = array<i32>} : memref<10080xi32, #tpu.memory_space<vmem>>, vector<16xi32>,
      %swap3A_317 = arith.constant 0 : index
      %swap3A_318 = tpu.vector_load %arg20[%swap3A_317] {strides = array<i32>} : memref<80xi32, #tpu.memory_space<vmem>>, vector<16xi32>,
      tpu.vector_store %arg20[%swap3A_317], %get3A_316 {strides = array<i32>} : memref<80xi32, #tpu.memory_space<vmem>>, vector<16xi32>,
      %add3A_319 = arith.constant 16 : i32
      %add3A_320 = arith.addi %add3A_309, %add3A_319 : i32
      %get3A_321 = arith.index_cast %add3A_320 : i32 to index
      %get3A_322 = tpu.vector_load %arg11[%get3A_321] {strides = array<i32>} : memref<10080xi32, #tpu.memory_space<vmem>>, vector<16xi32>,
      %swap3A_323 = arith.constant 16 : index
      %swap3A_324 = tpu.vector_load %arg19[%swap3A_323] {strides = array<i32>} : memref<80xi32, #tpu.memory_space<vmem>>, vector<16xi32>,
      tpu.vector_store %arg19[%swap3A_323], %get3A_322 {strides = array<i32>} : memref<80xi32, #tpu.memory_space<vmem>>, vector<16xi32>,
      %get3A_325 = arith.index_cast %add3A_320 : i32 to index
      %get3A_326 = tpu.vector_load %arg12[%get3A_325] {strides = array<i32>} : memref<10080xi32, #tpu.memory_space<vmem>>, vector<16xi32>,
      %swap3A_327 = arith.constant 16 : index
      %swap3A_328 = tpu.vector_load %arg20[%swap3A_327] {strides = array<i32>} : memref<80xi32, #tpu.memory_space<vmem>>, vector<16xi32>,
      tpu.vector_store %arg20[%swap3A_327], %get3A_326 {strides = array<i32>} : memref<80xi32, #tpu.memory_space<vmem>>, vector<16xi32>,
      %add3A_329 = arith.constant 32 : i32
      %add3A_330 = arith.addi %add3A_309, %add3A_329 : i32
      %get3A_331 = arith.index_cast %add3A_330 : i32 to index
      %get3A_332 = tpu.vector_load %arg11[%get3A_331] {strides = array<i32>} : memref<10080xi32, #tpu.memory_space<vmem>>, vector<16xi32>,
      %swap3A_333 = arith.constant 32 : index
      %swap3A_334 = tpu.vector_load %arg19[%swap3A_333] {strides = array<i32>} : memref<80xi32, #tpu.memory_space<vmem>>, vector<16xi32>,
      tpu.vector_store %arg19[%swap3A_333], %get3A_332 {strides = array<i32>} : memref<80xi32, #tpu.memory_space<vmem>>, vector<16xi32>,
      %get3A_335 = arith.index_cast %add3A_330 : i32 to index
      %get3A_336 = tpu.vector_load %arg12[%get3A_335] {strides = array<i32>} : memref<10080xi32, #tpu.memory_space<vmem>>, vector<16xi32>,
      %swap3A_337 = arith.constant 32 : index
      %swap3A_338 = tpu.vector_load %arg20[%swap3A_337] {strides = array<i32>} : memref<80xi32, #tpu.memory_space<vmem>>, vector<16xi32>,
      tpu.vector_store %arg20[%swap3A_337], %get3A_336 {strides = array<i32>} : memref<80xi32, #tpu.memory_space<vmem>>, vector<16xi32>,
      %add3A_339 = arith.constant 48 : i32
      %add3A_340 = arith.addi %add3A_309, %add3A_339 : i32
      %get3A_341 = arith.index_cast %add3A_340 : i32 to index
      %get3A_342 = tpu.vector_load %arg11[%get3A_341] {strides = array<i32>} : memref<10080xi32, #tpu.memory_space<vmem>>, vector<16xi32>,
      %swap3A_343 = arith.constant 48 : index
      %swap3A_344 = tpu.vector_load %arg19[%swap3A_343] {strides = array<i32>} : memref<80xi32, #tpu.memory_space<vmem>>, vector<16xi32>,
      tpu.vector_store %arg19[%swap3A_343], %get3A_342 {strides = array<i32>} : memref<80xi32, #tpu.memory_space<vmem>>, vector<16xi32>,
      %get3A_345 = arith.index_cast %add3A_340 : i32 to index
      %get3A_346 = tpu.vector_load %arg12[%get3A_345] {strides = array<i32>} : memref<10080xi32, #tpu.memory_space<vmem>>, vector<16xi32>,
      %swap3A_347 = arith.constant 48 : index
      %swap3A_348 = tpu.vector_load %arg20[%swap3A_347] {strides = array<i32>} : memref<80xi32, #tpu.memory_space<vmem>>, vector<16xi32>,
      tpu.vector_store %arg20[%swap3A_347], %get3A_346 {strides = array<i32>} : memref<80xi32, #tpu.memory_space<vmem>>, vector<16xi32>,
      %add3A_349 = arith.constant 64 : i32
      %add3A_350 = arith.addi %add3A_309, %add3A_349 : i32
      %get3A_351 = arith.index_cast %add3A_350 : i32 to index
      %get3A_352 = tpu.vector_load %arg11[%get3A_351] {strides = array<i32>} : memref<10080xi32, #tpu.memory_space<vmem>>, vector<16xi32>,
      %swap3A_353 = arith.constant 64 : index
      %swap3A_354 = tpu.vector_load %arg19[%swap3A_353] {strides = array<i32>} : memref<80xi32, #tpu.memory_space<vmem>>, vector<16xi32>,
      tpu.vector_store %arg19[%swap3A_353], %get3A_352 {strides = array<i32>} : memref<80xi32, #tpu.memory_space<vmem>>, vector<16xi32>,
      %get3A_355 = arith.index_cast %add3A_350 : i32 to index
      %get3A_356 = tpu.vector_load %arg12[%get3A_355] {strides = array<i32>} : memref<10080xi32, #tpu.memory_space<vmem>>, vector<16xi32>,
      %swap3A_357 = arith.constant 64 : index
      %swap3A_358 = tpu.vector_load %arg20[%swap3A_357] {strides = array<i32>} : memref<80xi32, #tpu.memory_space<vmem>>, vector<16xi32>,
      tpu.vector_store %arg20[%swap3A_357], %get3A_356 {strides = array<i32>} : memref<80xi32, #tpu.memory_space<vmem>>, vector<16xi32>,
      %dma_start3A = arith.constant 0 : i32
      %dma_start3A_359 = arith.constant 0 : i32
      %dma_start3A_360 = tpu.memref_slice %arg6[%dma_start3A, %dma_start3A_359] : memref<10000x128xf32, #tpu.memory_space<hbm>> -> memref<10000x128xf32, #tpu.memory_space<hbm>>
      tpu.enqueue_indirect_dma source(%dma_start3A_360 : memref<10000x128xf32, #tpu.memory_space<hbm>>) target(%arg18 : memref<80x128xf32, #tpu.memory_space<vmem>>) offsets(%arg19 : memref<80xi32, #tpu.memory_space<vmem>>) semaphore(%arg25 : memref<!tpu.dma_semaphore, #tpu.memory_space<semaphore_mem>>)
      %dma_wait3A = arith.constant 0 : i32
      %dma_wait3A_361 = arith.constant 0 : i32
      %dma_wait3A_362 = tpu.memref_slice %arg6[%dma_wait3A, %dma_wait3A_361] : memref<10000x128xf32, #tpu.memory_space<hbm>> -> memref<10000x128xf32, #tpu.memory_space<hbm>>
      tpu.wait_indirect_dma semaphore(%arg24 : memref<!tpu.dma_semaphore, #tpu.memory_space<semaphore_mem>>) src(%dma_wait3A_362 : memref<10000x128xf32, #tpu.memory_space<hbm>>) dst(%arg15 : memref<80x128xf32, #tpu.memory_space<vmem>>)
      %scan3A_363 = arith.constant 0 : i32
      %scan3A_364 = arith.constant 0 : i32
      %scan3A_365 = arith.constant 80 : i32
      %scan3A_366 = arith.addi %scan3A_364, %scan3A_365 : i32
      %scan3A_367 = arith.constant 1 : i32
      %scan3A_368 = scf.for %scan3A_389 = %scan3A_364 to %scan3A_366 step %scan3A_367 iter_args(%scan3A_390 = %scan3A_363) -> (i32)  : i32 {
        %add3A_391 = arith.addi %mul3A_307, %scan3A_389 : i32
        %broadcast_in_dim3A_392 = vector.broadcast %add3A_391 : i32 to vector<16xi32>
        %gather3A = tpu.vector_load_idx %arg13[%broadcast_in_dim3A_392] : memref<10080xf32, #tpu.memory_space<vmem>>[vector<16xi32>], vector<16xf32>,
        %get3A_393 = arith.index_cast %scan3A_389 : i32 to index
        %get3A_394 = arith.constant 0 : index
        %get3A_395 = tpu.vector_load %arg15[%get3A_393, %get3A_394] {strides = array<i32>} : memref<80x128xf32, #tpu.memory_space<vmem>>, vector<16xf32>,
        %mul3A_396 = arith.mulf %get3A_395, %gather3A : vector<16xf32>
        %swap3A_397 = arith.index_cast %scan3A_389 : i32 to index
        %swap3A_398 = arith.constant 0 : index
        %swap3A_399 = tpu.vector_load %arg15[%swap3A_397, %swap3A_398] {strides = array<i32>} : memref<80x128xf32, #tpu.memory_space<vmem>>, vector<16xf32>,
        tpu.vector_store %arg15[%swap3A_397, %swap3A_398], %mul3A_396 {strides = array<i32>} : memref<80x128xf32, #tpu.memory_space<vmem>>, vector<16xf32>,
        %get3A_400 = arith.index_cast %scan3A_389 : i32 to index
        %get3A_401 = arith.constant 16 : index
        %get3A_402 = tpu.vector_load %arg15[%get3A_400, %get3A_401] {strides = array<i32>} : memref<80x128xf32, #tpu.memory_space<vmem>>, vector<16xf32>,
        %mul3A_403 = arith.mulf %get3A_402, %gather3A : vector<16xf32>
        %swap3A_404 = arith.index_cast %scan3A_389 : i32 to index
        %swap3A_405 = arith.constant 16 : index
        %swap3A_406 = tpu.vector_load %arg15[%swap3A_404, %swap3A_405] {strides = array<i32>} : memref<80x128xf32, #tpu.memory_space<vmem>>, vector<16xf32>,
        tpu.vector_store %arg15[%swap3A_404, %swap3A_405], %mul3A_403 {strides = array<i32>} : memref<80x128xf32, #tpu.memory_space<vmem>>, vector<16xf32>,
        %get3A_407 = arith.index_cast %scan3A_389 : i32 to index
        %get3A_408 = arith.constant 32 : index
        %get3A_409 = tpu.vector_load %arg15[%get3A_407, %get3A_408] {strides = array<i32>} : memref<80x128xf32, #tpu.memory_space<vmem>>, vector<16xf32>,
        %mul3A_410 = arith.mulf %get3A_409, %gather3A : vector<16xf32>
        %swap3A_411 = arith.index_cast %scan3A_389 : i32 to index
        %swap3A_412 = arith.constant 32 : index
        %swap3A_413 = tpu.vector_load %arg15[%swap3A_411, %swap3A_412] {strides = array<i32>} : memref<80x128xf32, #tpu.memory_space<vmem>>, vector<16xf32>,
        tpu.vector_store %arg15[%swap3A_411, %swap3A_412], %mul3A_410 {strides = array<i32>} : memref<80x128xf32, #tpu.memory_space<vmem>>, vector<16xf32>,
        %get3A_414 = arith.index_cast %scan3A_389 : i32 to index
        %get3A_415 = arith.constant 48 : index
        %get3A_416 = tpu.vector_load %arg15[%get3A_414, %get3A_415] {strides = array<i32>} : memref<80x128xf32, #tpu.memory_space<vmem>>, vector<16xf32>,
        %mul3A_417 = arith.mulf %get3A_416, %gather3A : vector<16xf32>
        %swap3A_418 = arith.index_cast %scan3A_389 : i32 to index
        %swap3A_419 = arith.constant 48 : index
        %swap3A_420 = tpu.vector_load %arg15[%swap3A_418, %swap3A_419] {strides = array<i32>} : memref<80x128xf32, #tpu.memory_space<vmem>>, vector<16xf32>,
        tpu.vector_store %arg15[%swap3A_418, %swap3A_419], %mul3A_417 {strides = array<i32>} : memref<80x128xf32, #tpu.memory_space<vmem>>, vector<16xf32>,
        %get3A_421 = arith.index_cast %scan3A_389 : i32 to index
        %get3A_422 = arith.constant 64 : index
        %get3A_423 = tpu.vector_load %arg15[%get3A_421, %get3A_422] {strides = array<i32>} : memref<80x128xf32, #tpu.memory_space<vmem>>, vector<16xf32>,
        %mul3A_424 = arith.mulf %get3A_423, %gather3A : vector<16xf32>
        %swap3A_425 = arith.index_cast %scan3A_389 : i32 to index
        %swap3A_426 = arith.constant 64 : index
        %swap3A_427 = tpu.vector_load %arg15[%swap3A_425, %swap3A_426] {strides = array<i32>} : memref<80x128xf32, #tpu.memory_space<vmem>>, vector<16xf32>,
        tpu.vector_store %arg15[%swap3A_425, %swap3A_426], %mul3A_424 {strides = array<i32>} : memref<80x128xf32, #tpu.memory_space<vmem>>, vector<16xf32>,
        %get3A_428 = arith.index_cast %scan3A_389 : i32 to index
        %get3A_429 = arith.constant 80 : index
        %get3A_430 = tpu.vector_load %arg15[%get3A_428, %get3A_429] {strides = array<i32>} : memref<80x128xf32, #tpu.memory_space<vmem>>, vector<16xf32>,
        %mul3A_431 = arith.mulf %get3A_430, %gather3A : vector<16xf32>
        %swap3A_432 = arith.index_cast %scan3A_389 : i32 to index
        %swap3A_433 = arith.constant 80 : index
        %swap3A_434 = tpu.vector_load %arg15[%swap3A_432, %swap3A_433] {strides = array<i32>} : memref<80x128xf32, #tpu.memory_space<vmem>>, vector<16xf32>,
        tpu.vector_store %arg15[%swap3A_432, %swap3A_433], %mul3A_431 {strides = array<i32>} : memref<80x128xf32, #tpu.memory_space<vmem>>, vector<16xf32>,
        %get3A_435 = arith.index_cast %scan3A_389 : i32 to index
        %get3A_436 = arith.constant 96 : index
        %get3A_437 = tpu.vector_load %arg15[%get3A_435, %get3A_436] {strides = array<i32>} : memref<80x128xf32, #tpu.memory_space<vmem>>, vector<16xf32>,
        %mul3A_438 = arith.mulf %get3A_437, %gather3A : vector<16xf32>
        %swap3A_439 = arith.index_cast %scan3A_389 : i32 to index
        %swap3A_440 = arith.constant 96 : index
        %swap3A_441 = tpu.vector_load %arg15[%swap3A_439, %swap3A_440] {strides = array<i32>} : memref<80x128xf32, #tpu.memory_space<vmem>>, vector<16xf32>,
        tpu.vector_store %arg15[%swap3A_439, %swap3A_440], %mul3A_438 {strides = array<i32>} : memref<80x128xf32, #tpu.memory_space<vmem>>, vector<16xf32>,
        %get3A_442 = arith.index_cast %scan3A_389 : i32 to index
        %get3A_443 = arith.constant 112 : index
        %get3A_444 = tpu.vector_load %arg15[%get3A_442, %get3A_443] {strides = array<i32>} : memref<80x128xf32, #tpu.memory_space<vmem>>, vector<16xf32>,
        %mul3A_445 = arith.mulf %get3A_444, %gather3A : vector<16xf32>
        %swap3A_446 = arith.index_cast %scan3A_389 : i32 to index
        %swap3A_447 = arith.constant 112 : index
        %swap3A_448 = tpu.vector_load %arg15[%swap3A_446, %swap3A_447] {strides = array<i32>} : memref<80x128xf32, #tpu.memory_space<vmem>>, vector<16xf32>,
        tpu.vector_store %arg15[%swap3A_446, %swap3A_447], %mul3A_445 {strides = array<i32>} : memref<80x128xf32, #tpu.memory_space<vmem>>, vector<16xf32>,
        %scan3A_449 = arith.constant 0 : i32
        scf.yield %scan3A_449 : i32
      }
      %scan3A_369 = arith.constant 80 : i32
      "tpu.region"() ({
        %run_scoped3A = tpu.sem_alloc : memref<!tpu.dma_semaphore, #tpu.memory_space<semaphore_mem>>
        %dma_start3A_389 = arith.constant 0 : i32
        %dma_start3A_390 = arith.constant 0 : i32
        %dma_start3A_391 = tpu.memref_slice %arg22[%dma_start3A_389, %dma_start3A_390] : memref<5008x128xf32, #tpu.memory_space<vmem_shared>> -> memref<5008x128xf32, #tpu.memory_space<vmem_shared>>
        tpu.enqueue_indirect_dma source(%arg15 : memref<80x128xf32, #tpu.memory_space<vmem>>) target(%dma_start3A_391 : memref<5008x128xf32, #tpu.memory_space<vmem_shared>>) offsets(%arg17 : memref<80xi32, #tpu.memory_space<vmem>>) semaphore(%run_scoped3A : memref<!tpu.dma_semaphore, #tpu.memory_space<semaphore_mem>>) {add = true}
        %dma_wait3A_392 = arith.constant 0 : i32
        %dma_wait3A_393 = arith.constant 0 : i32
        %dma_wait3A_394 = tpu.memref_slice %arg22[%dma_wait3A_392, %dma_wait3A_393] : memref<5008x128xf32, #tpu.memory_space<vmem_shared>> -> memref<5008x128xf32, #tpu.memory_space<vmem_shared>>
        tpu.wait_indirect_dma semaphore(%run_scoped3A : memref<!tpu.dma_semaphore, #tpu.memory_space<semaphore_mem>>) src(%arg15 : memref<80x128xf32, #tpu.memory_space<vmem>>) dst(%dma_wait3A_394 : memref<5008x128xf32, #tpu.memory_space<vmem_shared>>)
        tpu.yield
      }) : () -> ()
      %mul3A_370 = arith.constant 2 : i32
      %mul3A_371 = arith.muli %mul3A_370, %while3A_302 : i32
      %add3A_372 = arith.constant 2 : i32
      %add3A_373 = arith.addi %mul3A_371, %add3A_372 : i32
      %lt3A_374 = arith.cmpi slt, %add3A_373, %select_n3A : i32
      %convert_element_type3A_375 = arith.extui %lt3A_374 : i1 to i32
      %cond3A_376 = arith.constant 0 : i32
      %cond3A_377 = arith.cmpi ne, %convert_element_type3A_375, %cond3A_376 : i32
      scf.if %cond3A_377 {
        %add3A_389 = arith.constant 160 : i32
        %add3A_390 = arith.addi %mul3A_307, %add3A_389 : i32
        %add3A_391 = arith.constant 0 : i32
        %add3A_392 = arith.addi %add3A_390, %add3A_391 : i32
        %get3A_393 = arith.index_cast %add3A_392 : i32 to index
        %get3A_394 = tpu.vector_load %arg11[%get3A_393] {strides = array<i32>} : memref<10080xi32, #tpu.memory_space<vmem>>, vector<16xi32>,
        %swap3A_395 = arith.constant 0 : index
        %swap3A_396 = tpu.vector_load %arg16[%swap3A_395] {strides = array<i32>} : memref<80xi32, #tpu.memory_space<vmem>>, vector<16xi32>,
        tpu.vector_store %arg16[%swap3A_395], %get3A_394 {strides = array<i32>} : memref<80xi32, #tpu.memory_space<vmem>>, vector<16xi32>,
        %get3A_397 = arith.index_cast %add3A_392 : i32 to index
        %get3A_398 = tpu.vector_load %arg12[%get3A_397] {strides = array<i32>} : memref<10080xi32, #tpu.memory_space<vmem>>, vector<16xi32>,
        %swap3A_399 = arith.constant 0 : index
        %swap3A_400 = tpu.vector_load %arg17[%swap3A_399] {strides = array<i32>} : memref<80xi32, #tpu.memory_space<vmem>>, vector<16xi32>,
        tpu.vector_store %arg17[%swap3A_399], %get3A_398 {strides = array<i32>} : memref<80xi32, #tpu.memory_space<vmem>>, vector<16xi32>,
        %add3A_401 = arith.constant 16 : i32
        %add3A_402 = arith.addi %add3A_390, %add3A_401 : i32
        %get3A_403 = arith.index_cast %add3A_402 : i32 to index
        %get3A_404 = tpu.vector_load %arg11[%get3A_403] {strides = array<i32>} : memref<10080xi32, #tpu.memory_space<vmem>>, vector<16xi32>,
        %swap3A_405 = arith.constant 16 : index
        %swap3A_406 = tpu.vector_load %arg16[%swap3A_405] {strides = array<i32>} : memref<80xi32, #tpu.memory_space<vmem>>, vector<16xi32>,
        tpu.vector_store %arg16[%swap3A_405], %get3A_404 {strides = array<i32>} : memref<80xi32, #tpu.memory_space<vmem>>, vector<16xi32>,
        %get3A_407 = arith.index_cast %add3A_402 : i32 to index
        %get3A_408 = tpu.vector_load %arg12[%get3A_407] {strides = array<i32>} : memref<10080xi32, #tpu.memory_space<vmem>>, vector<16xi32>,
        %swap3A_409 = arith.constant 16 : index
        %swap3A_410 = tpu.vector_load %arg17[%swap3A_409] {strides = array<i32>} : memref<80xi32, #tpu.memory_space<vmem>>, vector<16xi32>,
        tpu.vector_store %arg17[%swap3A_409], %get3A_408 {strides = array<i32>} : memref<80xi32, #tpu.memory_space<vmem>>, vector<16xi32>,
        %add3A_411 = arith.constant 32 : i32
        %add3A_412 = arith.addi %add3A_390, %add3A_411 : i32
        %get3A_413 = arith.index_cast %add3A_412 : i32 to index
        %get3A_414 = tpu.vector_load %arg11[%get3A_413] {strides = array<i32>} : memref<10080xi32, #tpu.memory_space<vmem>>, vector<16xi32>,
        %swap3A_415 = arith.constant 32 : index
        %swap3A_416 = tpu.vector_load %arg16[%swap3A_415] {strides = array<i32>} : memref<80xi32, #tpu.memory_space<vmem>>, vector<16xi32>,
        tpu.vector_store %arg16[%swap3A_415], %get3A_414 {strides = array<i32>} : memref<80xi32, #tpu.memory_space<vmem>>, vector<16xi32>,
        %get3A_417 = arith.index_cast %add3A_412 : i32 to index
        %get3A_418 = tpu.vector_load %arg12[%get3A_417] {strides = array<i32>} : memref<10080xi32, #tpu.memory_space<vmem>>, vector<16xi32>,
        %swap3A_419 = arith.constant 32 : index
        %swap3A_420 = tpu.vector_load %arg17[%swap3A_419] {strides = array<i32>} : memref<80xi32, #tpu.memory_space<vmem>>, vector<16xi32>,
        tpu.vector_store %arg17[%swap3A_419], %get3A_418 {strides = array<i32>} : memref<80xi32, #tpu.memory_space<vmem>>, vector<16xi32>,
        %add3A_421 = arith.constant 48 : i32
        %add3A_422 = arith.addi %add3A_390, %add3A_421 : i32
        %get3A_423 = arith.index_cast %add3A_422 : i32 to index
        %get3A_424 = tpu.vector_load %arg11[%get3A_423] {strides = array<i32>} : memref<10080xi32, #tpu.memory_space<vmem>>, vector<16xi32>,
        %swap3A_425 = arith.constant 48 : index
        %swap3A_426 = tpu.vector_load %arg16[%swap3A_425] {strides = array<i32>} : memref<80xi32, #tpu.memory_space<vmem>>, vector<16xi32>,
        tpu.vector_store %arg16[%swap3A_425], %get3A_424 {strides = array<i32>} : memref<80xi32, #tpu.memory_space<vmem>>, vector<16xi32>,
        %get3A_427 = arith.index_cast %add3A_422 : i32 to index
        %get3A_428 = tpu.vector_load %arg12[%get3A_427] {strides = array<i32>} : memref<10080xi32, #tpu.memory_space<vmem>>, vector<16xi32>,
        %swap3A_429 = arith.constant 48 : index
        %swap3A_430 = tpu.vector_load %arg17[%swap3A_429] {strides = array<i32>} : memref<80xi32, #tpu.memory_space<vmem>>, vector<16xi32>,
        tpu.vector_store %arg17[%swap3A_429], %get3A_428 {strides = array<i32>} : memref<80xi32, #tpu.memory_space<vmem>>, vector<16xi32>,
        %add3A_431 = arith.constant 64 : i32
        %add3A_432 = arith.addi %add3A_390, %add3A_431 : i32
        %get3A_433 = arith.index_cast %add3A_432 : i32 to index
        %get3A_434 = tpu.vector_load %arg11[%get3A_433] {strides = array<i32>} : memref<10080xi32, #tpu.memory_space<vmem>>, vector<16xi32>,
        %swap3A_435 = arith.constant 64 : index
        %swap3A_436 = tpu.vector_load %arg16[%swap3A_435] {strides = array<i32>} : memref<80xi32, #tpu.memory_space<vmem>>, vector<16xi32>,
        tpu.vector_store %arg16[%swap3A_435], %get3A_434 {strides = array<i32>} : memref<80xi32, #tpu.memory_space<vmem>>, vector<16xi32>,
        %get3A_437 = arith.index_cast %add3A_432 : i32 to index
        %get3A_438 = tpu.vector_load %arg12[%get3A_437] {strides = array<i32>} : memref<10080xi32, #tpu.memory_space<vmem>>, vector<16xi32>,
        %swap3A_439 = arith.constant 64 : index
        %swap3A_440 = tpu.vector_load %arg17[%swap3A_439] {strides = array<i32>} : memref<80xi32, #tpu.memory_space<vmem>>, vector<16xi32>,
        tpu.vector_store %arg17[%swap3A_439], %get3A_438 {strides = array<i32>} : memref<80xi32, #tpu.memory_space<vmem>>, vector<16xi32>,
        %dma_start3A_441 = arith.constant 0 : i32
        %dma_start3A_442 = arith.constant 0 : i32
        %dma_start3A_443 = tpu.memref_slice %arg6[%dma_start3A_441, %dma_start3A_442] : memref<10000x128xf32, #tpu.memory_space<hbm>> -> memref<10000x128xf32, #tpu.memory_space<hbm>>
        tpu.enqueue_indirect_dma source(%dma_start3A_443 : memref<10000x128xf32, #tpu.memory_space<hbm>>) target(%arg15 : memref<80x128xf32, #tpu.memory_space<vmem>>) offsets(%arg16 : memref<80xi32, #tpu.memory_space<vmem>>) semaphore(%arg24 : memref<!tpu.dma_semaphore, #tpu.memory_space<semaphore_mem>>)
      } else {
      }
      %dma_wait3A_378 = arith.constant 0 : i32
      %dma_wait3A_379 = arith.constant 0 : i32
      %dma_wait3A_380 = tpu.memref_slice %arg6[%dma_wait3A_378, %dma_wait3A_379] : memref<10000x128xf32, #tpu.memory_space<hbm>> -> memref<10000x128xf32, #tpu.memory_space<hbm>>
      tpu.wait_indirect_dma semaphore(%arg25 : memref<!tpu.dma_semaphore, #tpu.memory_space<semaphore_mem>>) src(%dma_wait3A_380 : memref<10000x128xf32, #tpu.memory_space<hbm>>) dst(%arg18 : memref<80x128xf32, #tpu.memory_space<vmem>>)
      %scan3A_381 = arith.constant 0 : i32
      %scan3A_382 = arith.constant 0 : i32
      %scan3A_383 = arith.constant 80 : i32
      %scan3A_384 = arith.addi %scan3A_382, %scan3A_383 : i32
      %scan3A_385 = arith.constant 1 : i32
      %scan3A_386 = scf.for %scan3A_389 = %scan3A_382 to %scan3A_384 step %scan3A_385 iter_args(%scan3A_390 = %scan3A_381) -> (i32)  : i32 {
        %add3A_391 = arith.addi %add3A_309, %scan3A_389 : i32
        %broadcast_in_dim3A_392 = vector.broadcast %add3A_391 : i32 to vector<16xi32>
        %gather3A = tpu.vector_load_idx %arg13[%broadcast_in_dim3A_392] : memref<10080xf32, #tpu.memory_space<vmem>>[vector<16xi32>], vector<16xf32>,
        %get3A_393 = arith.index_cast %scan3A_389 : i32 to index
        %get3A_394 = arith.constant 0 : index
        %get3A_395 = tpu.vector_load %arg18[%get3A_393, %get3A_394] {strides = array<i32>} : memref<80x128xf32, #tpu.memory_space<vmem>>, vector<16xf32>,
        %mul3A_396 = arith.mulf %get3A_395, %gather3A : vector<16xf32>
        %swap3A_397 = arith.index_cast %scan3A_389 : i32 to index
        %swap3A_398 = arith.constant 0 : index
        %swap3A_399 = tpu.vector_load %arg18[%swap3A_397, %swap3A_398] {strides = array<i32>} : memref<80x128xf32, #tpu.memory_space<vmem>>, vector<16xf32>,
        tpu.vector_store %arg18[%swap3A_397, %swap3A_398], %mul3A_396 {strides = array<i32>} : memref<80x128xf32, #tpu.memory_space<vmem>>, vector<16xf32>,
        %get3A_400 = arith.index_cast %scan3A_389 : i32 to index
        %get3A_401 = arith.constant 16 : index
        %get3A_402 = tpu.vector_load %arg18[%get3A_400, %get3A_401] {strides = array<i32>} : memref<80x128xf32, #tpu.memory_space<vmem>>, vector<16xf32>,
        %mul3A_403 = arith.mulf %get3A_402, %gather3A : vector<16xf32>
        %swap3A_404 = arith.index_cast %scan3A_389 : i32 to index
        %swap3A_405 = arith.constant 16 : index
        %swap3A_406 = tpu.vector_load %arg18[%swap3A_404, %swap3A_405] {strides = array<i32>} : memref<80x128xf32, #tpu.memory_space<vmem>>, vector<16xf32>,
        tpu.vector_store %arg18[%swap3A_404, %swap3A_405], %mul3A_403 {strides = array<i32>} : memref<80x128xf32, #tpu.memory_space<vmem>>, vector<16xf32>,
        %get3A_407 = arith.index_cast %scan3A_389 : i32 to index
        %get3A_408 = arith.constant 32 : index
        %get3A_409 = tpu.vector_load %arg18[%get3A_407, %get3A_408] {strides = array<i32>} : memref<80x128xf32, #tpu.memory_space<vmem>>, vector<16xf32>,
        %mul3A_410 = arith.mulf %get3A_409, %gather3A : vector<16xf32>
        %swap3A_411 = arith.index_cast %scan3A_389 : i32 to index
        %swap3A_412 = arith.constant 32 : index
        %swap3A_413 = tpu.vector_load %arg18[%swap3A_411, %swap3A_412] {strides = array<i32>} : memref<80x128xf32, #tpu.memory_space<vmem>>, vector<16xf32>,
        tpu.vector_store %arg18[%swap3A_411, %swap3A_412], %mul3A_410 {strides = array<i32>} : memref<80x128xf32, #tpu.memory_space<vmem>>, vector<16xf32>,
        %get3A_414 = arith.index_cast %scan3A_389 : i32 to index
        %get3A_415 = arith.constant 48 : index
        %get3A_416 = tpu.vector_load %arg18[%get3A_414, %get3A_415] {strides = array<i32>} : memref<80x128xf32, #tpu.memory_space<vmem>>, vector<16xf32>,
        %mul3A_417 = arith.mulf %get3A_416, %gather3A : vector<16xf32>
        %swap3A_418 = arith.index_cast %scan3A_389 : i32 to index
        %swap3A_419 = arith.constant 48 : index
        %swap3A_420 = tpu.vector_load %arg18[%swap3A_418, %swap3A_419] {strides = array<i32>} : memref<80x128xf32, #tpu.memory_space<vmem>>, vector<16xf32>,
        tpu.vector_store %arg18[%swap3A_418, %swap3A_419], %mul3A_417 {strides = array<i32>} : memref<80x128xf32, #tpu.memory_space<vmem>>, vector<16xf32>,
        %get3A_421 = arith.index_cast %scan3A_389 : i32 to index
        %get3A_422 = arith.constant 64 : index
        %get3A_423 = tpu.vector_load %arg18[%get3A_421, %get3A_422] {strides = array<i32>} : memref<80x128xf32, #tpu.memory_space<vmem>>, vector<16xf32>,
        %mul3A_424 = arith.mulf %get3A_423, %gather3A : vector<16xf32>
        %swap3A_425 = arith.index_cast %scan3A_389 : i32 to index
        %swap3A_426 = arith.constant 64 : index
        %swap3A_427 = tpu.vector_load %arg18[%swap3A_425, %swap3A_426] {strides = array<i32>} : memref<80x128xf32, #tpu.memory_space<vmem>>, vector<16xf32>,
        tpu.vector_store %arg18[%swap3A_425, %swap3A_426], %mul3A_424 {strides = array<i32>} : memref<80x128xf32, #tpu.memory_space<vmem>>, vector<16xf32>,
        %get3A_428 = arith.index_cast %scan3A_389 : i32 to index
        %get3A_429 = arith.constant 80 : index
        %get3A_430 = tpu.vector_load %arg18[%get3A_428, %get3A_429] {strides = array<i32>} : memref<80x128xf32, #tpu.memory_space<vmem>>, vector<16xf32>,
        %mul3A_431 = arith.mulf %get3A_430, %gather3A : vector<16xf32>
        %swap3A_432 = arith.index_cast %scan3A_389 : i32 to index
        %swap3A_433 = arith.constant 80 : index
        %swap3A_434 = tpu.vector_load %arg18[%swap3A_432, %swap3A_433] {strides = array<i32>} : memref<80x128xf32, #tpu.memory_space<vmem>>, vector<16xf32>,
        tpu.vector_store %arg18[%swap3A_432, %swap3A_433], %mul3A_431 {strides = array<i32>} : memref<80x128xf32, #tpu.memory_space<vmem>>, vector<16xf32>,
        %get3A_435 = arith.index_cast %scan3A_389 : i32 to index
        %get3A_436 = arith.constant 96 : index
        %get3A_437 = tpu.vector_load %arg18[%get3A_435, %get3A_436] {strides = array<i32>} : memref<80x128xf32, #tpu.memory_space<vmem>>, vector<16xf32>,
        %mul3A_438 = arith.mulf %get3A_437, %gather3A : vector<16xf32>
        %swap3A_439 = arith.index_cast %scan3A_389 : i32 to index
        %swap3A_440 = arith.constant 96 : index
        %swap3A_441 = tpu.vector_load %arg18[%swap3A_439, %swap3A_440] {strides = array<i32>} : memref<80x128xf32, #tpu.memory_space<vmem>>, vector<16xf32>,
        tpu.vector_store %arg18[%swap3A_439, %swap3A_440], %mul3A_438 {strides = array<i32>} : memref<80x128xf32, #tpu.memory_space<vmem>>, vector<16xf32>,
        %get3A_442 = arith.index_cast %scan3A_389 : i32 to index
        %get3A_443 = arith.constant 112 : index
        %get3A_444 = tpu.vector_load %arg18[%get3A_442, %get3A_443] {strides = array<i32>} : memref<80x128xf32, #tpu.memory_space<vmem>>, vector<16xf32>,
        %mul3A_445 = arith.mulf %get3A_444, %gather3A : vector<16xf32>
        %swap3A_446 = arith.index_cast %scan3A_389 : i32 to index
        %swap3A_447 = arith.constant 112 : index
        %swap3A_448 = tpu.vector_load %arg18[%swap3A_446, %swap3A_447] {strides = array<i32>} : memref<80x128xf32, #tpu.memory_space<vmem>>, vector<16xf32>,
        tpu.vector_store %arg18[%swap3A_446, %swap3A_447], %mul3A_445 {strides = array<i32>} : memref<80x128xf32, #tpu.memory_space<vmem>>, vector<16xf32>,
        %scan3A_449 = arith.constant 0 : i32
        scf.yield %scan3A_449 : i32
      }
      %scan3A_387 = arith.constant 80 : i32
      "tpu.region"() ({
        %run_scoped3A = tpu.sem_alloc : memref<!tpu.dma_semaphore, #tpu.memory_space<semaphore_mem>>
        %dma_start3A_389 = arith.constant 0 : i32
        %dma_start3A_390 = arith.constant 0 : i32
        %dma_start3A_391 = tpu.memref_slice %arg22[%dma_start3A_389, %dma_start3A_390] : memref<5008x128xf32, #tpu.memory_space<vmem_shared>> -> memref<5008x128xf32, #tpu.memory_space<vmem_shared>>
        tpu.enqueue_indirect_dma source(%arg18 : memref<80x128xf32, #tpu.memory_space<vmem>>) target(%dma_start3A_391 : memref<5008x128xf32, #tpu.memory_space<vmem_shared>>) offsets(%arg20 : memref<80xi32, #tpu.memory_space<vmem>>) semaphore(%run_scoped3A : memref<!tpu.dma_semaphore, #tpu.memory_space<semaphore_mem>>) {add = true}
        %dma_wait3A_392 = arith.constant 0 : i32
        %dma_wait3A_393 = arith.constant 0 : i32
        %dma_wait3A_394 = tpu.memref_slice %arg22[%dma_wait3A_392, %dma_wait3A_393] : memref<5008x128xf32, #tpu.memory_space<vmem_shared>> -> memref<5008x128xf32, #tpu.memory_space<vmem_shared>>
        tpu.wait_indirect_dma semaphore(%run_scoped3A : memref<!tpu.dma_semaphore, #tpu.memory_space<semaphore_mem>>) src(%arg18 : memref<80x128xf32, #tpu.memory_space<vmem>>) dst(%dma_wait3A_394 : memref<5008x128xf32, #tpu.memory_space<vmem_shared>>)
        tpu.yield
      }) : () -> ()
      %while3A_388 = arith.constant 0 : i32
      scf.yield %while3A_388 : i32
    }
    %while3A_205 = arith.constant 1 : i32
    %while3A_206 = scf.for %while3A_302 = %while3A_202 to %while3A_198 step %while3A_205 iter_args(%while3A_303 = %while3A_204) -> (i32)  : i32 {
      %mul3A_304 = arith.constant 2 : i32
      %mul3A_305 = arith.muli %mul3A_304, %while3A_302 : i32
      %mul3A_306 = arith.constant 80 : i32
      %mul3A_307 = arith.muli %mul3A_305, %mul3A_306 : i32
      %add3A_308 = arith.constant 80 : i32
      %add3A_309 = arith.addi %mul3A_307, %add3A_308 : i32
      %add3A_310 = arith.constant 0 : i32
      %add3A_311 = arith.addi %add3A_309, %add3A_310 : i32
      %get3A = arith.index_cast %add3A_311 : i32 to index
      %get3A_312 = tpu.vector_load %arg11[%get3A] {strides = array<i32>} : memref<10080xi32, #tpu.memory_space<vmem>>, vector<16xi32>,
      %swap3A_313 = arith.constant 0 : index
      %swap3A_314 = tpu.vector_load %arg19[%swap3A_313] {strides = array<i32>} : memref<80xi32, #tpu.memory_space<vmem>>, vector<16xi32>,
      tpu.vector_store %arg19[%swap3A_313], %get3A_312 {strides = array<i32>} : memref<80xi32, #tpu.memory_space<vmem>>, vector<16xi32>,
      %get3A_315 = arith.index_cast %add3A_311 : i32 to index
      %get3A_316 = tpu.vector_load %arg12[%get3A_315] {strides = array<i32>} : memref<10080xi32, #tpu.memory_space<vmem>>, vector<16xi32>,
      %swap3A_317 = arith.constant 0 : index
      %swap3A_318 = tpu.vector_load %arg20[%swap3A_317] {strides = array<i32>} : memref<80xi32, #tpu.memory_space<vmem>>, vector<16xi32>,
      tpu.vector_store %arg20[%swap3A_317], %get3A_316 {strides = array<i32>} : memref<80xi32, #tpu.memory_space<vmem>>, vector<16xi32>,
      %add3A_319 = arith.constant 16 : i32
      %add3A_320 = arith.addi %add3A_309, %add3A_319 : i32
      %get3A_321 = arith.index_cast %add3A_320 : i32 to index
      %get3A_322 = tpu.vector_load %arg11[%get3A_321] {strides = array<i32>} : memref<10080xi32, #tpu.memory_space<vmem>>, vector<16xi32>,
      %swap3A_323 = arith.constant 16 : index
      %swap3A_324 = tpu.vector_load %arg19[%swap3A_323] {strides = array<i32>} : memref<80xi32, #tpu.memory_space<vmem>>, vector<16xi32>,
      tpu.vector_store %arg19[%swap3A_323], %get3A_322 {strides = array<i32>} : memref<80xi32, #tpu.memory_space<vmem>>, vector<16xi32>,
      %get3A_325 = arith.index_cast %add3A_320 : i32 to index
      %get3A_326 = tpu.vector_load %arg12[%get3A_325] {strides = array<i32>} : memref<10080xi32, #tpu.memory_space<vmem>>, vector<16xi32>,
      %swap3A_327 = arith.constant 16 : index
      %swap3A_328 = tpu.vector_load %arg20[%swap3A_327] {strides = array<i32>} : memref<80xi32, #tpu.memory_space<vmem>>, vector<16xi32>,
      tpu.vector_store %arg20[%swap3A_327], %get3A_326 {strides = array<i32>} : memref<80xi32, #tpu.memory_space<vmem>>, vector<16xi32>,
      %add3A_329 = arith.constant 32 : i32
      %add3A_330 = arith.addi %add3A_309, %add3A_329 : i32
      %get3A_331 = arith.index_cast %add3A_330 : i32 to index
      %get3A_332 = tpu.vector_load %arg11[%get3A_331] {strides = array<i32>} : memref<10080xi32, #tpu.memory_space<vmem>>, vector<16xi32>,
      %swap3A_333 = arith.constant 32 : index
      %swap3A_334 = tpu.vector_load %arg19[%swap3A_333] {strides = array<i32>} : memref<80xi32, #tpu.memory_space<vmem>>, vector<16xi32>,
      tpu.vector_store %arg19[%swap3A_333], %get3A_332 {strides = array<i32>} : memref<80xi32, #tpu.memory_space<vmem>>, vector<16xi32>,
      %get3A_335 = arith.index_cast %add3A_330 : i32 to index
      %get3A_336 = tpu.vector_load %arg12[%get3A_335] {strides = array<i32>} : memref<10080xi32, #tpu.memory_space<vmem>>, vector<16xi32>,
      %swap3A_337 = arith.constant 32 : index
      %swap3A_338 = tpu.vector_load %arg20[%swap3A_337] {strides = array<i32>} : memref<80xi32, #tpu.memory_space<vmem>>, vector<16xi32>,
      tpu.vector_store %arg20[%swap3A_337], %get3A_336 {strides = array<i32>} : memref<80xi32, #tpu.memory_space<vmem>>, vector<16xi32>,
      %add3A_339 = arith.constant 48 : i32
      %add3A_340 = arith.addi %add3A_309, %add3A_339 : i32
      %get3A_341 = arith.index_cast %add3A_340 : i32 to index
      %get3A_342 = tpu.vector_load %arg11[%get3A_341] {strides = array<i32>} : memref<10080xi32, #tpu.memory_space<vmem>>, vector<16xi32>,
      %swap3A_343 = arith.constant 48 : index
      %swap3A_344 = tpu.vector_load %arg19[%swap3A_343] {strides = array<i32>} : memref<80xi32, #tpu.memory_space<vmem>>, vector<16xi32>,
      tpu.vector_store %arg19[%swap3A_343], %get3A_342 {strides = array<i32>} : memref<80xi32, #tpu.memory_space<vmem>>, vector<16xi32>,
      %get3A_345 = arith.index_cast %add3A_340 : i32 to index
      %get3A_346 = tpu.vector_load %arg12[%get3A_345] {strides = array<i32>} : memref<10080xi32, #tpu.memory_space<vmem>>, vector<16xi32>,
      %swap3A_347 = arith.constant 48 : index
      %swap3A_348 = tpu.vector_load %arg20[%swap3A_347] {strides = array<i32>} : memref<80xi32, #tpu.memory_space<vmem>>, vector<16xi32>,
      tpu.vector_store %arg20[%swap3A_347], %get3A_346 {strides = array<i32>} : memref<80xi32, #tpu.memory_space<vmem>>, vector<16xi32>,
      %add3A_349 = arith.constant 64 : i32
      %add3A_350 = arith.addi %add3A_309, %add3A_349 : i32
      %get3A_351 = arith.index_cast %add3A_350 : i32 to index
      %get3A_352 = tpu.vector_load %arg11[%get3A_351] {strides = array<i32>} : memref<10080xi32, #tpu.memory_space<vmem>>, vector<16xi32>,
      %swap3A_353 = arith.constant 64 : index
      %swap3A_354 = tpu.vector_load %arg19[%swap3A_353] {strides = array<i32>} : memref<80xi32, #tpu.memory_space<vmem>>, vector<16xi32>,
      tpu.vector_store %arg19[%swap3A_353], %get3A_352 {strides = array<i32>} : memref<80xi32, #tpu.memory_space<vmem>>, vector<16xi32>,
      %get3A_355 = arith.index_cast %add3A_350 : i32 to index
      %get3A_356 = tpu.vector_load %arg12[%get3A_355] {strides = array<i32>} : memref<10080xi32, #tpu.memory_space<vmem>>, vector<16xi32>,
      %swap3A_357 = arith.constant 64 : index
      %swap3A_358 = tpu.vector_load %arg20[%swap3A_357] {strides = array<i32>} : memref<80xi32, #tpu.memory_space<vmem>>, vector<16xi32>,
      tpu.vector_store %arg20[%swap3A_357], %get3A_356 {strides = array<i32>} : memref<80xi32, #tpu.memory_space<vmem>>, vector<16xi32>,
      %dma_start3A = arith.constant 0 : i32
      %dma_start3A_359 = arith.constant 0 : i32
      %dma_start3A_360 = tpu.memref_slice %arg6[%dma_start3A, %dma_start3A_359] : memref<10000x128xf32, #tpu.memory_space<hbm>> -> memref<10000x128xf32, #tpu.memory_space<hbm>>
      tpu.enqueue_indirect_dma source(%dma_start3A_360 : memref<10000x128xf32, #tpu.memory_space<hbm>>) target(%arg18 : memref<80x128xf32, #tpu.memory_space<vmem>>) offsets(%arg19 : memref<80xi32, #tpu.memory_space<vmem>>) semaphore(%arg25 : memref<!tpu.dma_semaphore, #tpu.memory_space<semaphore_mem>>)
      %dma_wait3A = arith.constant 0 : i32
      %dma_wait3A_361 = arith.constant 0 : i32
      %dma_wait3A_362 = tpu.memref_slice %arg6[%dma_wait3A, %dma_wait3A_361] : memref<10000x128xf32, #tpu.memory_space<hbm>> -> memref<10000x128xf32, #tpu.memory_space<hbm>>
      tpu.wait_indirect_dma semaphore(%arg24 : memref<!tpu.dma_semaphore, #tpu.memory_space<semaphore_mem>>) src(%dma_wait3A_362 : memref<10000x128xf32, #tpu.memory_space<hbm>>) dst(%arg15 : memref<80x128xf32, #tpu.memory_space<vmem>>)
      %scan3A_363 = arith.constant 0 : i32
      %scan3A_364 = arith.constant 0 : i32
      %scan3A_365 = arith.constant 80 : i32
      %scan3A_366 = arith.addi %scan3A_364, %scan3A_365 : i32
      %scan3A_367 = arith.constant 1 : i32
      %scan3A_368 = scf.for %scan3A_389 = %scan3A_364 to %scan3A_366 step %scan3A_367 iter_args(%scan3A_390 = %scan3A_363) -> (i32)  : i32 {
        %add3A_391 = arith.addi %mul3A_307, %scan3A_389 : i32
        %broadcast_in_dim3A_392 = vector.broadcast %add3A_391 : i32 to vector<16xi32>
        %gather3A = tpu.vector_load_idx %arg13[%broadcast_in_dim3A_392] : memref<10080xf32, #tpu.memory_space<vmem>>[vector<16xi32>], vector<16xf32>,
        %get3A_393 = arith.index_cast %scan3A_389 : i32 to index
        %get3A_394 = arith.constant 0 : index
        %get3A_395 = tpu.vector_load %arg15[%get3A_393, %get3A_394] {strides = array<i32>} : memref<80x128xf32, #tpu.memory_space<vmem>>, vector<16xf32>,
        %mul3A_396 = arith.mulf %get3A_395, %gather3A : vector<16xf32>
        %swap3A_397 = arith.index_cast %scan3A_389 : i32 to index
        %swap3A_398 = arith.constant 0 : index
        %swap3A_399 = tpu.vector_load %arg15[%swap3A_397, %swap3A_398] {strides = array<i32>} : memref<80x128xf32, #tpu.memory_space<vmem>>, vector<16xf32>,
        tpu.vector_store %arg15[%swap3A_397, %swap3A_398], %mul3A_396 {strides = array<i32>} : memref<80x128xf32, #tpu.memory_space<vmem>>, vector<16xf32>,
        %get3A_400 = arith.index_cast %scan3A_389 : i32 to index
        %get3A_401 = arith.constant 16 : index
        %get3A_402 = tpu.vector_load %arg15[%get3A_400, %get3A_401] {strides = array<i32>} : memref<80x128xf32, #tpu.memory_space<vmem>>, vector<16xf32>,
        %mul3A_403 = arith.mulf %get3A_402, %gather3A : vector<16xf32>
        %swap3A_404 = arith.index_cast %scan3A_389 : i32 to index
        %swap3A_405 = arith.constant 16 : index
        %swap3A_406 = tpu.vector_load %arg15[%swap3A_404, %swap3A_405] {strides = array<i32>} : memref<80x128xf32, #tpu.memory_space<vmem>>, vector<16xf32>,
        tpu.vector_store %arg15[%swap3A_404, %swap3A_405], %mul3A_403 {strides = array<i32>} : memref<80x128xf32, #tpu.memory_space<vmem>>, vector<16xf32>,
        %get3A_407 = arith.index_cast %scan3A_389 : i32 to index
        %get3A_408 = arith.constant 32 : index
        %get3A_409 = tpu.vector_load %arg15[%get3A_407, %get3A_408] {strides = array<i32>} : memref<80x128xf32, #tpu.memory_space<vmem>>, vector<16xf32>,
        %mul3A_410 = arith.mulf %get3A_409, %gather3A : vector<16xf32>
        %swap3A_411 = arith.index_cast %scan3A_389 : i32 to index
        %swap3A_412 = arith.constant 32 : index
        %swap3A_413 = tpu.vector_load %arg15[%swap3A_411, %swap3A_412] {strides = array<i32>} : memref<80x128xf32, #tpu.memory_space<vmem>>, vector<16xf32>,
        tpu.vector_store %arg15[%swap3A_411, %swap3A_412], %mul3A_410 {strides = array<i32>} : memref<80x128xf32, #tpu.memory_space<vmem>>, vector<16xf32>,
        %get3A_414 = arith.index_cast %scan3A_389 : i32 to index
        %get3A_415 = arith.constant 48 : index
        %get3A_416 = tpu.vector_load %arg15[%get3A_414, %get3A_415] {strides = array<i32>} : memref<80x128xf32, #tpu.memory_space<vmem>>, vector<16xf32>,
        %mul3A_417 = arith.mulf %get3A_416, %gather3A : vector<16xf32>
        %swap3A_418 = arith.index_cast %scan3A_389 : i32 to index
        %swap3A_419 = arith.constant 48 : index
        %swap3A_420 = tpu.vector_load %arg15[%swap3A_418, %swap3A_419] {strides = array<i32>} : memref<80x128xf32, #tpu.memory_space<vmem>>, vector<16xf32>,
        tpu.vector_store %arg15[%swap3A_418, %swap3A_419], %mul3A_417 {strides = array<i32>} : memref<80x128xf32, #tpu.memory_space<vmem>>, vector<16xf32>,
        %get3A_421 = arith.index_cast %scan3A_389 : i32 to index
        %get3A_422 = arith.constant 64 : index
        %get3A_423 = tpu.vector_load %arg15[%get3A_421, %get3A_422] {strides = array<i32>} : memref<80x128xf32, #tpu.memory_space<vmem>>, vector<16xf32>,
        %mul3A_424 = arith.mulf %get3A_423, %gather3A : vector<16xf32>
        %swap3A_425 = arith.index_cast %scan3A_389 : i32 to index
        %swap3A_426 = arith.constant 64 : index
        %swap3A_427 = tpu.vector_load %arg15[%swap3A_425, %swap3A_426] {strides = array<i32>} : memref<80x128xf32, #tpu.memory_space<vmem>>, vector<16xf32>,
        tpu.vector_store %arg15[%swap3A_425, %swap3A_426], %mul3A_424 {strides = array<i32>} : memref<80x128xf32, #tpu.memory_space<vmem>>, vector<16xf32>,
        %get3A_428 = arith.index_cast %scan3A_389 : i32 to index
        %get3A_429 = arith.constant 80 : index
        %get3A_430 = tpu.vector_load %arg15[%get3A_428, %get3A_429] {strides = array<i32>} : memref<80x128xf32, #tpu.memory_space<vmem>>, vector<16xf32>,
        %mul3A_431 = arith.mulf %get3A_430, %gather3A : vector<16xf32>
        %swap3A_432 = arith.index_cast %scan3A_389 : i32 to index
        %swap3A_433 = arith.constant 80 : index
        %swap3A_434 = tpu.vector_load %arg15[%swap3A_432, %swap3A_433] {strides = array<i32>} : memref<80x128xf32, #tpu.memory_space<vmem>>, vector<16xf32>,
        tpu.vector_store %arg15[%swap3A_432, %swap3A_433], %mul3A_431 {strides = array<i32>} : memref<80x128xf32, #tpu.memory_space<vmem>>, vector<16xf32>,
        %get3A_435 = arith.index_cast %scan3A_389 : i32 to index
        %get3A_436 = arith.constant 96 : index
        %get3A_437 = tpu.vector_load %arg15[%get3A_435, %get3A_436] {strides = array<i32>} : memref<80x128xf32, #tpu.memory_space<vmem>>, vector<16xf32>,
        %mul3A_438 = arith.mulf %get3A_437, %gather3A : vector<16xf32>
        %swap3A_439 = arith.index_cast %scan3A_389 : i32 to index
        %swap3A_440 = arith.constant 96 : index
        %swap3A_441 = tpu.vector_load %arg15[%swap3A_439, %swap3A_440] {strides = array<i32>} : memref<80x128xf32, #tpu.memory_space<vmem>>, vector<16xf32>,
        tpu.vector_store %arg15[%swap3A_439, %swap3A_440], %mul3A_438 {strides = array<i32>} : memref<80x128xf32, #tpu.memory_space<vmem>>, vector<16xf32>,
        %get3A_442 = arith.index_cast %scan3A_389 : i32 to index
        %get3A_443 = arith.constant 112 : index
        %get3A_444 = tpu.vector_load %arg15[%get3A_442, %get3A_443] {strides = array<i32>} : memref<80x128xf32, #tpu.memory_space<vmem>>, vector<16xf32>,
        %mul3A_445 = arith.mulf %get3A_444, %gather3A : vector<16xf32>
        %swap3A_446 = arith.index_cast %scan3A_389 : i32 to index
        %swap3A_447 = arith.constant 112 : index
        %swap3A_448 = tpu.vector_load %arg15[%swap3A_446, %swap3A_447] {strides = array<i32>} : memref<80x128xf32, #tpu.memory_space<vmem>>, vector<16xf32>,
        tpu.vector_store %arg15[%swap3A_446, %swap3A_447], %mul3A_445 {strides = array<i32>} : memref<80x128xf32, #tpu.memory_space<vmem>>, vector<16xf32>,
        %scan3A_449 = arith.constant 0 : i32
        scf.yield %scan3A_449 : i32
      }
      %scan3A_369 = arith.constant 80 : i32
      "tpu.region"() ({
        %run_scoped3A = tpu.sem_alloc : memref<!tpu.dma_semaphore, #tpu.memory_space<semaphore_mem>>
        %dma_start3A_389 = arith.constant 0 : i32
        %dma_start3A_390 = arith.constant 0 : i32
        %dma_start3A_391 = tpu.memref_slice %arg22[%dma_start3A_389, %dma_start3A_390] : memref<5008x128xf32, #tpu.memory_space<vmem_shared>> -> memref<5008x128xf32, #tpu.memory_space<vmem_shared>>
        tpu.enqueue_indirect_dma source(%arg15 : memref<80x128xf32, #tpu.memory_space<vmem>>) target(%dma_start3A_391 : memref<5008x128xf32, #tpu.memory_space<vmem_shared>>) offsets(%arg17 : memref<80xi32, #tpu.memory_space<vmem>>) semaphore(%run_scoped3A : memref<!tpu.dma_semaphore, #tpu.memory_space<semaphore_mem>>) {add = true}
        %dma_wait3A_392 = arith.constant 0 : i32
        %dma_wait3A_393 = arith.constant 0 : i32
        %dma_wait3A_394 = tpu.memref_slice %arg22[%dma_wait3A_392, %dma_wait3A_393] : memref<5008x128xf32, #tpu.memory_space<vmem_shared>> -> memref<5008x128xf32, #tpu.memory_space<vmem_shared>>
        tpu.wait_indirect_dma semaphore(%run_scoped3A : memref<!tpu.dma_semaphore, #tpu.memory_space<semaphore_mem>>) src(%arg15 : memref<80x128xf32, #tpu.memory_space<vmem>>) dst(%dma_wait3A_394 : memref<5008x128xf32, #tpu.memory_space<vmem_shared>>)
        tpu.yield
      }) : () -> ()
      %mul3A_370 = arith.constant 2 : i32
      %mul3A_371 = arith.muli %mul3A_370, %while3A_302 : i32
      %add3A_372 = arith.constant 2 : i32
      %add3A_373 = arith.addi %mul3A_371, %add3A_372 : i32
      %lt3A_374 = arith.cmpi slt, %add3A_373, %select_n3A : i32
      %convert_element_type3A_375 = arith.extui %lt3A_374 : i1 to i32
      %cond3A_376 = arith.constant 0 : i32
      %cond3A_377 = arith.cmpi ne, %convert_element_type3A_375, %cond3A_376 : i32
      scf.if %cond3A_377 {
        %add3A_389 = arith.constant 160 : i32
        %add3A_390 = arith.addi %mul3A_307, %add3A_389 : i32
        %add3A_391 = arith.constant 0 : i32
        %add3A_392 = arith.addi %add3A_390, %add3A_391 : i32
        %get3A_393 = arith.index_cast %add3A_392 : i32 to index
        %get3A_394 = tpu.vector_load %arg11[%get3A_393] {strides = array<i32>} : memref<10080xi32, #tpu.memory_space<vmem>>, vector<16xi32>,
        %swap3A_395 = arith.constant 0 : index
        %swap3A_396 = tpu.vector_load %arg16[%swap3A_395] {strides = array<i32>} : memref<80xi32, #tpu.memory_space<vmem>>, vector<16xi32>,
        tpu.vector_store %arg16[%swap3A_395], %get3A_394 {strides = array<i32>} : memref<80xi32, #tpu.memory_space<vmem>>, vector<16xi32>,
        %get3A_397 = arith.index_cast %add3A_392 : i32 to index
        %get3A_398 = tpu.vector_load %arg12[%get3A_397] {strides = array<i32>} : memref<10080xi32, #tpu.memory_space<vmem>>, vector<16xi32>,
        %swap3A_399 = arith.constant 0 : index
        %swap3A_400 = tpu.vector_load %arg17[%swap3A_399] {strides = array<i32>} : memref<80xi32, #tpu.memory_space<vmem>>, vector<16xi32>,
        tpu.vector_store %arg17[%swap3A_399], %get3A_398 {strides = array<i32>} : memref<80xi32, #tpu.memory_space<vmem>>, vector<16xi32>,
        %add3A_401 = arith.constant 16 : i32
        %add3A_402 = arith.addi %add3A_390, %add3A_401 : i32
        %get3A_403 = arith.index_cast %add3A_402 : i32 to index
        %get3A_404 = tpu.vector_load %arg11[%get3A_403] {strides = array<i32>} : memref<10080xi32, #tpu.memory_space<vmem>>, vector<16xi32>,
        %swap3A_405 = arith.constant 16 : index
        %swap3A_406 = tpu.vector_load %arg16[%swap3A_405] {strides = array<i32>} : memref<80xi32, #tpu.memory_space<vmem>>, vector<16xi32>,
        tpu.vector_store %arg16[%swap3A_405], %get3A_404 {strides = array<i32>} : memref<80xi32, #tpu.memory_space<vmem>>, vector<16xi32>,
        %get3A_407 = arith.index_cast %add3A_402 : i32 to index
        %get3A_408 = tpu.vector_load %arg12[%get3A_407] {strides = array<i32>} : memref<10080xi32, #tpu.memory_space<vmem>>, vector<16xi32>,
        %swap3A_409 = arith.constant 16 : index
        %swap3A_410 = tpu.vector_load %arg17[%swap3A_409] {strides = array<i32>} : memref<80xi32, #tpu.memory_space<vmem>>, vector<16xi32>,
        tpu.vector_store %arg17[%swap3A_409], %get3A_408 {strides = array<i32>} : memref<80xi32, #tpu.memory_space<vmem>>, vector<16xi32>,
        %add3A_411 = arith.constant 32 : i32
        %add3A_412 = arith.addi %add3A_390, %add3A_411 : i32
        %get3A_413 = arith.index_cast %add3A_412 : i32 to index
        %get3A_414 = tpu.vector_load %arg11[%get3A_413] {strides = array<i32>} : memref<10080xi32, #tpu.memory_space<vmem>>, vector<16xi32>,
        %swap3A_415 = arith.constant 32 : index
        %swap3A_416 = tpu.vector_load %arg16[%swap3A_415] {strides = array<i32>} : memref<80xi32, #tpu.memory_space<vmem>>, vector<16xi32>,
        tpu.vector_store %arg16[%swap3A_415], %get3A_414 {strides = array<i32>} : memref<80xi32, #tpu.memory_space<vmem>>, vector<16xi32>,
        %get3A_417 = arith.index_cast %add3A_412 : i32 to index
        %get3A_418 = tpu.vector_load %arg12[%get3A_417] {strides = array<i32>} : memref<10080xi32, #tpu.memory_space<vmem>>, vector<16xi32>,
        %swap3A_419 = arith.constant 32 : index
        %swap3A_420 = tpu.vector_load %arg17[%swap3A_419] {strides = array<i32>} : memref<80xi32, #tpu.memory_space<vmem>>, vector<16xi32>,
        tpu.vector_store %arg17[%swap3A_419], %get3A_418 {strides = array<i32>} : memref<80xi32, #tpu.memory_space<vmem>>, vector<16xi32>,
        %add3A_421 = arith.constant 48 : i32
        %add3A_422 = arith.addi %add3A_390, %add3A_421 : i32
        %get3A_423 = arith.index_cast %add3A_422 : i32 to index
        %get3A_424 = tpu.vector_load %arg11[%get3A_423] {strides = array<i32>} : memref<10080xi32, #tpu.memory_space<vmem>>, vector<16xi32>,
        %swap3A_425 = arith.constant 48 : index
        %swap3A_426 = tpu.vector_load %arg16[%swap3A_425] {strides = array<i32>} : memref<80xi32, #tpu.memory_space<vmem>>, vector<16xi32>,
        tpu.vector_store %arg16[%swap3A_425], %get3A_424 {strides = array<i32>} : memref<80xi32, #tpu.memory_space<vmem>>, vector<16xi32>,
        %get3A_427 = arith.index_cast %add3A_422 : i32 to index
        %get3A_428 = tpu.vector_load %arg12[%get3A_427] {strides = array<i32>} : memref<10080xi32, #tpu.memory_space<vmem>>, vector<16xi32>,
        %swap3A_429 = arith.constant 48 : index
        %swap3A_430 = tpu.vector_load %arg17[%swap3A_429] {strides = array<i32>} : memref<80xi32, #tpu.memory_space<vmem>>, vector<16xi32>,
        tpu.vector_store %arg17[%swap3A_429], %get3A_428 {strides = array<i32>} : memref<80xi32, #tpu.memory_space<vmem>>, vector<16xi32>,
        %add3A_431 = arith.constant 64 : i32
        %add3A_432 = arith.addi %add3A_390, %add3A_431 : i32
        %get3A_433 = arith.index_cast %add3A_432 : i32 to index
        %get3A_434 = tpu.vector_load %arg11[%get3A_433] {strides = array<i32>} : memref<10080xi32, #tpu.memory_space<vmem>>, vector<16xi32>,
        %swap3A_435 = arith.constant 64 : index
        %swap3A_436 = tpu.vector_load %arg16[%swap3A_435] {strides = array<i32>} : memref<80xi32, #tpu.memory_space<vmem>>, vector<16xi32>,
        tpu.vector_store %arg16[%swap3A_435], %get3A_434 {strides = array<i32>} : memref<80xi32, #tpu.memory_space<vmem>>, vector<16xi32>,
        %get3A_437 = arith.index_cast %add3A_432 : i32 to index
        %get3A_438 = tpu.vector_load %arg12[%get3A_437] {strides = array<i32>} : memref<10080xi32, #tpu.memory_space<vmem>>, vector<16xi32>,
        %swap3A_439 = arith.constant 64 : index
        %swap3A_440 = tpu.vector_load %arg17[%swap3A_439] {strides = array<i32>} : memref<80xi32, #tpu.memory_space<vmem>>, vector<16xi32>,
        tpu.vector_store %arg17[%swap3A_439], %get3A_438 {strides = array<i32>} : memref<80xi32, #tpu.memory_space<vmem>>, vector<16xi32>,
        %dma_start3A_441 = arith.constant 0 : i32
        %dma_start3A_442 = arith.constant 0 : i32
        %dma_start3A_443 = tpu.memref_slice %arg6[%dma_start3A_441, %dma_start3A_442] : memref<10000x128xf32, #tpu.memory_space<hbm>> -> memref<10000x128xf32, #tpu.memory_space<hbm>>
        tpu.enqueue_indirect_dma source(%dma_start3A_443 : memref<10000x128xf32, #tpu.memory_space<hbm>>) target(%arg15 : memref<80x128xf32, #tpu.memory_space<vmem>>) offsets(%arg16 : memref<80xi32, #tpu.memory_space<vmem>>) semaphore(%arg24 : memref<!tpu.dma_semaphore, #tpu.memory_space<semaphore_mem>>)
      } else {
      }
      %dma_wait3A_378 = arith.constant 0 : i32
      %dma_wait3A_379 = arith.constant 0 : i32
      %dma_wait3A_380 = tpu.memref_slice %arg6[%dma_wait3A_378, %dma_wait3A_379] : memref<10000x128xf32, #tpu.memory_space<hbm>> -> memref<10000x128xf32, #tpu.memory_space<hbm>>
      tpu.wait_indirect_dma semaphore(%arg25 : memref<!tpu.dma_semaphore, #tpu.memory_space<semaphore_mem>>) src(%dma_wait3A_380 : memref<10000x128xf32, #tpu.memory_space<hbm>>) dst(%arg18 : memref<80x128xf32, #tpu.memory_space<vmem>>)
      %scan3A_381 = arith.constant 0 : i32
      %scan3A_382 = arith.constant 0 : i32
      %scan3A_383 = arith.constant 80 : i32
      %scan3A_384 = arith.addi %scan3A_382, %scan3A_383 : i32
      %scan3A_385 = arith.constant 1 : i32
      %scan3A_386 = scf.for %scan3A_389 = %scan3A_382 to %scan3A_384 step %scan3A_385 iter_args(%scan3A_390 = %scan3A_381) -> (i32)  : i32 {
        %add3A_391 = arith.addi %add3A_309, %scan3A_389 : i32
        %broadcast_in_dim3A_392 = vector.broadcast %add3A_391 : i32 to vector<16xi32>
        %gather3A = tpu.vector_load_idx %arg13[%broadcast_in_dim3A_392] : memref<10080xf32, #tpu.memory_space<vmem>>[vector<16xi32>], vector<16xf32>,
        %get3A_393 = arith.index_cast %scan3A_389 : i32 to index
        %get3A_394 = arith.constant 0 : index
        %get3A_395 = tpu.vector_load %arg18[%get3A_393, %get3A_394] {strides = array<i32>} : memref<80x128xf32, #tpu.memory_space<vmem>>, vector<16xf32>,
        %mul3A_396 = arith.mulf %get3A_395, %gather3A : vector<16xf32>
        %swap3A_397 = arith.index_cast %scan3A_389 : i32 to index
        %swap3A_398 = arith.constant 0 : index
        %swap3A_399 = tpu.vector_load %arg18[%swap3A_397, %swap3A_398] {strides = array<i32>} : memref<80x128xf32, #tpu.memory_space<vmem>>, vector<16xf32>,
        tpu.vector_store %arg18[%swap3A_397, %swap3A_398], %mul3A_396 {strides = array<i32>} : memref<80x128xf32, #tpu.memory_space<vmem>>, vector<16xf32>,
        %get3A_400 = arith.index_cast %scan3A_389 : i32 to index
        %get3A_401 = arith.constant 16 : index
        %get3A_402 = tpu.vector_load %arg18[%get3A_400, %get3A_401] {strides = array<i32>} : memref<80x128xf32, #tpu.memory_space<vmem>>, vector<16xf32>,
        %mul3A_403 = arith.mulf %get3A_402, %gather3A : vector<16xf32>
        %swap3A_404 = arith.index_cast %scan3A_389 : i32 to index
        %swap3A_405 = arith.constant 16 : index
        %swap3A_406 = tpu.vector_load %arg18[%swap3A_404, %swap3A_405] {strides = array<i32>} : memref<80x128xf32, #tpu.memory_space<vmem>>, vector<16xf32>,
        tpu.vector_store %arg18[%swap3A_404, %swap3A_405], %mul3A_403 {strides = array<i32>} : memref<80x128xf32, #tpu.memory_space<vmem>>, vector<16xf32>,
        %get3A_407 = arith.index_cast %scan3A_389 : i32 to index
        %get3A_408 = arith.constant 32 : index
        %get3A_409 = tpu.vector_load %arg18[%get3A_407, %get3A_408] {strides = array<i32>} : memref<80x128xf32, #tpu.memory_space<vmem>>, vector<16xf32>,
        %mul3A_410 = arith.mulf %get3A_409, %gather3A : vector<16xf32>
        %swap3A_411 = arith.index_cast %scan3A_389 : i32 to index
        %swap3A_412 = arith.constant 32 : index
        %swap3A_413 = tpu.vector_load %arg18[%swap3A_411, %swap3A_412] {strides = array<i32>} : memref<80x128xf32, #tpu.memory_space<vmem>>, vector<16xf32>,
        tpu.vector_store %arg18[%swap3A_411, %swap3A_412], %mul3A_410 {strides = array<i32>} : memref<80x128xf32, #tpu.memory_space<vmem>>, vector<16xf32>,
        %get3A_414 = arith.index_cast %scan3A_389 : i32 to index
        %get3A_415 = arith.constant 48 : index
        %get3A_416 = tpu.vector_load %arg18[%get3A_414, %get3A_415] {strides = array<i32>} : memref<80x128xf32, #tpu.memory_space<vmem>>, vector<16xf32>,
        %mul3A_417 = arith.mulf %get3A_416, %gather3A : vector<16xf32>
        %swap3A_418 = arith.index_cast %scan3A_389 : i32 to index
        %swap3A_419 = arith.constant 48 : index
        %swap3A_420 = tpu.vector_load %arg18[%swap3A_418, %swap3A_419] {strides = array<i32>} : memref<80x128xf32, #tpu.memory_space<vmem>>, vector<16xf32>,
        tpu.vector_store %arg18[%swap3A_418, %swap3A_419], %mul3A_417 {strides = array<i32>} : memref<80x128xf32, #tpu.memory_space<vmem>>, vector<16xf32>,
        %get3A_421 = arith.index_cast %scan3A_389 : i32 to index
        %get3A_422 = arith.constant 64 : index
        %get3A_423 = tpu.vector_load %arg18[%get3A_421, %get3A_422] {strides = array<i32>} : memref<80x128xf32, #tpu.memory_space<vmem>>, vector<16xf32>,
        %mul3A_424 = arith.mulf %get3A_423, %gather3A : vector<16xf32>
        %swap3A_425 = arith.index_cast %scan3A_389 : i32 to index
        %swap3A_426 = arith.constant 64 : index
        %swap3A_427 = tpu.vector_load %arg18[%swap3A_425, %swap3A_426] {strides = array<i32>} : memref<80x128xf32, #tpu.memory_space<vmem>>, vector<16xf32>,
        tpu.vector_store %arg18[%swap3A_425, %swap3A_426], %mul3A_424 {strides = array<i32>} : memref<80x128xf32, #tpu.memory_space<vmem>>, vector<16xf32>,
        %get3A_428 = arith.index_cast %scan3A_389 : i32 to index
        %get3A_429 = arith.constant 80 : index
        %get3A_430 = tpu.vector_load %arg18[%get3A_428, %get3A_429] {strides = array<i32>} : memref<80x128xf32, #tpu.memory_space<vmem>>, vector<16xf32>,
        %mul3A_431 = arith.mulf %get3A_430, %gather3A : vector<16xf32>
        %swap3A_432 = arith.index_cast %scan3A_389 : i32 to index
        %swap3A_433 = arith.constant 80 : index
        %swap3A_434 = tpu.vector_load %arg18[%swap3A_432, %swap3A_433] {strides = array<i32>} : memref<80x128xf32, #tpu.memory_space<vmem>>, vector<16xf32>,
        tpu.vector_store %arg18[%swap3A_432, %swap3A_433], %mul3A_431 {strides = array<i32>} : memref<80x128xf32, #tpu.memory_space<vmem>>, vector<16xf32>,
        %get3A_435 = arith.index_cast %scan3A_389 : i32 to index
        %get3A_436 = arith.constant 96 : index
        %get3A_437 = tpu.vector_load %arg18[%get3A_435, %get3A_436] {strides = array<i32>} : memref<80x128xf32, #tpu.memory_space<vmem>>, vector<16xf32>,
        %mul3A_438 = arith.mulf %get3A_437, %gather3A : vector<16xf32>
        %swap3A_439 = arith.index_cast %scan3A_389 : i32 to index
        %swap3A_440 = arith.constant 96 : index
        %swap3A_441 = tpu.vector_load %arg18[%swap3A_439, %swap3A_440] {strides = array<i32>} : memref<80x128xf32, #tpu.memory_space<vmem>>, vector<16xf32>,
        tpu.vector_store %arg18[%swap3A_439, %swap3A_440], %mul3A_438 {strides = array<i32>} : memref<80x128xf32, #tpu.memory_space<vmem>>, vector<16xf32>,
        %get3A_442 = arith.index_cast %scan3A_389 : i32 to index
        %get3A_443 = arith.constant 112 : index
        %get3A_444 = tpu.vector_load %arg18[%get3A_442, %get3A_443] {strides = array<i32>} : memref<80x128xf32, #tpu.memory_space<vmem>>, vector<16xf32>,
        %mul3A_445 = arith.mulf %get3A_444, %gather3A : vector<16xf32>
        %swap3A_446 = arith.index_cast %scan3A_389 : i32 to index
        %swap3A_447 = arith.constant 112 : index
        %swap3A_448 = tpu.vector_load %arg18[%swap3A_446, %swap3A_447] {strides = array<i32>} : memref<80x128xf32, #tpu.memory_space<vmem>>, vector<16xf32>,
        tpu.vector_store %arg18[%swap3A_446, %swap3A_447], %mul3A_445 {strides = array<i32>} : memref<80x128xf32, #tpu.memory_space<vmem>>, vector<16xf32>,
        %scan3A_449 = arith.constant 0 : i32
        scf.yield %scan3A_449 : i32
      }
      %scan3A_387 = arith.constant 80 : i32
      "tpu.region"() ({
        %run_scoped3A = tpu.sem_alloc : memref<!tpu.dma_semaphore, #tpu.memory_space<semaphore_mem>>
        %dma_start3A_389 = arith.constant 0 : i32
        %dma_start3A_390 = arith.constant 0 : i32
        %dma_start3A_391 = tpu.memref_slice %arg22[%dma_start3A_389, %dma_start3A_390] : memref<5008x128xf32, #tpu.memory_space<vmem_shared>> -> memref<5008x128xf32, #tpu.memory_space<vmem_shared>>
        tpu.enqueue_indirect_dma source(%arg18 : memref<80x128xf32, #tpu.memory_space<vmem>>) target(%dma_start3A_391 : memref<5008x128xf32, #tpu.memory_space<vmem_shared>>) offsets(%arg20 : memref<80xi32, #tpu.memory_space<vmem>>) semaphore(%run_scoped3A : memref<!tpu.dma_semaphore, #tpu.memory_space<semaphore_mem>>) {add = true}
        %dma_wait3A_392 = arith.constant 0 : i32
        %dma_wait3A_393 = arith.constant 0 : i32
        %dma_wait3A_394 = tpu.memref_slice %arg22[%dma_wait3A_392, %dma_wait3A_393] : memref<5008x128xf32, #tpu.memory_space<vmem_shared>> -> memref<5008x128xf32, #tpu.memory_space<vmem_shared>>
        tpu.wait_indirect_dma semaphore(%run_scoped3A : memref<!tpu.dma_semaphore, #tpu.memory_space<semaphore_mem>>) src(%arg18 : memref<80x128xf32, #tpu.memory_space<vmem>>) dst(%dma_wait3A_394 : memref<5008x128xf32, #tpu.memory_space<vmem_shared>>)
        tpu.yield
      }) : () -> ()
      %while3A_388 = arith.constant 0 : i32
      scf.yield %while3A_388 : i32
    }
    %rem3A_207 = arith.constant 2 : i32
    %rem3A_208 = arith.remsi %select_n3A, %rem3A_207 : i32
    %eq3A_209 = arith.constant 1 : i32
    %eq3A_210 = arith.cmpi eq, %rem3A_208, %eq3A_209 : i32
    %convert_element_type3A_211 = arith.extui %eq3A_210 : i1 to i32
    %cond3A_212 = arith.constant 0 : i32
    %cond3A_213 = arith.cmpi ne, %convert_element_type3A_211, %cond3A_212 : i32
    scf.if %cond3A_213 {
      %dma_wait3A = arith.constant 0 : i32
      %dma_wait3A_302 = arith.constant 0 : i32
      %dma_wait3A_303 = tpu.memref_slice %arg6[%dma_wait3A, %dma_wait3A_302] : memref<10000x128xf32, #tpu.memory_space<hbm>> -> memref<10000x128xf32, #tpu.memory_space<hbm>>
      tpu.wait_indirect_dma semaphore(%arg24 : memref<!tpu.dma_semaphore, #tpu.memory_space<semaphore_mem>>) src(%dma_wait3A_303 : memref<10000x128xf32, #tpu.memory_space<hbm>>) dst(%arg15 : memref<80x128xf32, #tpu.memory_space<vmem>>)
      %sub3A_304 = arith.constant 1 : i32
      %sub3A_305 = arith.subi %select_n3A, %sub3A_304 : i32
      %mul3A_306 = arith.constant 80 : i32
      %mul3A_307 = arith.muli %sub3A_305, %mul3A_306 : i32
      %scan3A_308 = arith.constant 0 : i32
      %scan3A_309 = arith.constant 0 : i32
      %scan3A_310 = arith.constant 80 : i32
      %scan3A_311 = arith.addi %scan3A_309, %scan3A_310 : i32
      %scan3A_312 = arith.constant 1 : i32
      %scan3A_313 = scf.for %scan3A_315 = %scan3A_309 to %scan3A_311 step %scan3A_312 iter_args(%scan3A_316 = %scan3A_308) -> (i32)  : i32 {
        %add3A_317 = arith.addi %mul3A_307, %scan3A_315 : i32
        %broadcast_in_dim3A_318 = vector.broadcast %add3A_317 : i32 to vector<16xi32>
        %gather3A = tpu.vector_load_idx %arg13[%broadcast_in_dim3A_318] : memref<10080xf32, #tpu.memory_space<vmem>>[vector<16xi32>], vector<16xf32>,
        %get3A = arith.index_cast %scan3A_315 : i32 to index
        %get3A_319 = arith.constant 0 : index
        %get3A_320 = tpu.vector_load %arg15[%get3A, %get3A_319] {strides = array<i32>} : memref<80x128xf32, #tpu.memory_space<vmem>>, vector<16xf32>,
        %mul3A_321 = arith.mulf %get3A_320, %gather3A : vector<16xf32>
        %swap3A_322 = arith.index_cast %scan3A_315 : i32 to index
        %swap3A_323 = arith.constant 0 : index
        %swap3A_324 = tpu.vector_load %arg15[%swap3A_322, %swap3A_323] {strides = array<i32>} : memref<80x128xf32, #tpu.memory_space<vmem>>, vector<16xf32>,
        tpu.vector_store %arg15[%swap3A_322, %swap3A_323], %mul3A_321 {strides = array<i32>} : memref<80x128xf32, #tpu.memory_space<vmem>>, vector<16xf32>,
        %get3A_325 = arith.index_cast %scan3A_315 : i32 to index
        %get3A_326 = arith.constant 16 : index
        %get3A_327 = tpu.vector_load %arg15[%get3A_325, %get3A_326] {strides = array<i32>} : memref<80x128xf32, #tpu.memory_space<vmem>>, vector<16xf32>,
        %mul3A_328 = arith.mulf %get3A_327, %gather3A : vector<16xf32>
        %swap3A_329 = arith.index_cast %scan3A_315 : i32 to index
        %swap3A_330 = arith.constant 16 : index
        %swap3A_331 = tpu.vector_load %arg15[%swap3A_329, %swap3A_330] {strides = array<i32>} : memref<80x128xf32, #tpu.memory_space<vmem>>, vector<16xf32>,
        tpu.vector_store %arg15[%swap3A_329, %swap3A_330], %mul3A_328 {strides = array<i32>} : memref<80x128xf32, #tpu.memory_space<vmem>>, vector<16xf32>,
        %get3A_332 = arith.index_cast %scan3A_315 : i32 to index
        %get3A_333 = arith.constant 32 : index
        %get3A_334 = tpu.vector_load %arg15[%get3A_332, %get3A_333] {strides = array<i32>} : memref<80x128xf32, #tpu.memory_space<vmem>>, vector<16xf32>,
        %mul3A_335 = arith.mulf %get3A_334, %gather3A : vector<16xf32>
        %swap3A_336 = arith.index_cast %scan3A_315 : i32 to index
        %swap3A_337 = arith.constant 32 : index
        %swap3A_338 = tpu.vector_load %arg15[%swap3A_336, %swap3A_337] {strides = array<i32>} : memref<80x128xf32, #tpu.memory_space<vmem>>, vector<16xf32>,
        tpu.vector_store %arg15[%swap3A_336, %swap3A_337], %mul3A_335 {strides = array<i32>} : memref<80x128xf32, #tpu.memory_space<vmem>>, vector<16xf32>,
        %get3A_339 = arith.index_cast %scan3A_315 : i32 to index
        %get3A_340 = arith.constant 48 : index
        %get3A_341 = tpu.vector_load %arg15[%get3A_339, %get3A_340] {strides = array<i32>} : memref<80x128xf32, #tpu.memory_space<vmem>>, vector<16xf32>,
        %mul3A_342 = arith.mulf %get3A_341, %gather3A : vector<16xf32>
        %swap3A_343 = arith.index_cast %scan3A_315 : i32 to index
        %swap3A_344 = arith.constant 48 : index
        %swap3A_345 = tpu.vector_load %arg15[%swap3A_343, %swap3A_344] {strides = array<i32>} : memref<80x128xf32, #tpu.memory_space<vmem>>, vector<16xf32>,
        tpu.vector_store %arg15[%swap3A_343, %swap3A_344], %mul3A_342 {strides = array<i32>} : memref<80x128xf32, #tpu.memory_space<vmem>>, vector<16xf32>,
        %get3A_346 = arith.index_cast %scan3A_315 : i32 to index
        %get3A_347 = arith.constant 64 : index
        %get3A_348 = tpu.vector_load %arg15[%get3A_346, %get3A_347] {strides = array<i32>} : memref<80x128xf32, #tpu.memory_space<vmem>>, vector<16xf32>,
        %mul3A_349 = arith.mulf %get3A_348, %gather3A : vector<16xf32>
        %swap3A_350 = arith.index_cast %scan3A_315 : i32 to index
        %swap3A_351 = arith.constant 64 : index
        %swap3A_352 = tpu.vector_load %arg15[%swap3A_350, %swap3A_351] {strides = array<i32>} : memref<80x128xf32, #tpu.memory_space<vmem>>, vector<16xf32>,
        tpu.vector_store %arg15[%swap3A_350, %swap3A_351], %mul3A_349 {strides = array<i32>} : memref<80x128xf32, #tpu.memory_space<vmem>>, vector<16xf32>,
        %get3A_353 = arith.index_cast %scan3A_315 : i32 to index
        %get3A_354 = arith.constant 80 : index
        %get3A_355 = tpu.vector_load %arg15[%get3A_353, %get3A_354] {strides = array<i32>} : memref<80x128xf32, #tpu.memory_space<vmem>>, vector<16xf32>,
        %mul3A_356 = arith.mulf %get3A_355, %gather3A : vector<16xf32>
        %swap3A_357 = arith.index_cast %scan3A_315 : i32 to index
        %swap3A_358 = arith.constant 80 : index
        %swap3A_359 = tpu.vector_load %arg15[%swap3A_357, %swap3A_358] {strides = array<i32>} : memref<80x128xf32, #tpu.memory_space<vmem>>, vector<16xf32>,
        tpu.vector_store %arg15[%swap3A_357, %swap3A_358], %mul3A_356 {strides = array<i32>} : memref<80x128xf32, #tpu.memory_space<vmem>>, vector<16xf32>,
        %get3A_360 = arith.index_cast %scan3A_315 : i32 to index
        %get3A_361 = arith.constant 96 : index
        %get3A_362 = tpu.vector_load %arg15[%get3A_360, %get3A_361] {strides = array<i32>} : memref<80x128xf32, #tpu.memory_space<vmem>>, vector<16xf32>,
        %mul3A_363 = arith.mulf %get3A_362, %gather3A : vector<16xf32>
        %swap3A_364 = arith.index_cast %scan3A_315 : i32 to index
        %swap3A_365 = arith.constant 96 : index
        %swap3A_366 = tpu.vector_load %arg15[%swap3A_364, %swap3A_365] {strides = array<i32>} : memref<80x128xf32, #tpu.memory_space<vmem>>, vector<16xf32>,
        tpu.vector_store %arg15[%swap3A_364, %swap3A_365], %mul3A_363 {strides = array<i32>} : memref<80x128xf32, #tpu.memory_space<vmem>>, vector<16xf32>,
        %get3A_367 = arith.index_cast %scan3A_315 : i32 to index
        %get3A_368 = arith.constant 112 : index
        %get3A_369 = tpu.vector_load %arg15[%get3A_367, %get3A_368] {strides = array<i32>} : memref<80x128xf32, #tpu.memory_space<vmem>>, vector<16xf32>,
        %mul3A_370 = arith.mulf %get3A_369, %gather3A : vector<16xf32>
        %swap3A_371 = arith.index_cast %scan3A_315 : i32 to index
        %swap3A_372 = arith.constant 112 : index
        %swap3A_373 = tpu.vector_load %arg15[%swap3A_371, %swap3A_372] {strides = array<i32>} : memref<80x128xf32, #tpu.memory_space<vmem>>, vector<16xf32>,
        tpu.vector_store %arg15[%swap3A_371, %swap3A_372], %mul3A_370 {strides = array<i32>} : memref<80x128xf32, #tpu.memory_space<vmem>>, vector<16xf32>,
        %scan3A_374 = arith.constant 0 : i32
        scf.yield %scan3A_374 : i32
      }
      %scan3A_314 = arith.constant 80 : i32
      "tpu.region"() ({
        %run_scoped3A = tpu.sem_alloc : memref<!tpu.dma_semaphore, #tpu.memory_space<semaphore_mem>>
        %dma_start3A = arith.constant 0 : i32
        %dma_start3A_315 = arith.constant 0 : i32
        %dma_start3A_316 = tpu.memref_slice %arg22[%dma_start3A, %dma_start3A_315] : memref<5008x128xf32, #tpu.memory_space<vmem_shared>> -> memref<5008x128xf32, #tpu.memory_space<vmem_shared>>
        tpu.enqueue_indirect_dma source(%arg15 : memref<80x128xf32, #tpu.memory_space<vmem>>) target(%dma_start3A_316 : memref<5008x128xf32, #tpu.memory_space<vmem_shared>>) offsets(%arg17 : memref<80xi32, #tpu.memory_space<vmem>>) semaphore(%run_scoped3A : memref<!tpu.dma_semaphore, #tpu.memory_space<semaphore_mem>>) {add = true}
        %dma_wait3A_317 = arith.constant 0 : i32
        %dma_wait3A_318 = arith.constant 0 : i32
        %dma_wait3A_319 = tpu.memref_slice %arg22[%dma_wait3A_317, %dma_wait3A_318] : memref<5008x128xf32, #tpu.memory_space<vmem_shared>> -> memref<5008x128xf32, #tpu.memory_space<vmem_shared>>
        tpu.wait_indirect_dma semaphore(%run_scoped3A : memref<!tpu.dma_semaphore, #tpu.memory_space<semaphore_mem>>) src(%arg15 : memref<80x128xf32, #tpu.memory_space<vmem>>) dst(%dma_wait3A_319 : memref<5008x128xf32, #tpu.memory_space<vmem_shared>>)
        tpu.yield
      }) : () -> ()
    } else {
    }
    %barrier3A_214 = arith.constant 0 : index
    tpu.barrier barrier_id(%barrier3A_214)
    %lt3A = arith.constant 8 : i32
    %lt3A_215 = arith.cmpi slt, %arg1, %lt3A : i32
    %convert_element_type3A_216 = arith.extui %lt3A_215 : i1 to i32
    %cond3A_217 = arith.constant 0 : i32
    %cond3A_218 = arith.cmpi ne, %convert_element_type3A_216, %cond3A_217 : i32
    scf.if %cond3A_218 {
      %mul3A_302 = arith.constant 624 : i32
      %mul3A_303 = arith.muli %arg1, %mul3A_302 : i32
      %mul3A_304 = arith.constant 624 : i32
      %mul3A_305 = arith.muli %arg1, %mul3A_304 : i32
      %add3A_306 = arith.addi %mul3A_0, %mul3A_305 : i32
      "tpu.region"() ({
        %run_scoped3A = tpu.sem_alloc : memref<!tpu.dma_semaphore, #tpu.memory_space<semaphore_mem>>
        %dma_start3A = arith.constant 0 : i32
        %dma_start3A_307 = tpu.memref_slice %arg8[%add3A_306, %dma_start3A] : memref<10000x256xf32, #tpu.memory_space<hbm>> -> memref<624x128xf32, #tpu.memory_space<hbm>>
        %dma_start3A_308 = arith.constant 0 : i32
        %dma_start3A_309 = tpu.memref_slice %arg22[%mul3A_303, %dma_start3A_308] : memref<5008x128xf32, #tpu.memory_space<vmem_shared>> -> memref<624x128xf32, #tpu.memory_space<vmem_shared>>
        tpu.enqueue_dma source(%dma_start3A_309 : memref<624x128xf32, #tpu.memory_space<vmem_shared>>) target(%dma_start3A_307 : memref<624x128xf32, #tpu.memory_space<hbm>>) target_semaphore(%run_scoped3A : memref<!tpu.dma_semaphore, #tpu.memory_space<semaphore_mem>>)
        %dma_wait3A = arith.constant 0 : i32
        %dma_wait3A_310 = tpu.memref_slice %arg8[%add3A_306, %dma_wait3A] : memref<10000x256xf32, #tpu.memory_space<hbm>> -> memref<624x128xf32, #tpu.memory_space<hbm>>
        %dma_wait3A_311 = arith.constant 0 : i32
        %dma_wait3A_312 = tpu.memref_slice %arg22[%mul3A_303, %dma_wait3A_311] : memref<5008x128xf32, #tpu.memory_space<vmem_shared>> -> memref<624x128xf32, #tpu.memory_space<vmem_shared>>
        tpu.wait_dma2 semaphore(%run_scoped3A : memref<!tpu.dma_semaphore, #tpu.memory_space<semaphore_mem>>) src(%dma_wait3A_312 : memref<624x128xf32, #tpu.memory_space<vmem_shared>>) dst(%dma_wait3A_310 : memref<624x128xf32, #tpu.memory_space<hbm>>)
        tpu.yield
      }) : () -> ()
    } else {
    }
    %eq3A_219 = arith.constant 8 : i32
    %eq3A_220 = arith.cmpi eq, %arg1, %eq3A_219 : i32
    %convert_element_type3A_221 = arith.extui %eq3A_220 : i1 to i32
    %cond3A_222 = arith.constant 0 : i32
    %cond3A_223 = arith.cmpi ne, %convert_element_type3A_221, %cond3A_222 : i32
    scf.if %cond3A_223 {
      %add3A_302 = arith.constant 4992 : i32
      %add3A_303 = arith.addi %mul3A_0, %add3A_302 : i32
      "tpu.region"() ({
        %run_scoped3A = tpu.sem_alloc : memref<!tpu.dma_semaphore, #tpu.memory_space<semaphore_mem>>
        %dma_start3A = arith.constant 0 : i32
        %dma_start3A_304 = tpu.memref_slice %arg8[%add3A_303, %dma_start3A] : memref<10000x256xf32, #tpu.memory_space<hbm>> -> memref<8x128xf32, #tpu.memory_space<hbm>>
        %dma_start3A_305 = arith.constant 4992 : i32
        %dma_start3A_306 = arith.constant 0 : i32
        %dma_start3A_307 = tpu.memref_slice %arg22[%dma_start3A_305, %dma_start3A_306] : memref<5008x128xf32, #tpu.memory_space<vmem_shared>> -> memref<8x128xf32, #tpu.memory_space<vmem_shared>>
        tpu.enqueue_dma source(%dma_start3A_307 : memref<8x128xf32, #tpu.memory_space<vmem_shared>>) target(%dma_start3A_304 : memref<8x128xf32, #tpu.memory_space<hbm>>) target_semaphore(%run_scoped3A : memref<!tpu.dma_semaphore, #tpu.memory_space<semaphore_mem>>)
        %dma_wait3A = arith.constant 0 : i32
        %dma_wait3A_308 = tpu.memref_slice %arg8[%add3A_303, %dma_wait3A] : memref<10000x256xf32, #tpu.memory_space<hbm>> -> memref<8x128xf32, #tpu.memory_space<hbm>>
        %dma_wait3A_309 = arith.constant 4992 : i32
        %dma_wait3A_310 = arith.constant 0 : i32
        %dma_wait3A_311 = tpu.memref_slice %arg22[%dma_wait3A_309, %dma_wait3A_310] : memref<5008x128xf32, #tpu.memory_space<vmem_shared>> -> memref<8x128xf32, #tpu.memory_space<vmem_shared>>
        tpu.wait_dma2 semaphore(%run_scoped3A : memref<!tpu.dma_semaphore, #tpu.memory_space<semaphore_mem>>) src(%dma_wait3A_311 : memref<8x128xf32, #tpu.memory_space<vmem_shared>>) dst(%dma_wait3A_308 : memref<8x128xf32, #tpu.memory_space<hbm>>)
        tpu.yield
      }) : () -> ()
    } else {
    }
    %barrier3A_224 = arith.constant 0 : index
    tpu.barrier barrier_id(%barrier3A_224)
    %scan3A_225 = arith.constant 0 : i32
    %scan3A_226 = arith.constant 0 : i32
    %scan3A_227 = arith.constant 80 : i32
    %scan3A_228 = arith.addi %scan3A_226, %scan3A_227 : i32
    %scan3A_229 = arith.constant 1 : i32
    %scan3A_230 = scf.for %scan3A_302 = %scan3A_226 to %scan3A_228 step %scan3A_229 iter_args(%scan3A_303 = %scan3A_225) -> (i32)  : i32 {
      %broadcast_in_dim3A_304 = arith.constant 0.000000e+00 : f32
      %broadcast_in_dim3A_305 = vector.broadcast %broadcast_in_dim3A_304 : f32 to vector<16xf32>
      %swap3A_306 = arith.index_cast %scan3A_302 : i32 to index
      %swap3A_307 = arith.constant 0 : index
      %swap3A_308 = tpu.vector_load %arg15[%swap3A_306, %swap3A_307] {strides = array<i32>} : memref<80x128xf32, #tpu.memory_space<vmem>>, vector<16xf32>,
      tpu.vector_store %arg15[%swap3A_306, %swap3A_307], %broadcast_in_dim3A_305 {strides = array<i32>} : memref<80x128xf32, #tpu.memory_space<vmem>>, vector<16xf32>,
      %broadcast_in_dim3A_309 = arith.constant 0.000000e+00 : f32
      %broadcast_in_dim3A_310 = vector.broadcast %broadcast_in_dim3A_309 : f32 to vector<16xf32>
      %swap3A_311 = arith.index_cast %scan3A_302 : i32 to index
      %swap3A_312 = arith.constant 16 : index
      %swap3A_313 = tpu.vector_load %arg15[%swap3A_311, %swap3A_312] {strides = array<i32>} : memref<80x128xf32, #tpu.memory_space<vmem>>, vector<16xf32>,
      tpu.vector_store %arg15[%swap3A_311, %swap3A_312], %broadcast_in_dim3A_310 {strides = array<i32>} : memref<80x128xf32, #tpu.memory_space<vmem>>, vector<16xf32>,
      %broadcast_in_dim3A_314 = arith.constant 0.000000e+00 : f32
      %broadcast_in_dim3A_315 = vector.broadcast %broadcast_in_dim3A_314 : f32 to vector<16xf32>
      %swap3A_316 = arith.index_cast %scan3A_302 : i32 to index
      %swap3A_317 = arith.constant 32 : index
      %swap3A_318 = tpu.vector_load %arg15[%swap3A_316, %swap3A_317] {strides = array<i32>} : memref<80x128xf32, #tpu.memory_space<vmem>>, vector<16xf32>,
      tpu.vector_store %arg15[%swap3A_316, %swap3A_317], %broadcast_in_dim3A_315 {strides = array<i32>} : memref<80x128xf32, #tpu.memory_space<vmem>>, vector<16xf32>,
      %broadcast_in_dim3A_319 = arith.constant 0.000000e+00 : f32
      %broadcast_in_dim3A_320 = vector.broadcast %broadcast_in_dim3A_319 : f32 to vector<16xf32>
      %swap3A_321 = arith.index_cast %scan3A_302 : i32 to index
      %swap3A_322 = arith.constant 48 : index
      %swap3A_323 = tpu.vector_load %arg15[%swap3A_321, %swap3A_322] {strides = array<i32>} : memref<80x128xf32, #tpu.memory_space<vmem>>, vector<16xf32>,
      tpu.vector_store %arg15[%swap3A_321, %swap3A_322], %broadcast_in_dim3A_320 {strides = array<i32>} : memref<80x128xf32, #tpu.memory_space<vmem>>, vector<16xf32>,
      %broadcast_in_dim3A_324 = arith.constant 0.000000e+00 : f32
      %broadcast_in_dim3A_325 = vector.broadcast %broadcast_in_dim3A_324 : f32 to vector<16xf32>
      %swap3A_326 = arith.index_cast %scan3A_302 : i32 to index
      %swap3A_327 = arith.constant 64 : index
      %swap3A_328 = tpu.vector_load %arg15[%swap3A_326, %swap3A_327] {strides = array<i32>} : memref<80x128xf32, #tpu.memory_space<vmem>>, vector<16xf32>,
      tpu.vector_store %arg15[%swap3A_326, %swap3A_327], %broadcast_in_dim3A_325 {strides = array<i32>} : memref<80x128xf32, #tpu.memory_space<vmem>>, vector<16xf32>,
      %broadcast_in_dim3A_329 = arith.constant 0.000000e+00 : f32
      %broadcast_in_dim3A_330 = vector.broadcast %broadcast_in_dim3A_329 : f32 to vector<16xf32>
      %swap3A_331 = arith.index_cast %scan3A_302 : i32 to index
      %swap3A_332 = arith.constant 80 : index
      %swap3A_333 = tpu.vector_load %arg15[%swap3A_331, %swap3A_332] {strides = array<i32>} : memref<80x128xf32, #tpu.memory_space<vmem>>, vector<16xf32>,
      tpu.vector_store %arg15[%swap3A_331, %swap3A_332], %broadcast_in_dim3A_330 {strides = array<i32>} : memref<80x128xf32, #tpu.memory_space<vmem>>, vector<16xf32>,
      %broadcast_in_dim3A_334 = arith.constant 0.000000e+00 : f32
      %broadcast_in_dim3A_335 = vector.broadcast %broadcast_in_dim3A_334 : f32 to vector<16xf32>
      %swap3A_336 = arith.index_cast %scan3A_302 : i32 to index
      %swap3A_337 = arith.constant 96 : index
      %swap3A_338 = tpu.vector_load %arg15[%swap3A_336, %swap3A_337] {strides = array<i32>} : memref<80x128xf32, #tpu.memory_space<vmem>>, vector<16xf32>,
      tpu.vector_store %arg15[%swap3A_336, %swap3A_337], %broadcast_in_dim3A_335 {strides = array<i32>} : memref<80x128xf32, #tpu.memory_space<vmem>>, vector<16xf32>,
      %broadcast_in_dim3A_339 = arith.constant 0.000000e+00 : f32
      %broadcast_in_dim3A_340 = vector.broadcast %broadcast_in_dim3A_339 : f32 to vector<16xf32>
      %swap3A_341 = arith.index_cast %scan3A_302 : i32 to index
      %swap3A_342 = arith.constant 112 : index
      %swap3A_343 = tpu.vector_load %arg15[%swap3A_341, %swap3A_342] {strides = array<i32>} : memref<80x128xf32, #tpu.memory_space<vmem>>, vector<16xf32>,
      tpu.vector_store %arg15[%swap3A_341, %swap3A_342], %broadcast_in_dim3A_340 {strides = array<i32>} : memref<80x128xf32, #tpu.memory_space<vmem>>, vector<16xf32>,
      %scan3A_344 = arith.constant 0 : i32
      scf.yield %scan3A_344 : i32
    }
    %scan3A_231 = arith.constant 80 : i32
    %add3A_232 = arith.constant 0 : i32
    %add3A_233 = arith.addi %mul3A_2, %add3A_232 : i32
    "tpu.region"() ({
      %run_scoped3A = tpu.sem_alloc : memref<!tpu.dma_semaphore, #tpu.memory_space<semaphore_mem>>
      %dma_start3A = arith.constant 0 : i32
      %dma_start3A_302 = tpu.memref_slice %arg22[%add3A_233, %dma_start3A] : memref<5008x128xf32, #tpu.memory_space<vmem_shared>> -> memref<80x128xf32, #tpu.memory_space<vmem_shared>>
      %dma_start3A_303 = arith.constant 0 : i32
      %dma_start3A_304 = tpu.memref_slice %arg22[%add3A_233, %dma_start3A_303] : memref<5008x128xf32, #tpu.memory_space<vmem_shared>> -> memref<80x128xf32, #tpu.memory_space<vmem_shared>>
      tpu.enqueue_dma source(%arg15 : memref<80x128xf32, #tpu.memory_space<vmem>>) target(%dma_start3A_304 : memref<80x128xf32, #tpu.memory_space<vmem_shared>>) target_semaphore(%run_scoped3A : memref<!tpu.dma_semaphore, #tpu.memory_space<semaphore_mem>>)
      %dma_wait3A = arith.constant 0 : i32
      %dma_wait3A_305 = tpu.memref_slice %arg22[%add3A_233, %dma_wait3A] : memref<5008x128xf32, #tpu.memory_space<vmem_shared>> -> memref<80x128xf32, #tpu.memory_space<vmem_shared>>
      %dma_wait3A_306 = arith.constant 0 : i32
      %dma_wait3A_307 = tpu.memref_slice %arg22[%add3A_233, %dma_wait3A_306] : memref<5008x128xf32, #tpu.memory_space<vmem_shared>> -> memref<80x128xf32, #tpu.memory_space<vmem_shared>>
      tpu.wait_dma2 semaphore(%run_scoped3A : memref<!tpu.dma_semaphore, #tpu.memory_space<semaphore_mem>>) src(%arg15 : memref<80x128xf32, #tpu.memory_space<vmem>>) dst(%dma_wait3A_307 : memref<80x128xf32, #tpu.memory_space<vmem_shared>>)
      tpu.yield
    }) : () -> ()
    %add3A_234 = arith.constant 80 : i32
    %add3A_235 = arith.addi %mul3A_2, %add3A_234 : i32
    "tpu.region"() ({
      %run_scoped3A = tpu.sem_alloc : memref<!tpu.dma_semaphore, #tpu.memory_space<semaphore_mem>>
      %dma_start3A = arith.constant 0 : i32
      %dma_start3A_302 = tpu.memref_slice %arg22[%add3A_235, %dma_start3A] : memref<5008x128xf32, #tpu.memory_space<vmem_shared>> -> memref<80x128xf32, #tpu.memory_space<vmem_shared>>
      %dma_start3A_303 = arith.constant 0 : i32
      %dma_start3A_304 = tpu.memref_slice %arg22[%add3A_235, %dma_start3A_303] : memref<5008x128xf32, #tpu.memory_space<vmem_shared>> -> memref<80x128xf32, #tpu.memory_space<vmem_shared>>
      tpu.enqueue_dma source(%arg15 : memref<80x128xf32, #tpu.memory_space<vmem>>) target(%dma_start3A_304 : memref<80x128xf32, #tpu.memory_space<vmem_shared>>) target_semaphore(%run_scoped3A : memref<!tpu.dma_semaphore, #tpu.memory_space<semaphore_mem>>)
      %dma_wait3A = arith.constant 0 : i32
      %dma_wait3A_305 = tpu.memref_slice %arg22[%add3A_235, %dma_wait3A] : memref<5008x128xf32, #tpu.memory_space<vmem_shared>> -> memref<80x128xf32, #tpu.memory_space<vmem_shared>>
      %dma_wait3A_306 = arith.constant 0 : i32
      %dma_wait3A_307 = tpu.memref_slice %arg22[%add3A_235, %dma_wait3A_306] : memref<5008x128xf32, #tpu.memory_space<vmem_shared>> -> memref<80x128xf32, #tpu.memory_space<vmem_shared>>
      tpu.wait_dma2 semaphore(%run_scoped3A : memref<!tpu.dma_semaphore, #tpu.memory_space<semaphore_mem>>) src(%arg15 : memref<80x128xf32, #tpu.memory_space<vmem>>) dst(%dma_wait3A_307 : memref<80x128xf32, #tpu.memory_space<vmem_shared>>)
      tpu.yield
    }) : () -> ()
    %add3A_236 = arith.constant 160 : i32
    %add3A_237 = arith.addi %mul3A_2, %add3A_236 : i32
    "tpu.region"() ({
      %run_scoped3A = tpu.sem_alloc : memref<!tpu.dma_semaphore, #tpu.memory_space<semaphore_mem>>
      %dma_start3A = arith.constant 0 : i32
      %dma_start3A_302 = tpu.memref_slice %arg22[%add3A_237, %dma_start3A] : memref<5008x128xf32, #tpu.memory_space<vmem_shared>> -> memref<80x128xf32, #tpu.memory_space<vmem_shared>>
      %dma_start3A_303 = arith.constant 0 : i32
      %dma_start3A_304 = tpu.memref_slice %arg22[%add3A_237, %dma_start3A_303] : memref<5008x128xf32, #tpu.memory_space<vmem_shared>> -> memref<80x128xf32, #tpu.memory_space<vmem_shared>>
      tpu.enqueue_dma source(%arg15 : memref<80x128xf32, #tpu.memory_space<vmem>>) target(%dma_start3A_304 : memref<80x128xf32, #tpu.memory_space<vmem_shared>>) target_semaphore(%run_scoped3A : memref<!tpu.dma_semaphore, #tpu.memory_space<semaphore_mem>>)
      %dma_wait3A = arith.constant 0 : i32
      %dma_wait3A_305 = tpu.memref_slice %arg22[%add3A_237, %dma_wait3A] : memref<5008x128xf32, #tpu.memory_space<vmem_shared>> -> memref<80x128xf32, #tpu.memory_space<vmem_shared>>
      %dma_wait3A_306 = arith.constant 0 : i32
      %dma_wait3A_307 = tpu.memref_slice %arg22[%add3A_237, %dma_wait3A_306] : memref<5008x128xf32, #tpu.memory_space<vmem_shared>> -> memref<80x128xf32, #tpu.memory_space<vmem_shared>>
      tpu.wait_dma2 semaphore(%run_scoped3A : memref<!tpu.dma_semaphore, #tpu.memory_space<semaphore_mem>>) src(%arg15 : memref<80x128xf32, #tpu.memory_space<vmem>>) dst(%dma_wait3A_307 : memref<80x128xf32, #tpu.memory_space<vmem_shared>>)
      tpu.yield
    }) : () -> ()
    %add3A_238 = arith.constant 313 : i32
    %add3A_239 = arith.addi %mul3A_2, %add3A_238 : i32
    %sub3A_240 = arith.constant 73 : i32
    %sub3A_241 = arith.subi %add3A_239, %sub3A_240 : i32
    "tpu.region"() ({
      %run_scoped3A = tpu.sem_alloc : memref<!tpu.dma_semaphore, #tpu.memory_space<semaphore_mem>>
      %dma_start3A = arith.constant 0 : i32
      %dma_start3A_302 = arith.constant 0 : i32
      %dma_start3A_303 = tpu.memref_slice %arg15[%dma_start3A, %dma_start3A_302] : memref<80x128xf32, #tpu.memory_space<vmem>> -> memref<73x128xf32, #tpu.memory_space<vmem>>
      %dma_start3A_304 = arith.constant 0 : i32
      %dma_start3A_305 = tpu.memref_slice %arg22[%sub3A_241, %dma_start3A_304] : memref<5008x128xf32, #tpu.memory_space<vmem_shared>> -> memref<73x128xf32, #tpu.memory_space<vmem_shared>>
      %dma_start3A_306 = arith.constant 0 : i32
      %dma_start3A_307 = tpu.memref_slice %arg22[%sub3A_241, %dma_start3A_306] : memref<5008x128xf32, #tpu.memory_space<vmem_shared>> -> memref<73x128xf32, #tpu.memory_space<vmem_shared>>
      %dma_start3A_308 = arith.constant 0 : i32
      %dma_start3A_309 = arith.constant 0 : i32
      %dma_start3A_310 = tpu.memref_slice %arg15[%dma_start3A_308, %dma_start3A_309] : memref<80x128xf32, #tpu.memory_space<vmem>> -> memref<73x128xf32, #tpu.memory_space<vmem>>
      tpu.enqueue_dma source(%dma_start3A_310 : memref<73x128xf32, #tpu.memory_space<vmem>>) target(%dma_start3A_307 : memref<73x128xf32, #tpu.memory_space<vmem_shared>>) target_semaphore(%run_scoped3A : memref<!tpu.dma_semaphore, #tpu.memory_space<semaphore_mem>>)
      %dma_wait3A = arith.constant 0 : i32
      %dma_wait3A_311 = arith.constant 0 : i32
      %dma_wait3A_312 = tpu.memref_slice %arg15[%dma_wait3A, %dma_wait3A_311] : memref<80x128xf32, #tpu.memory_space<vmem>> -> memref<73x128xf32, #tpu.memory_space<vmem>>
      %dma_wait3A_313 = arith.constant 0 : i32
      %dma_wait3A_314 = tpu.memref_slice %arg22[%sub3A_241, %dma_wait3A_313] : memref<5008x128xf32, #tpu.memory_space<vmem_shared>> -> memref<73x128xf32, #tpu.memory_space<vmem_shared>>
      %dma_wait3A_315 = arith.constant 0 : i32
      %dma_wait3A_316 = tpu.memref_slice %arg22[%sub3A_241, %dma_wait3A_315] : memref<5008x128xf32, #tpu.memory_space<vmem_shared>> -> memref<73x128xf32, #tpu.memory_space<vmem_shared>>
      %dma_wait3A_317 = arith.constant 0 : i32
      %dma_wait3A_318 = arith.constant 0 : i32
      %dma_wait3A_319 = tpu.memref_slice %arg15[%dma_wait3A_317, %dma_wait3A_318] : memref<80x128xf32, #tpu.memory_space<vmem>> -> memref<73x128xf32, #tpu.memory_space<vmem>>
      tpu.wait_dma2 semaphore(%run_scoped3A : memref<!tpu.dma_semaphore, #tpu.memory_space<semaphore_mem>>) src(%dma_wait3A_319 : memref<73x128xf32, #tpu.memory_space<vmem>>) dst(%dma_wait3A_316 : memref<73x128xf32, #tpu.memory_space<vmem_shared>>)
      tpu.yield
    }) : () -> ()
    %barrier3A_242 = arith.constant 0 : index
    tpu.barrier barrier_id(%barrier3A_242)
    %gt3A_243 = arith.constant 0 : i32
    %gt3A_244 = arith.cmpi sgt, %select_n3A, %gt3A_243 : i32
    %convert_element_type3A_245 = arith.extui %gt3A_244 : i1 to i32
    %cond3A_246 = arith.constant 0 : i32
    %cond3A_247 = arith.cmpi ne, %convert_element_type3A_245, %cond3A_246 : i32
    scf.if %cond3A_247 {
      %get3A = arith.constant 0 : index
      %get3A_302 = tpu.vector_load %arg11[%get3A] {strides = array<i32>} : memref<10080xi32, #tpu.memory_space<vmem>>, vector<16xi32>,
      %swap3A_303 = arith.constant 0 : index
      %swap3A_304 = tpu.vector_load %arg16[%swap3A_303] {strides = array<i32>} : memref<80xi32, #tpu.memory_space<vmem>>, vector<16xi32>,
      tpu.vector_store %arg16[%swap3A_303], %get3A_302 {strides = array<i32>} : memref<80xi32, #tpu.memory_space<vmem>>, vector<16xi32>,
      %get3A_305 = arith.constant 0 : index
      %get3A_306 = tpu.vector_load %arg12[%get3A_305] {strides = array<i32>} : memref<10080xi32, #tpu.memory_space<vmem>>, vector<16xi32>,
      %swap3A_307 = arith.constant 0 : index
      %swap3A_308 = tpu.vector_load %arg17[%swap3A_307] {strides = array<i32>} : memref<80xi32, #tpu.memory_space<vmem>>, vector<16xi32>,
      tpu.vector_store %arg17[%swap3A_307], %get3A_306 {strides = array<i32>} : memref<80xi32, #tpu.memory_space<vmem>>, vector<16xi32>,
      %get3A_309 = arith.constant 16 : index
      %get3A_310 = tpu.vector_load %arg11[%get3A_309] {strides = array<i32>} : memref<10080xi32, #tpu.memory_space<vmem>>, vector<16xi32>,
      %swap3A_311 = arith.constant 16 : index
      %swap3A_312 = tpu.vector_load %arg16[%swap3A_311] {strides = array<i32>} : memref<80xi32, #tpu.memory_space<vmem>>, vector<16xi32>,
      tpu.vector_store %arg16[%swap3A_311], %get3A_310 {strides = array<i32>} : memref<80xi32, #tpu.memory_space<vmem>>, vector<16xi32>,
      %get3A_313 = arith.constant 16 : index
      %get3A_314 = tpu.vector_load %arg12[%get3A_313] {strides = array<i32>} : memref<10080xi32, #tpu.memory_space<vmem>>, vector<16xi32>,
      %swap3A_315 = arith.constant 16 : index
      %swap3A_316 = tpu.vector_load %arg17[%swap3A_315] {strides = array<i32>} : memref<80xi32, #tpu.memory_space<vmem>>, vector<16xi32>,
      tpu.vector_store %arg17[%swap3A_315], %get3A_314 {strides = array<i32>} : memref<80xi32, #tpu.memory_space<vmem>>, vector<16xi32>,
      %get3A_317 = arith.constant 32 : index
      %get3A_318 = tpu.vector_load %arg11[%get3A_317] {strides = array<i32>} : memref<10080xi32, #tpu.memory_space<vmem>>, vector<16xi32>,
      %swap3A_319 = arith.constant 32 : index
      %swap3A_320 = tpu.vector_load %arg16[%swap3A_319] {strides = array<i32>} : memref<80xi32, #tpu.memory_space<vmem>>, vector<16xi32>,
      tpu.vector_store %arg16[%swap3A_319], %get3A_318 {strides = array<i32>} : memref<80xi32, #tpu.memory_space<vmem>>, vector<16xi32>,
      %get3A_321 = arith.constant 32 : index
      %get3A_322 = tpu.vector_load %arg12[%get3A_321] {strides = array<i32>} : memref<10080xi32, #tpu.memory_space<vmem>>, vector<16xi32>,
      %swap3A_323 = arith.constant 32 : index
      %swap3A_324 = tpu.vector_load %arg17[%swap3A_323] {strides = array<i32>} : memref<80xi32, #tpu.memory_space<vmem>>, vector<16xi32>,
      tpu.vector_store %arg17[%swap3A_323], %get3A_322 {strides = array<i32>} : memref<80xi32, #tpu.memory_space<vmem>>, vector<16xi32>,
      %get3A_325 = arith.constant 48 : index
      %get3A_326 = tpu.vector_load %arg11[%get3A_325] {strides = array<i32>} : memref<10080xi32, #tpu.memory_space<vmem>>, vector<16xi32>,
      %swap3A_327 = arith.constant 48 : index
      %swap3A_328 = tpu.vector_load %arg16[%swap3A_327] {strides = array<i32>} : memref<80xi32, #tpu.memory_space<vmem>>, vector<16xi32>,
      tpu.vector_store %arg16[%swap3A_327], %get3A_326 {strides = array<i32>} : memref<80xi32, #tpu.memory_space<vmem>>, vector<16xi32>,
      %get3A_329 = arith.constant 48 : index
      %get3A_330 = tpu.vector_load %arg12[%get3A_329] {strides = array<i32>} : memref<10080xi32, #tpu.memory_space<vmem>>, vector<16xi32>,
      %swap3A_331 = arith.constant 48 : index
      %swap3A_332 = tpu.vector_load %arg17[%swap3A_331] {strides = array<i32>} : memref<80xi32, #tpu.memory_space<vmem>>, vector<16xi32>,
      tpu.vector_store %arg17[%swap3A_331], %get3A_330 {strides = array<i32>} : memref<80xi32, #tpu.memory_space<vmem>>, vector<16xi32>,
      %get3A_333 = arith.constant 64 : index
      %get3A_334 = tpu.vector_load %arg11[%get3A_333] {strides = array<i32>} : memref<10080xi32, #tpu.memory_space<vmem>>, vector<16xi32>,
      %swap3A_335 = arith.constant 64 : index
      %swap3A_336 = tpu.vector_load %arg16[%swap3A_335] {strides = array<i32>} : memref<80xi32, #tpu.memory_space<vmem>>, vector<16xi32>,
      tpu.vector_store %arg16[%swap3A_335], %get3A_334 {strides = array<i32>} : memref<80xi32, #tpu.memory_space<vmem>>, vector<16xi32>,
      %get3A_337 = arith.constant 64 : index
      %get3A_338 = tpu.vector_load %arg12[%get3A_337] {strides = array<i32>} : memref<10080xi32, #tpu.memory_space<vmem>>, vector<16xi32>,
      %swap3A_339 = arith.constant 64 : index
      %swap3A_340 = tpu.vector_load %arg17[%swap3A_339] {strides = array<i32>} : memref<80xi32, #tpu.memory_space<vmem>>, vector<16xi32>,
      tpu.vector_store %arg17[%swap3A_339], %get3A_338 {strides = array<i32>} : memref<80xi32, #tpu.memory_space<vmem>>, vector<16xi32>,
      %dma_start3A = arith.constant 0 : i32
      %dma_start3A_341 = arith.constant 0 : i32
      %dma_start3A_342 = tpu.memref_slice %arg7[%dma_start3A, %dma_start3A_341] : memref<10000x128xf32, #tpu.memory_space<hbm>> -> memref<10000x128xf32, #tpu.memory_space<hbm>>
      tpu.enqueue_indirect_dma source(%dma_start3A_342 : memref<10000x128xf32, #tpu.memory_space<hbm>>) target(%arg15 : memref<80x128xf32, #tpu.memory_space<vmem>>) offsets(%arg16 : memref<80xi32, #tpu.memory_space<vmem>>) semaphore(%arg24 : memref<!tpu.dma_semaphore, #tpu.memory_space<semaphore_mem>>)
    } else {
    }
    %jit3A_248 = arith.constant 2 : i32
    %div3A_249 = arith.divsi %select_n3A, %jit3A_248 : i32
    %sign3A_250 = arith.constant 0 : i32
    %sign3A_251 = arith.cmpi sgt, %select_n3A, %sign3A_250 : i32
    %sign3A_252 = arith.extui %sign3A_251 : i1 to i32
    %sign3A_253 = arith.constant 0 : i32
    %sign3A_254 = arith.cmpi slt, %select_n3A, %sign3A_253 : i32
    %sign3A_255 = arith.extui %sign3A_254 : i1 to i32
    %sign3A_256 = arith.subi %sign3A_252, %sign3A_255 : i32
    %sign3A_257 = arith.constant 0 : i32
    %sign3A_258 = arith.cmpi sgt, %jit3A_248, %sign3A_257 : i32
    %sign3A_259 = arith.extui %sign3A_258 : i1 to i32
    %sign3A_260 = arith.constant 0 : i32
    %sign3A_261 = arith.cmpi slt, %jit3A_248, %sign3A_260 : i32
    %sign3A_262 = arith.extui %sign3A_261 : i1 to i32
    %sign3A_263 = arith.subi %sign3A_259, %sign3A_262 : i32
    %ne3A_264 = arith.cmpi ne, %sign3A_256, %sign3A_263 : i32
    %rem3A_265 = arith.remsi %select_n3A, %jit3A_248 : i32
    %ne3A_266 = arith.constant 0 : i32
    %ne3A_267 = arith.cmpi ne, %rem3A_265, %ne3A_266 : i32
    %and3A_268 = arith.andi %ne3A_264, %ne3A_267 : i1
    %sub3A_269 = arith.constant 1 : i32
    %sub3A_270 = arith.subi %div3A_249, %sub3A_269 : i32
    %select_n3A_271 = arith.select %and3A_268, %sub3A_270, %div3A_249 : i32
    %while3A_272 = arith.constant 0 : i32
    %while3A_273 = arith.constant 0 : i32
    %while3A_274 = arith.subi %select_n3A_271, %while3A_272 : i32
    %while3A_275 = arith.addi %while3A_272, %while3A_274 : i32
    %while3A_276 = arith.constant 1 : i32
    %while3A_277 = arith.divsi %while3A_274, %while3A_276 : i32
    %while3A_278 = arith.muli %while3A_277, %while3A_276 : i32
    %while3A_279 = arith.addi %while3A_272, %while3A_278 : i32
    %while3A_280 = arith.constant 1 : i32
    %while3A_281 = scf.for %while3A_302 = %while3A_272 to %while3A_279 step %while3A_280 iter_args(%while3A_303 = %while3A_273) -> (i32)  : i32 {
      %mul3A_304 = arith.constant 2 : i32
      %mul3A_305 = arith.muli %mul3A_304, %while3A_302 : i32
      %mul3A_306 = arith.constant 80 : i32
      %mul3A_307 = arith.muli %mul3A_305, %mul3A_306 : i32
      %add3A_308 = arith.constant 80 : i32
      %add3A_309 = arith.addi %mul3A_307, %add3A_308 : i32
      %add3A_310 = arith.constant 0 : i32
      %add3A_311 = arith.addi %add3A_309, %add3A_310 : i32
      %get3A = arith.index_cast %add3A_311 : i32 to index
      %get3A_312 = tpu.vector_load %arg11[%get3A] {strides = array<i32>} : memref<10080xi32, #tpu.memory_space<vmem>>, vector<16xi32>,
      %swap3A_313 = arith.constant 0 : index
      %swap3A_314 = tpu.vector_load %arg19[%swap3A_313] {strides = array<i32>} : memref<80xi32, #tpu.memory_space<vmem>>, vector<16xi32>,
      tpu.vector_store %arg19[%swap3A_313], %get3A_312 {strides = array<i32>} : memref<80xi32, #tpu.memory_space<vmem>>, vector<16xi32>,
      %get3A_315 = arith.index_cast %add3A_311 : i32 to index
      %get3A_316 = tpu.vector_load %arg12[%get3A_315] {strides = array<i32>} : memref<10080xi32, #tpu.memory_space<vmem>>, vector<16xi32>,
      %swap3A_317 = arith.constant 0 : index
      %swap3A_318 = tpu.vector_load %arg20[%swap3A_317] {strides = array<i32>} : memref<80xi32, #tpu.memory_space<vmem>>, vector<16xi32>,
      tpu.vector_store %arg20[%swap3A_317], %get3A_316 {strides = array<i32>} : memref<80xi32, #tpu.memory_space<vmem>>, vector<16xi32>,
      %add3A_319 = arith.constant 16 : i32
      %add3A_320 = arith.addi %add3A_309, %add3A_319 : i32
      %get3A_321 = arith.index_cast %add3A_320 : i32 to index
      %get3A_322 = tpu.vector_load %arg11[%get3A_321] {strides = array<i32>} : memref<10080xi32, #tpu.memory_space<vmem>>, vector<16xi32>,
      %swap3A_323 = arith.constant 16 : index
      %swap3A_324 = tpu.vector_load %arg19[%swap3A_323] {strides = array<i32>} : memref<80xi32, #tpu.memory_space<vmem>>, vector<16xi32>,
      tpu.vector_store %arg19[%swap3A_323], %get3A_322 {strides = array<i32>} : memref<80xi32, #tpu.memory_space<vmem>>, vector<16xi32>,
      %get3A_325 = arith.index_cast %add3A_320 : i32 to index
      %get3A_326 = tpu.vector_load %arg12[%get3A_325] {strides = array<i32>} : memref<10080xi32, #tpu.memory_space<vmem>>, vector<16xi32>,
      %swap3A_327 = arith.constant 16 : index
      %swap3A_328 = tpu.vector_load %arg20[%swap3A_327] {strides = array<i32>} : memref<80xi32, #tpu.memory_space<vmem>>, vector<16xi32>,
      tpu.vector_store %arg20[%swap3A_327], %get3A_326 {strides = array<i32>} : memref<80xi32, #tpu.memory_space<vmem>>, vector<16xi32>,
      %add3A_329 = arith.constant 32 : i32
      %add3A_330 = arith.addi %add3A_309, %add3A_329 : i32
      %get3A_331 = arith.index_cast %add3A_330 : i32 to index
      %get3A_332 = tpu.vector_load %arg11[%get3A_331] {strides = array<i32>} : memref<10080xi32, #tpu.memory_space<vmem>>, vector<16xi32>,
      %swap3A_333 = arith.constant 32 : index
      %swap3A_334 = tpu.vector_load %arg19[%swap3A_333] {strides = array<i32>} : memref<80xi32, #tpu.memory_space<vmem>>, vector<16xi32>,
      tpu.vector_store %arg19[%swap3A_333], %get3A_332 {strides = array<i32>} : memref<80xi32, #tpu.memory_space<vmem>>, vector<16xi32>,
      %get3A_335 = arith.index_cast %add3A_330 : i32 to index
      %get3A_336 = tpu.vector_load %arg12[%get3A_335] {strides = array<i32>} : memref<10080xi32, #tpu.memory_space<vmem>>, vector<16xi32>,
      %swap3A_337 = arith.constant 32 : index
      %swap3A_338 = tpu.vector_load %arg20[%swap3A_337] {strides = array<i32>} : memref<80xi32, #tpu.memory_space<vmem>>, vector<16xi32>,
      tpu.vector_store %arg20[%swap3A_337], %get3A_336 {strides = array<i32>} : memref<80xi32, #tpu.memory_space<vmem>>, vector<16xi32>,
      %add3A_339 = arith.constant 48 : i32
      %add3A_340 = arith.addi %add3A_309, %add3A_339 : i32
      %get3A_341 = arith.index_cast %add3A_340 : i32 to index
      %get3A_342 = tpu.vector_load %arg11[%get3A_341] {strides = array<i32>} : memref<10080xi32, #tpu.memory_space<vmem>>, vector<16xi32>,
      %swap3A_343 = arith.constant 48 : index
      %swap3A_344 = tpu.vector_load %arg19[%swap3A_343] {strides = array<i32>} : memref<80xi32, #tpu.memory_space<vmem>>, vector<16xi32>,
      tpu.vector_store %arg19[%swap3A_343], %get3A_342 {strides = array<i32>} : memref<80xi32, #tpu.memory_space<vmem>>, vector<16xi32>,
      %get3A_345 = arith.index_cast %add3A_340 : i32 to index
      %get3A_346 = tpu.vector_load %arg12[%get3A_345] {strides = array<i32>} : memref<10080xi32, #tpu.memory_space<vmem>>, vector<16xi32>,
      %swap3A_347 = arith.constant 48 : index
      %swap3A_348 = tpu.vector_load %arg20[%swap3A_347] {strides = array<i32>} : memref<80xi32, #tpu.memory_space<vmem>>, vector<16xi32>,
      tpu.vector_store %arg20[%swap3A_347], %get3A_346 {strides = array<i32>} : memref<80xi32, #tpu.memory_space<vmem>>, vector<16xi32>,
      %add3A_349 = arith.constant 64 : i32
      %add3A_350 = arith.addi %add3A_309, %add3A_349 : i32
      %get3A_351 = arith.index_cast %add3A_350 : i32 to index
      %get3A_352 = tpu.vector_load %arg11[%get3A_351] {strides = array<i32>} : memref<10080xi32, #tpu.memory_space<vmem>>, vector<16xi32>,
      %swap3A_353 = arith.constant 64 : index
      %swap3A_354 = tpu.vector_load %arg19[%swap3A_353] {strides = array<i32>} : memref<80xi32, #tpu.memory_space<vmem>>, vector<16xi32>,
      tpu.vector_store %arg19[%swap3A_353], %get3A_352 {strides = array<i32>} : memref<80xi32, #tpu.memory_space<vmem>>, vector<16xi32>,
      %get3A_355 = arith.index_cast %add3A_350 : i32 to index
      %get3A_356 = tpu.vector_load %arg12[%get3A_355] {strides = array<i32>} : memref<10080xi32, #tpu.memory_space<vmem>>, vector<16xi32>,
      %swap3A_357 = arith.constant 64 : index
      %swap3A_358 = tpu.vector_load %arg20[%swap3A_357] {strides = array<i32>} : memref<80xi32, #tpu.memory_space<vmem>>, vector<16xi32>,
      tpu.vector_store %arg20[%swap3A_357], %get3A_356 {strides = array<i32>} : memref<80xi32, #tpu.memory_space<vmem>>, vector<16xi32>,
      %dma_start3A = arith.constant 0 : i32
      %dma_start3A_359 = arith.constant 0 : i32
      %dma_start3A_360 = tpu.memref_slice %arg7[%dma_start3A, %dma_start3A_359] : memref<10000x128xf32, #tpu.memory_space<hbm>> -> memref<10000x128xf32, #tpu.memory_space<hbm>>
      tpu.enqueue_indirect_dma source(%dma_start3A_360 : memref<10000x128xf32, #tpu.memory_space<hbm>>) target(%arg18 : memref<80x128xf32, #tpu.memory_space<vmem>>) offsets(%arg19 : memref<80xi32, #tpu.memory_space<vmem>>) semaphore(%arg25 : memref<!tpu.dma_semaphore, #tpu.memory_space<semaphore_mem>>)
      %dma_wait3A = arith.constant 0 : i32
      %dma_wait3A_361 = arith.constant 0 : i32
      %dma_wait3A_362 = tpu.memref_slice %arg7[%dma_wait3A, %dma_wait3A_361] : memref<10000x128xf32, #tpu.memory_space<hbm>> -> memref<10000x128xf32, #tpu.memory_space<hbm>>
      tpu.wait_indirect_dma semaphore(%arg24 : memref<!tpu.dma_semaphore, #tpu.memory_space<semaphore_mem>>) src(%dma_wait3A_362 : memref<10000x128xf32, #tpu.memory_space<hbm>>) dst(%arg15 : memref<80x128xf32, #tpu.memory_space<vmem>>)
      %scan3A_363 = arith.constant 0 : i32
      %scan3A_364 = arith.constant 0 : i32
      %scan3A_365 = arith.constant 80 : i32
      %scan3A_366 = arith.addi %scan3A_364, %scan3A_365 : i32
      %scan3A_367 = arith.constant 1 : i32
      %scan3A_368 = scf.for %scan3A_389 = %scan3A_364 to %scan3A_366 step %scan3A_367 iter_args(%scan3A_390 = %scan3A_363) -> (i32)  : i32 {
        %add3A_391 = arith.addi %mul3A_307, %scan3A_389 : i32
        %broadcast_in_dim3A_392 = vector.broadcast %add3A_391 : i32 to vector<16xi32>
        %gather3A = tpu.vector_load_idx %arg13[%broadcast_in_dim3A_392] : memref<10080xf32, #tpu.memory_space<vmem>>[vector<16xi32>], vector<16xf32>,
        %get3A_393 = arith.index_cast %scan3A_389 : i32 to index
        %get3A_394 = arith.constant 0 : index
        %get3A_395 = tpu.vector_load %arg15[%get3A_393, %get3A_394] {strides = array<i32>} : memref<80x128xf32, #tpu.memory_space<vmem>>, vector<16xf32>,
        %mul3A_396 = arith.mulf %get3A_395, %gather3A : vector<16xf32>
        %swap3A_397 = arith.index_cast %scan3A_389 : i32 to index
        %swap3A_398 = arith.constant 0 : index
        %swap3A_399 = tpu.vector_load %arg15[%swap3A_397, %swap3A_398] {strides = array<i32>} : memref<80x128xf32, #tpu.memory_space<vmem>>, vector<16xf32>,
        tpu.vector_store %arg15[%swap3A_397, %swap3A_398], %mul3A_396 {strides = array<i32>} : memref<80x128xf32, #tpu.memory_space<vmem>>, vector<16xf32>,
        %get3A_400 = arith.index_cast %scan3A_389 : i32 to index
        %get3A_401 = arith.constant 16 : index
        %get3A_402 = tpu.vector_load %arg15[%get3A_400, %get3A_401] {strides = array<i32>} : memref<80x128xf32, #tpu.memory_space<vmem>>, vector<16xf32>,
        %mul3A_403 = arith.mulf %get3A_402, %gather3A : vector<16xf32>
        %swap3A_404 = arith.index_cast %scan3A_389 : i32 to index
        %swap3A_405 = arith.constant 16 : index
        %swap3A_406 = tpu.vector_load %arg15[%swap3A_404, %swap3A_405] {strides = array<i32>} : memref<80x128xf32, #tpu.memory_space<vmem>>, vector<16xf32>,
        tpu.vector_store %arg15[%swap3A_404, %swap3A_405], %mul3A_403 {strides = array<i32>} : memref<80x128xf32, #tpu.memory_space<vmem>>, vector<16xf32>,
        %get3A_407 = arith.index_cast %scan3A_389 : i32 to index
        %get3A_408 = arith.constant 32 : index
        %get3A_409 = tpu.vector_load %arg15[%get3A_407, %get3A_408] {strides = array<i32>} : memref<80x128xf32, #tpu.memory_space<vmem>>, vector<16xf32>,
        %mul3A_410 = arith.mulf %get3A_409, %gather3A : vector<16xf32>
        %swap3A_411 = arith.index_cast %scan3A_389 : i32 to index
        %swap3A_412 = arith.constant 32 : index
        %swap3A_413 = tpu.vector_load %arg15[%swap3A_411, %swap3A_412] {strides = array<i32>} : memref<80x128xf32, #tpu.memory_space<vmem>>, vector<16xf32>,
        tpu.vector_store %arg15[%swap3A_411, %swap3A_412], %mul3A_410 {strides = array<i32>} : memref<80x128xf32, #tpu.memory_space<vmem>>, vector<16xf32>,
        %get3A_414 = arith.index_cast %scan3A_389 : i32 to index
        %get3A_415 = arith.constant 48 : index
        %get3A_416 = tpu.vector_load %arg15[%get3A_414, %get3A_415] {strides = array<i32>} : memref<80x128xf32, #tpu.memory_space<vmem>>, vector<16xf32>,
        %mul3A_417 = arith.mulf %get3A_416, %gather3A : vector<16xf32>
        %swap3A_418 = arith.index_cast %scan3A_389 : i32 to index
        %swap3A_419 = arith.constant 48 : index
        %swap3A_420 = tpu.vector_load %arg15[%swap3A_418, %swap3A_419] {strides = array<i32>} : memref<80x128xf32, #tpu.memory_space<vmem>>, vector<16xf32>,
        tpu.vector_store %arg15[%swap3A_418, %swap3A_419], %mul3A_417 {strides = array<i32>} : memref<80x128xf32, #tpu.memory_space<vmem>>, vector<16xf32>,
        %get3A_421 = arith.index_cast %scan3A_389 : i32 to index
        %get3A_422 = arith.constant 64 : index
        %get3A_423 = tpu.vector_load %arg15[%get3A_421, %get3A_422] {strides = array<i32>} : memref<80x128xf32, #tpu.memory_space<vmem>>, vector<16xf32>,
        %mul3A_424 = arith.mulf %get3A_423, %gather3A : vector<16xf32>
        %swap3A_425 = arith.index_cast %scan3A_389 : i32 to index
        %swap3A_426 = arith.constant 64 : index
        %swap3A_427 = tpu.vector_load %arg15[%swap3A_425, %swap3A_426] {strides = array<i32>} : memref<80x128xf32, #tpu.memory_space<vmem>>, vector<16xf32>,
        tpu.vector_store %arg15[%swap3A_425, %swap3A_426], %mul3A_424 {strides = array<i32>} : memref<80x128xf32, #tpu.memory_space<vmem>>, vector<16xf32>,
        %get3A_428 = arith.index_cast %scan3A_389 : i32 to index
        %get3A_429 = arith.constant 80 : index
        %get3A_430 = tpu.vector_load %arg15[%get3A_428, %get3A_429] {strides = array<i32>} : memref<80x128xf32, #tpu.memory_space<vmem>>, vector<16xf32>,
        %mul3A_431 = arith.mulf %get3A_430, %gather3A : vector<16xf32>
        %swap3A_432 = arith.index_cast %scan3A_389 : i32 to index
        %swap3A_433 = arith.constant 80 : index
        %swap3A_434 = tpu.vector_load %arg15[%swap3A_432, %swap3A_433] {strides = array<i32>} : memref<80x128xf32, #tpu.memory_space<vmem>>, vector<16xf32>,
        tpu.vector_store %arg15[%swap3A_432, %swap3A_433], %mul3A_431 {strides = array<i32>} : memref<80x128xf32, #tpu.memory_space<vmem>>, vector<16xf32>,
        %get3A_435 = arith.index_cast %scan3A_389 : i32 to index
        %get3A_436 = arith.constant 96 : index
        %get3A_437 = tpu.vector_load %arg15[%get3A_435, %get3A_436] {strides = array<i32>} : memref<80x128xf32, #tpu.memory_space<vmem>>, vector<16xf32>,
        %mul3A_438 = arith.mulf %get3A_437, %gather3A : vector<16xf32>
        %swap3A_439 = arith.index_cast %scan3A_389 : i32 to index
        %swap3A_440 = arith.constant 96 : index
        %swap3A_441 = tpu.vector_load %arg15[%swap3A_439, %swap3A_440] {strides = array<i32>} : memref<80x128xf32, #tpu.memory_space<vmem>>, vector<16xf32>,
        tpu.vector_store %arg15[%swap3A_439, %swap3A_440], %mul3A_438 {strides = array<i32>} : memref<80x128xf32, #tpu.memory_space<vmem>>, vector<16xf32>,
        %get3A_442 = arith.index_cast %scan3A_389 : i32 to index
        %get3A_443 = arith.constant 112 : index
        %get3A_444 = tpu.vector_load %arg15[%get3A_442, %get3A_443] {strides = array<i32>} : memref<80x128xf32, #tpu.memory_space<vmem>>, vector<16xf32>,
        %mul3A_445 = arith.mulf %get3A_444, %gather3A : vector<16xf32>
        %swap3A_446 = arith.index_cast %scan3A_389 : i32 to index
        %swap3A_447 = arith.constant 112 : index
        %swap3A_448 = tpu.vector_load %arg15[%swap3A_446, %swap3A_447] {strides = array<i32>} : memref<80x128xf32, #tpu.memory_space<vmem>>, vector<16xf32>,
        tpu.vector_store %arg15[%swap3A_446, %swap3A_447], %mul3A_445 {strides = array<i32>} : memref<80x128xf32, #tpu.memory_space<vmem>>, vector<16xf32>,
        %scan3A_449 = arith.constant 0 : i32
        scf.yield %scan3A_449 : i32
      }
      %scan3A_369 = arith.constant 80 : i32
      "tpu.region"() ({
        %run_scoped3A = tpu.sem_alloc : memref<!tpu.dma_semaphore, #tpu.memory_space<semaphore_mem>>
        %dma_start3A_389 = arith.constant 0 : i32
        %dma_start3A_390 = arith.constant 0 : i32
        %dma_start3A_391 = tpu.memref_slice %arg22[%dma_start3A_389, %dma_start3A_390] : memref<5008x128xf32, #tpu.memory_space<vmem_shared>> -> memref<5008x128xf32, #tpu.memory_space<vmem_shared>>
        tpu.enqueue_indirect_dma source(%arg15 : memref<80x128xf32, #tpu.memory_space<vmem>>) target(%dma_start3A_391 : memref<5008x128xf32, #tpu.memory_space<vmem_shared>>) offsets(%arg17 : memref<80xi32, #tpu.memory_space<vmem>>) semaphore(%run_scoped3A : memref<!tpu.dma_semaphore, #tpu.memory_space<semaphore_mem>>) {add = true}
        %dma_wait3A_392 = arith.constant 0 : i32
        %dma_wait3A_393 = arith.constant 0 : i32
        %dma_wait3A_394 = tpu.memref_slice %arg22[%dma_wait3A_392, %dma_wait3A_393] : memref<5008x128xf32, #tpu.memory_space<vmem_shared>> -> memref<5008x128xf32, #tpu.memory_space<vmem_shared>>
        tpu.wait_indirect_dma semaphore(%run_scoped3A : memref<!tpu.dma_semaphore, #tpu.memory_space<semaphore_mem>>) src(%arg15 : memref<80x128xf32, #tpu.memory_space<vmem>>) dst(%dma_wait3A_394 : memref<5008x128xf32, #tpu.memory_space<vmem_shared>>)
        tpu.yield
      }) : () -> ()
      %mul3A_370 = arith.constant 2 : i32
      %mul3A_371 = arith.muli %mul3A_370, %while3A_302 : i32
      %add3A_372 = arith.constant 2 : i32
      %add3A_373 = arith.addi %mul3A_371, %add3A_372 : i32
      %lt3A_374 = arith.cmpi slt, %add3A_373, %select_n3A : i32
      %convert_element_type3A_375 = arith.extui %lt3A_374 : i1 to i32
      %cond3A_376 = arith.constant 0 : i32
      %cond3A_377 = arith.cmpi ne, %convert_element_type3A_375, %cond3A_376 : i32
      scf.if %cond3A_377 {
        %add3A_389 = arith.constant 160 : i32
        %add3A_390 = arith.addi %mul3A_307, %add3A_389 : i32
        %add3A_391 = arith.constant 0 : i32
        %add3A_392 = arith.addi %add3A_390, %add3A_391 : i32
        %get3A_393 = arith.index_cast %add3A_392 : i32 to index
        %get3A_394 = tpu.vector_load %arg11[%get3A_393] {strides = array<i32>} : memref<10080xi32, #tpu.memory_space<vmem>>, vector<16xi32>,
        %swap3A_395 = arith.constant 0 : index
        %swap3A_396 = tpu.vector_load %arg16[%swap3A_395] {strides = array<i32>} : memref<80xi32, #tpu.memory_space<vmem>>, vector<16xi32>,
        tpu.vector_store %arg16[%swap3A_395], %get3A_394 {strides = array<i32>} : memref<80xi32, #tpu.memory_space<vmem>>, vector<16xi32>,
        %get3A_397 = arith.index_cast %add3A_392 : i32 to index
        %get3A_398 = tpu.vector_load %arg12[%get3A_397] {strides = array<i32>} : memref<10080xi32, #tpu.memory_space<vmem>>, vector<16xi32>,
        %swap3A_399 = arith.constant 0 : index
        %swap3A_400 = tpu.vector_load %arg17[%swap3A_399] {strides = array<i32>} : memref<80xi32, #tpu.memory_space<vmem>>, vector<16xi32>,
        tpu.vector_store %arg17[%swap3A_399], %get3A_398 {strides = array<i32>} : memref<80xi32, #tpu.memory_space<vmem>>, vector<16xi32>,
        %add3A_401 = arith.constant 16 : i32
        %add3A_402 = arith.addi %add3A_390, %add3A_401 : i32
        %get3A_403 = arith.index_cast %add3A_402 : i32 to index
        %get3A_404 = tpu.vector_load %arg11[%get3A_403] {strides = array<i32>} : memref<10080xi32, #tpu.memory_space<vmem>>, vector<16xi32>,
        %swap3A_405 = arith.constant 16 : index
        %swap3A_406 = tpu.vector_load %arg16[%swap3A_405] {strides = array<i32>} : memref<80xi32, #tpu.memory_space<vmem>>, vector<16xi32>,
        tpu.vector_store %arg16[%swap3A_405], %get3A_404 {strides = array<i32>} : memref<80xi32, #tpu.memory_space<vmem>>, vector<16xi32>,
        %get3A_407 = arith.index_cast %add3A_402 : i32 to index
        %get3A_408 = tpu.vector_load %arg12[%get3A_407] {strides = array<i32>} : memref<10080xi32, #tpu.memory_space<vmem>>, vector<16xi32>,
        %swap3A_409 = arith.constant 16 : index
        %swap3A_410 = tpu.vector_load %arg17[%swap3A_409] {strides = array<i32>} : memref<80xi32, #tpu.memory_space<vmem>>, vector<16xi32>,
        tpu.vector_store %arg17[%swap3A_409], %get3A_408 {strides = array<i32>} : memref<80xi32, #tpu.memory_space<vmem>>, vector<16xi32>,
        %add3A_411 = arith.constant 32 : i32
        %add3A_412 = arith.addi %add3A_390, %add3A_411 : i32
        %get3A_413 = arith.index_cast %add3A_412 : i32 to index
        %get3A_414 = tpu.vector_load %arg11[%get3A_413] {strides = array<i32>} : memref<10080xi32, #tpu.memory_space<vmem>>, vector<16xi32>,
        %swap3A_415 = arith.constant 32 : index
        %swap3A_416 = tpu.vector_load %arg16[%swap3A_415] {strides = array<i32>} : memref<80xi32, #tpu.memory_space<vmem>>, vector<16xi32>,
        tpu.vector_store %arg16[%swap3A_415], %get3A_414 {strides = array<i32>} : memref<80xi32, #tpu.memory_space<vmem>>, vector<16xi32>,
        %get3A_417 = arith.index_cast %add3A_412 : i32 to index
        %get3A_418 = tpu.vector_load %arg12[%get3A_417] {strides = array<i32>} : memref<10080xi32, #tpu.memory_space<vmem>>, vector<16xi32>,
        %swap3A_419 = arith.constant 32 : index
        %swap3A_420 = tpu.vector_load %arg17[%swap3A_419] {strides = array<i32>} : memref<80xi32, #tpu.memory_space<vmem>>, vector<16xi32>,
        tpu.vector_store %arg17[%swap3A_419], %get3A_418 {strides = array<i32>} : memref<80xi32, #tpu.memory_space<vmem>>, vector<16xi32>,
        %add3A_421 = arith.constant 48 : i32
        %add3A_422 = arith.addi %add3A_390, %add3A_421 : i32
        %get3A_423 = arith.index_cast %add3A_422 : i32 to index
        %get3A_424 = tpu.vector_load %arg11[%get3A_423] {strides = array<i32>} : memref<10080xi32, #tpu.memory_space<vmem>>, vector<16xi32>,
        %swap3A_425 = arith.constant 48 : index
        %swap3A_426 = tpu.vector_load %arg16[%swap3A_425] {strides = array<i32>} : memref<80xi32, #tpu.memory_space<vmem>>, vector<16xi32>,
        tpu.vector_store %arg16[%swap3A_425], %get3A_424 {strides = array<i32>} : memref<80xi32, #tpu.memory_space<vmem>>, vector<16xi32>,
        %get3A_427 = arith.index_cast %add3A_422 : i32 to index
        %get3A_428 = tpu.vector_load %arg12[%get3A_427] {strides = array<i32>} : memref<10080xi32, #tpu.memory_space<vmem>>, vector<16xi32>,
        %swap3A_429 = arith.constant 48 : index
        %swap3A_430 = tpu.vector_load %arg17[%swap3A_429] {strides = array<i32>} : memref<80xi32, #tpu.memory_space<vmem>>, vector<16xi32>,
        tpu.vector_store %arg17[%swap3A_429], %get3A_428 {strides = array<i32>} : memref<80xi32, #tpu.memory_space<vmem>>, vector<16xi32>,
        %add3A_431 = arith.constant 64 : i32
        %add3A_432 = arith.addi %add3A_390, %add3A_431 : i32
        %get3A_433 = arith.index_cast %add3A_432 : i32 to index
        %get3A_434 = tpu.vector_load %arg11[%get3A_433] {strides = array<i32>} : memref<10080xi32, #tpu.memory_space<vmem>>, vector<16xi32>,
        %swap3A_435 = arith.constant 64 : index
        %swap3A_436 = tpu.vector_load %arg16[%swap3A_435] {strides = array<i32>} : memref<80xi32, #tpu.memory_space<vmem>>, vector<16xi32>,
        tpu.vector_store %arg16[%swap3A_435], %get3A_434 {strides = array<i32>} : memref<80xi32, #tpu.memory_space<vmem>>, vector<16xi32>,
        %get3A_437 = arith.index_cast %add3A_432 : i32 to index
        %get3A_438 = tpu.vector_load %arg12[%get3A_437] {strides = array<i32>} : memref<10080xi32, #tpu.memory_space<vmem>>, vector<16xi32>,
        %swap3A_439 = arith.constant 64 : index
        %swap3A_440 = tpu.vector_load %arg17[%swap3A_439] {strides = array<i32>} : memref<80xi32, #tpu.memory_space<vmem>>, vector<16xi32>,
        tpu.vector_store %arg17[%swap3A_439], %get3A_438 {strides = array<i32>} : memref<80xi32, #tpu.memory_space<vmem>>, vector<16xi32>,
        %dma_start3A_441 = arith.constant 0 : i32
        %dma_start3A_442 = arith.constant 0 : i32
        %dma_start3A_443 = tpu.memref_slice %arg7[%dma_start3A_441, %dma_start3A_442] : memref<10000x128xf32, #tpu.memory_space<hbm>> -> memref<10000x128xf32, #tpu.memory_space<hbm>>
        tpu.enqueue_indirect_dma source(%dma_start3A_443 : memref<10000x128xf32, #tpu.memory_space<hbm>>) target(%arg15 : memref<80x128xf32, #tpu.memory_space<vmem>>) offsets(%arg16 : memref<80xi32, #tpu.memory_space<vmem>>) semaphore(%arg24 : memref<!tpu.dma_semaphore, #tpu.memory_space<semaphore_mem>>)
      } else {
      }
      %dma_wait3A_378 = arith.constant 0 : i32
      %dma_wait3A_379 = arith.constant 0 : i32
      %dma_wait3A_380 = tpu.memref_slice %arg7[%dma_wait3A_378, %dma_wait3A_379] : memref<10000x128xf32, #tpu.memory_space<hbm>> -> memref<10000x128xf32, #tpu.memory_space<hbm>>
      tpu.wait_indirect_dma semaphore(%arg25 : memref<!tpu.dma_semaphore, #tpu.memory_space<semaphore_mem>>) src(%dma_wait3A_380 : memref<10000x128xf32, #tpu.memory_space<hbm>>) dst(%arg18 : memref<80x128xf32, #tpu.memory_space<vmem>>)
      %scan3A_381 = arith.constant 0 : i32
      %scan3A_382 = arith.constant 0 : i32
      %scan3A_383 = arith.constant 80 : i32
      %scan3A_384 = arith.addi %scan3A_382, %scan3A_383 : i32
      %scan3A_385 = arith.constant 1 : i32
      %scan3A_386 = scf.for %scan3A_389 = %scan3A_382 to %scan3A_384 step %scan3A_385 iter_args(%scan3A_390 = %scan3A_381) -> (i32)  : i32 {
        %add3A_391 = arith.addi %add3A_309, %scan3A_389 : i32
        %broadcast_in_dim3A_392 = vector.broadcast %add3A_391 : i32 to vector<16xi32>
        %gather3A = tpu.vector_load_idx %arg13[%broadcast_in_dim3A_392] : memref<10080xf32, #tpu.memory_space<vmem>>[vector<16xi32>], vector<16xf32>,
        %get3A_393 = arith.index_cast %scan3A_389 : i32 to index
        %get3A_394 = arith.constant 0 : index
        %get3A_395 = tpu.vector_load %arg18[%get3A_393, %get3A_394] {strides = array<i32>} : memref<80x128xf32, #tpu.memory_space<vmem>>, vector<16xf32>,
        %mul3A_396 = arith.mulf %get3A_395, %gather3A : vector<16xf32>
        %swap3A_397 = arith.index_cast %scan3A_389 : i32 to index
        %swap3A_398 = arith.constant 0 : index
        %swap3A_399 = tpu.vector_load %arg18[%swap3A_397, %swap3A_398] {strides = array<i32>} : memref<80x128xf32, #tpu.memory_space<vmem>>, vector<16xf32>,
        tpu.vector_store %arg18[%swap3A_397, %swap3A_398], %mul3A_396 {strides = array<i32>} : memref<80x128xf32, #tpu.memory_space<vmem>>, vector<16xf32>,
        %get3A_400 = arith.index_cast %scan3A_389 : i32 to index
        %get3A_401 = arith.constant 16 : index
        %get3A_402 = tpu.vector_load %arg18[%get3A_400, %get3A_401] {strides = array<i32>} : memref<80x128xf32, #tpu.memory_space<vmem>>, vector<16xf32>,
        %mul3A_403 = arith.mulf %get3A_402, %gather3A : vector<16xf32>
        %swap3A_404 = arith.index_cast %scan3A_389 : i32 to index
        %swap3A_405 = arith.constant 16 : index
        %swap3A_406 = tpu.vector_load %arg18[%swap3A_404, %swap3A_405] {strides = array<i32>} : memref<80x128xf32, #tpu.memory_space<vmem>>, vector<16xf32>,
        tpu.vector_store %arg18[%swap3A_404, %swap3A_405], %mul3A_403 {strides = array<i32>} : memref<80x128xf32, #tpu.memory_space<vmem>>, vector<16xf32>,
        %get3A_407 = arith.index_cast %scan3A_389 : i32 to index
        %get3A_408 = arith.constant 32 : index
        %get3A_409 = tpu.vector_load %arg18[%get3A_407, %get3A_408] {strides = array<i32>} : memref<80x128xf32, #tpu.memory_space<vmem>>, vector<16xf32>,
        %mul3A_410 = arith.mulf %get3A_409, %gather3A : vector<16xf32>
        %swap3A_411 = arith.index_cast %scan3A_389 : i32 to index
        %swap3A_412 = arith.constant 32 : index
        %swap3A_413 = tpu.vector_load %arg18[%swap3A_411, %swap3A_412] {strides = array<i32>} : memref<80x128xf32, #tpu.memory_space<vmem>>, vector<16xf32>,
        tpu.vector_store %arg18[%swap3A_411, %swap3A_412], %mul3A_410 {strides = array<i32>} : memref<80x128xf32, #tpu.memory_space<vmem>>, vector<16xf32>,
        %get3A_414 = arith.index_cast %scan3A_389 : i32 to index
        %get3A_415 = arith.constant 48 : index
        %get3A_416 = tpu.vector_load %arg18[%get3A_414, %get3A_415] {strides = array<i32>} : memref<80x128xf32, #tpu.memory_space<vmem>>, vector<16xf32>,
        %mul3A_417 = arith.mulf %get3A_416, %gather3A : vector<16xf32>
        %swap3A_418 = arith.index_cast %scan3A_389 : i32 to index
        %swap3A_419 = arith.constant 48 : index
        %swap3A_420 = tpu.vector_load %arg18[%swap3A_418, %swap3A_419] {strides = array<i32>} : memref<80x128xf32, #tpu.memory_space<vmem>>, vector<16xf32>,
        tpu.vector_store %arg18[%swap3A_418, %swap3A_419], %mul3A_417 {strides = array<i32>} : memref<80x128xf32, #tpu.memory_space<vmem>>, vector<16xf32>,
        %get3A_421 = arith.index_cast %scan3A_389 : i32 to index
        %get3A_422 = arith.constant 64 : index
        %get3A_423 = tpu.vector_load %arg18[%get3A_421, %get3A_422] {strides = array<i32>} : memref<80x128xf32, #tpu.memory_space<vmem>>, vector<16xf32>,
        %mul3A_424 = arith.mulf %get3A_423, %gather3A : vector<16xf32>
        %swap3A_425 = arith.index_cast %scan3A_389 : i32 to index
        %swap3A_426 = arith.constant 64 : index
        %swap3A_427 = tpu.vector_load %arg18[%swap3A_425, %swap3A_426] {strides = array<i32>} : memref<80x128xf32, #tpu.memory_space<vmem>>, vector<16xf32>,
        tpu.vector_store %arg18[%swap3A_425, %swap3A_426], %mul3A_424 {strides = array<i32>} : memref<80x128xf32, #tpu.memory_space<vmem>>, vector<16xf32>,
        %get3A_428 = arith.index_cast %scan3A_389 : i32 to index
        %get3A_429 = arith.constant 80 : index
        %get3A_430 = tpu.vector_load %arg18[%get3A_428, %get3A_429] {strides = array<i32>} : memref<80x128xf32, #tpu.memory_space<vmem>>, vector<16xf32>,
        %mul3A_431 = arith.mulf %get3A_430, %gather3A : vector<16xf32>
        %swap3A_432 = arith.index_cast %scan3A_389 : i32 to index
        %swap3A_433 = arith.constant 80 : index
        %swap3A_434 = tpu.vector_load %arg18[%swap3A_432, %swap3A_433] {strides = array<i32>} : memref<80x128xf32, #tpu.memory_space<vmem>>, vector<16xf32>,
        tpu.vector_store %arg18[%swap3A_432, %swap3A_433], %mul3A_431 {strides = array<i32>} : memref<80x128xf32, #tpu.memory_space<vmem>>, vector<16xf32>,
        %get3A_435 = arith.index_cast %scan3A_389 : i32 to index
        %get3A_436 = arith.constant 96 : index
        %get3A_437 = tpu.vector_load %arg18[%get3A_435, %get3A_436] {strides = array<i32>} : memref<80x128xf32, #tpu.memory_space<vmem>>, vector<16xf32>,
        %mul3A_438 = arith.mulf %get3A_437, %gather3A : vector<16xf32>
        %swap3A_439 = arith.index_cast %scan3A_389 : i32 to index
        %swap3A_440 = arith.constant 96 : index
        %swap3A_441 = tpu.vector_load %arg18[%swap3A_439, %swap3A_440] {strides = array<i32>} : memref<80x128xf32, #tpu.memory_space<vmem>>, vector<16xf32>,
        tpu.vector_store %arg18[%swap3A_439, %swap3A_440], %mul3A_438 {strides = array<i32>} : memref<80x128xf32, #tpu.memory_space<vmem>>, vector<16xf32>,
        %get3A_442 = arith.index_cast %scan3A_389 : i32 to index
        %get3A_443 = arith.constant 112 : index
        %get3A_444 = tpu.vector_load %arg18[%get3A_442, %get3A_443] {strides = array<i32>} : memref<80x128xf32, #tpu.memory_space<vmem>>, vector<16xf32>,
        %mul3A_445 = arith.mulf %get3A_444, %gather3A : vector<16xf32>
        %swap3A_446 = arith.index_cast %scan3A_389 : i32 to index
        %swap3A_447 = arith.constant 112 : index
        %swap3A_448 = tpu.vector_load %arg18[%swap3A_446, %swap3A_447] {strides = array<i32>} : memref<80x128xf32, #tpu.memory_space<vmem>>, vector<16xf32>,
        tpu.vector_store %arg18[%swap3A_446, %swap3A_447], %mul3A_445 {strides = array<i32>} : memref<80x128xf32, #tpu.memory_space<vmem>>, vector<16xf32>,
        %scan3A_449 = arith.constant 0 : i32
        scf.yield %scan3A_449 : i32
      }
      %scan3A_387 = arith.constant 80 : i32
      "tpu.region"() ({
        %run_scoped3A = tpu.sem_alloc : memref<!tpu.dma_semaphore, #tpu.memory_space<semaphore_mem>>
        %dma_start3A_389 = arith.constant 0 : i32
        %dma_start3A_390 = arith.constant 0 : i32
        %dma_start3A_391 = tpu.memref_slice %arg22[%dma_start3A_389, %dma_start3A_390] : memref<5008x128xf32, #tpu.memory_space<vmem_shared>> -> memref<5008x128xf32, #tpu.memory_space<vmem_shared>>
        tpu.enqueue_indirect_dma source(%arg18 : memref<80x128xf32, #tpu.memory_space<vmem>>) target(%dma_start3A_391 : memref<5008x128xf32, #tpu.memory_space<vmem_shared>>) offsets(%arg20 : memref<80xi32, #tpu.memory_space<vmem>>) semaphore(%run_scoped3A : memref<!tpu.dma_semaphore, #tpu.memory_space<semaphore_mem>>) {add = true}
        %dma_wait3A_392 = arith.constant 0 : i32
        %dma_wait3A_393 = arith.constant 0 : i32
        %dma_wait3A_394 = tpu.memref_slice %arg22[%dma_wait3A_392, %dma_wait3A_393] : memref<5008x128xf32, #tpu.memory_space<vmem_shared>> -> memref<5008x128xf32, #tpu.memory_space<vmem_shared>>
        tpu.wait_indirect_dma semaphore(%run_scoped3A : memref<!tpu.dma_semaphore, #tpu.memory_space<semaphore_mem>>) src(%arg18 : memref<80x128xf32, #tpu.memory_space<vmem>>) dst(%dma_wait3A_394 : memref<5008x128xf32, #tpu.memory_space<vmem_shared>>)
        tpu.yield
      }) : () -> ()
      %while3A_388 = arith.constant 0 : i32
      scf.yield %while3A_388 : i32
    }
    %while3A_282 = arith.constant 1 : i32
    %while3A_283 = scf.for %while3A_302 = %while3A_279 to %while3A_275 step %while3A_282 iter_args(%while3A_303 = %while3A_281) -> (i32)  : i32 {
      %mul3A_304 = arith.constant 2 : i32
      %mul3A_305 = arith.muli %mul3A_304, %while3A_302 : i32
      %mul3A_306 = arith.constant 80 : i32
      %mul3A_307 = arith.muli %mul3A_305, %mul3A_306 : i32
      %add3A_308 = arith.constant 80 : i32
      %add3A_309 = arith.addi %mul3A_307, %add3A_308 : i32
      %add3A_310 = arith.constant 0 : i32
      %add3A_311 = arith.addi %add3A_309, %add3A_310 : i32
      %get3A = arith.index_cast %add3A_311 : i32 to index
      %get3A_312 = tpu.vector_load %arg11[%get3A] {strides = array<i32>} : memref<10080xi32, #tpu.memory_space<vmem>>, vector<16xi32>,
      %swap3A_313 = arith.constant 0 : index
      %swap3A_314 = tpu.vector_load %arg19[%swap3A_313] {strides = array<i32>} : memref<80xi32, #tpu.memory_space<vmem>>, vector<16xi32>,
      tpu.vector_store %arg19[%swap3A_313], %get3A_312 {strides = array<i32>} : memref<80xi32, #tpu.memory_space<vmem>>, vector<16xi32>,
      %get3A_315 = arith.index_cast %add3A_311 : i32 to index
      %get3A_316 = tpu.vector_load %arg12[%get3A_315] {strides = array<i32>} : memref<10080xi32, #tpu.memory_space<vmem>>, vector<16xi32>,
      %swap3A_317 = arith.constant 0 : index
      %swap3A_318 = tpu.vector_load %arg20[%swap3A_317] {strides = array<i32>} : memref<80xi32, #tpu.memory_space<vmem>>, vector<16xi32>,
      tpu.vector_store %arg20[%swap3A_317], %get3A_316 {strides = array<i32>} : memref<80xi32, #tpu.memory_space<vmem>>, vector<16xi32>,
      %add3A_319 = arith.constant 16 : i32
      %add3A_320 = arith.addi %add3A_309, %add3A_319 : i32
      %get3A_321 = arith.index_cast %add3A_320 : i32 to index
      %get3A_322 = tpu.vector_load %arg11[%get3A_321] {strides = array<i32>} : memref<10080xi32, #tpu.memory_space<vmem>>, vector<16xi32>,
      %swap3A_323 = arith.constant 16 : index
      %swap3A_324 = tpu.vector_load %arg19[%swap3A_323] {strides = array<i32>} : memref<80xi32, #tpu.memory_space<vmem>>, vector<16xi32>,
      tpu.vector_store %arg19[%swap3A_323], %get3A_322 {strides = array<i32>} : memref<80xi32, #tpu.memory_space<vmem>>, vector<16xi32>,
      %get3A_325 = arith.index_cast %add3A_320 : i32 to index
      %get3A_326 = tpu.vector_load %arg12[%get3A_325] {strides = array<i32>} : memref<10080xi32, #tpu.memory_space<vmem>>, vector<16xi32>,
      %swap3A_327 = arith.constant 16 : index
      %swap3A_328 = tpu.vector_load %arg20[%swap3A_327] {strides = array<i32>} : memref<80xi32, #tpu.memory_space<vmem>>, vector<16xi32>,
      tpu.vector_store %arg20[%swap3A_327], %get3A_326 {strides = array<i32>} : memref<80xi32, #tpu.memory_space<vmem>>, vector<16xi32>,
      %add3A_329 = arith.constant 32 : i32
      %add3A_330 = arith.addi %add3A_309, %add3A_329 : i32
      %get3A_331 = arith.index_cast %add3A_330 : i32 to index
      %get3A_332 = tpu.vector_load %arg11[%get3A_331] {strides = array<i32>} : memref<10080xi32, #tpu.memory_space<vmem>>, vector<16xi32>,
      %swap3A_333 = arith.constant 32 : index
      %swap3A_334 = tpu.vector_load %arg19[%swap3A_333] {strides = array<i32>} : memref<80xi32, #tpu.memory_space<vmem>>, vector<16xi32>,
      tpu.vector_store %arg19[%swap3A_333], %get3A_332 {strides = array<i32>} : memref<80xi32, #tpu.memory_space<vmem>>, vector<16xi32>,
      %get3A_335 = arith.index_cast %add3A_330 : i32 to index
      %get3A_336 = tpu.vector_load %arg12[%get3A_335] {strides = array<i32>} : memref<10080xi32, #tpu.memory_space<vmem>>, vector<16xi32>,
      %swap3A_337 = arith.constant 32 : index
      %swap3A_338 = tpu.vector_load %arg20[%swap3A_337] {strides = array<i32>} : memref<80xi32, #tpu.memory_space<vmem>>, vector<16xi32>,
      tpu.vector_store %arg20[%swap3A_337], %get3A_336 {strides = array<i32>} : memref<80xi32, #tpu.memory_space<vmem>>, vector<16xi32>,
      %add3A_339 = arith.constant 48 : i32
      %add3A_340 = arith.addi %add3A_309, %add3A_339 : i32
      %get3A_341 = arith.index_cast %add3A_340 : i32 to index
      %get3A_342 = tpu.vector_load %arg11[%get3A_341] {strides = array<i32>} : memref<10080xi32, #tpu.memory_space<vmem>>, vector<16xi32>,
      %swap3A_343 = arith.constant 48 : index
      %swap3A_344 = tpu.vector_load %arg19[%swap3A_343] {strides = array<i32>} : memref<80xi32, #tpu.memory_space<vmem>>, vector<16xi32>,
      tpu.vector_store %arg19[%swap3A_343], %get3A_342 {strides = array<i32>} : memref<80xi32, #tpu.memory_space<vmem>>, vector<16xi32>,
      %get3A_345 = arith.index_cast %add3A_340 : i32 to index
      %get3A_346 = tpu.vector_load %arg12[%get3A_345] {strides = array<i32>} : memref<10080xi32, #tpu.memory_space<vmem>>, vector<16xi32>,
      %swap3A_347 = arith.constant 48 : index
      %swap3A_348 = tpu.vector_load %arg20[%swap3A_347] {strides = array<i32>} : memref<80xi32, #tpu.memory_space<vmem>>, vector<16xi32>,
      tpu.vector_store %arg20[%swap3A_347], %get3A_346 {strides = array<i32>} : memref<80xi32, #tpu.memory_space<vmem>>, vector<16xi32>,
      %add3A_349 = arith.constant 64 : i32
      %add3A_350 = arith.addi %add3A_309, %add3A_349 : i32
      %get3A_351 = arith.index_cast %add3A_350 : i32 to index
      %get3A_352 = tpu.vector_load %arg11[%get3A_351] {strides = array<i32>} : memref<10080xi32, #tpu.memory_space<vmem>>, vector<16xi32>,
      %swap3A_353 = arith.constant 64 : index
      %swap3A_354 = tpu.vector_load %arg19[%swap3A_353] {strides = array<i32>} : memref<80xi32, #tpu.memory_space<vmem>>, vector<16xi32>,
      tpu.vector_store %arg19[%swap3A_353], %get3A_352 {strides = array<i32>} : memref<80xi32, #tpu.memory_space<vmem>>, vector<16xi32>,
      %get3A_355 = arith.index_cast %add3A_350 : i32 to index
      %get3A_356 = tpu.vector_load %arg12[%get3A_355] {strides = array<i32>} : memref<10080xi32, #tpu.memory_space<vmem>>, vector<16xi32>,
      %swap3A_357 = arith.constant 64 : index
      %swap3A_358 = tpu.vector_load %arg20[%swap3A_357] {strides = array<i32>} : memref<80xi32, #tpu.memory_space<vmem>>, vector<16xi32>,
      tpu.vector_store %arg20[%swap3A_357], %get3A_356 {strides = array<i32>} : memref<80xi32, #tpu.memory_space<vmem>>, vector<16xi32>,
      %dma_start3A = arith.constant 0 : i32
      %dma_start3A_359 = arith.constant 0 : i32
      %dma_start3A_360 = tpu.memref_slice %arg7[%dma_start3A, %dma_start3A_359] : memref<10000x128xf32, #tpu.memory_space<hbm>> -> memref<10000x128xf32, #tpu.memory_space<hbm>>
      tpu.enqueue_indirect_dma source(%dma_start3A_360 : memref<10000x128xf32, #tpu.memory_space<hbm>>) target(%arg18 : memref<80x128xf32, #tpu.memory_space<vmem>>) offsets(%arg19 : memref<80xi32, #tpu.memory_space<vmem>>) semaphore(%arg25 : memref<!tpu.dma_semaphore, #tpu.memory_space<semaphore_mem>>)
      %dma_wait3A = arith.constant 0 : i32
      %dma_wait3A_361 = arith.constant 0 : i32
      %dma_wait3A_362 = tpu.memref_slice %arg7[%dma_wait3A, %dma_wait3A_361] : memref<10000x128xf32, #tpu.memory_space<hbm>> -> memref<10000x128xf32, #tpu.memory_space<hbm>>
      tpu.wait_indirect_dma semaphore(%arg24 : memref<!tpu.dma_semaphore, #tpu.memory_space<semaphore_mem>>) src(%dma_wait3A_362 : memref<10000x128xf32, #tpu.memory_space<hbm>>) dst(%arg15 : memref<80x128xf32, #tpu.memory_space<vmem>>)
      %scan3A_363 = arith.constant 0 : i32
      %scan3A_364 = arith.constant 0 : i32
      %scan3A_365 = arith.constant 80 : i32
      %scan3A_366 = arith.addi %scan3A_364, %scan3A_365 : i32
      %scan3A_367 = arith.constant 1 : i32
      %scan3A_368 = scf.for %scan3A_389 = %scan3A_364 to %scan3A_366 step %scan3A_367 iter_args(%scan3A_390 = %scan3A_363) -> (i32)  : i32 {
        %add3A_391 = arith.addi %mul3A_307, %scan3A_389 : i32
        %broadcast_in_dim3A_392 = vector.broadcast %add3A_391 : i32 to vector<16xi32>
        %gather3A = tpu.vector_load_idx %arg13[%broadcast_in_dim3A_392] : memref<10080xf32, #tpu.memory_space<vmem>>[vector<16xi32>], vector<16xf32>,
        %get3A_393 = arith.index_cast %scan3A_389 : i32 to index
        %get3A_394 = arith.constant 0 : index
        %get3A_395 = tpu.vector_load %arg15[%get3A_393, %get3A_394] {strides = array<i32>} : memref<80x128xf32, #tpu.memory_space<vmem>>, vector<16xf32>,
        %mul3A_396 = arith.mulf %get3A_395, %gather3A : vector<16xf32>
        %swap3A_397 = arith.index_cast %scan3A_389 : i32 to index
        %swap3A_398 = arith.constant 0 : index
        %swap3A_399 = tpu.vector_load %arg15[%swap3A_397, %swap3A_398] {strides = array<i32>} : memref<80x128xf32, #tpu.memory_space<vmem>>, vector<16xf32>,
        tpu.vector_store %arg15[%swap3A_397, %swap3A_398], %mul3A_396 {strides = array<i32>} : memref<80x128xf32, #tpu.memory_space<vmem>>, vector<16xf32>,
        %get3A_400 = arith.index_cast %scan3A_389 : i32 to index
        %get3A_401 = arith.constant 16 : index
        %get3A_402 = tpu.vector_load %arg15[%get3A_400, %get3A_401] {strides = array<i32>} : memref<80x128xf32, #tpu.memory_space<vmem>>, vector<16xf32>,
        %mul3A_403 = arith.mulf %get3A_402, %gather3A : vector<16xf32>
        %swap3A_404 = arith.index_cast %scan3A_389 : i32 to index
        %swap3A_405 = arith.constant 16 : index
        %swap3A_406 = tpu.vector_load %arg15[%swap3A_404, %swap3A_405] {strides = array<i32>} : memref<80x128xf32, #tpu.memory_space<vmem>>, vector<16xf32>,
        tpu.vector_store %arg15[%swap3A_404, %swap3A_405], %mul3A_403 {strides = array<i32>} : memref<80x128xf32, #tpu.memory_space<vmem>>, vector<16xf32>,
        %get3A_407 = arith.index_cast %scan3A_389 : i32 to index
        %get3A_408 = arith.constant 32 : index
        %get3A_409 = tpu.vector_load %arg15[%get3A_407, %get3A_408] {strides = array<i32>} : memref<80x128xf32, #tpu.memory_space<vmem>>, vector<16xf32>,
        %mul3A_410 = arith.mulf %get3A_409, %gather3A : vector<16xf32>
        %swap3A_411 = arith.index_cast %scan3A_389 : i32 to index
        %swap3A_412 = arith.constant 32 : index
        %swap3A_413 = tpu.vector_load %arg15[%swap3A_411, %swap3A_412] {strides = array<i32>} : memref<80x128xf32, #tpu.memory_space<vmem>>, vector<16xf32>,
        tpu.vector_store %arg15[%swap3A_411, %swap3A_412], %mul3A_410 {strides = array<i32>} : memref<80x128xf32, #tpu.memory_space<vmem>>, vector<16xf32>,
        %get3A_414 = arith.index_cast %scan3A_389 : i32 to index
        %get3A_415 = arith.constant 48 : index
        %get3A_416 = tpu.vector_load %arg15[%get3A_414, %get3A_415] {strides = array<i32>} : memref<80x128xf32, #tpu.memory_space<vmem>>, vector<16xf32>,
        %mul3A_417 = arith.mulf %get3A_416, %gather3A : vector<16xf32>
        %swap3A_418 = arith.index_cast %scan3A_389 : i32 to index
        %swap3A_419 = arith.constant 48 : index
        %swap3A_420 = tpu.vector_load %arg15[%swap3A_418, %swap3A_419] {strides = array<i32>} : memref<80x128xf32, #tpu.memory_space<vmem>>, vector<16xf32>,
        tpu.vector_store %arg15[%swap3A_418, %swap3A_419], %mul3A_417 {strides = array<i32>} : memref<80x128xf32, #tpu.memory_space<vmem>>, vector<16xf32>,
        %get3A_421 = arith.index_cast %scan3A_389 : i32 to index
        %get3A_422 = arith.constant 64 : index
        %get3A_423 = tpu.vector_load %arg15[%get3A_421, %get3A_422] {strides = array<i32>} : memref<80x128xf32, #tpu.memory_space<vmem>>, vector<16xf32>,
        %mul3A_424 = arith.mulf %get3A_423, %gather3A : vector<16xf32>
        %swap3A_425 = arith.index_cast %scan3A_389 : i32 to index
        %swap3A_426 = arith.constant 64 : index
        %swap3A_427 = tpu.vector_load %arg15[%swap3A_425, %swap3A_426] {strides = array<i32>} : memref<80x128xf32, #tpu.memory_space<vmem>>, vector<16xf32>,
        tpu.vector_store %arg15[%swap3A_425, %swap3A_426], %mul3A_424 {strides = array<i32>} : memref<80x128xf32, #tpu.memory_space<vmem>>, vector<16xf32>,
        %get3A_428 = arith.index_cast %scan3A_389 : i32 to index
        %get3A_429 = arith.constant 80 : index
        %get3A_430 = tpu.vector_load %arg15[%get3A_428, %get3A_429] {strides = array<i32>} : memref<80x128xf32, #tpu.memory_space<vmem>>, vector<16xf32>,
        %mul3A_431 = arith.mulf %get3A_430, %gather3A : vector<16xf32>
        %swap3A_432 = arith.index_cast %scan3A_389 : i32 to index
        %swap3A_433 = arith.constant 80 : index
        %swap3A_434 = tpu.vector_load %arg15[%swap3A_432, %swap3A_433] {strides = array<i32>} : memref<80x128xf32, #tpu.memory_space<vmem>>, vector<16xf32>,
        tpu.vector_store %arg15[%swap3A_432, %swap3A_433], %mul3A_431 {strides = array<i32>} : memref<80x128xf32, #tpu.memory_space<vmem>>, vector<16xf32>,
        %get3A_435 = arith.index_cast %scan3A_389 : i32 to index
        %get3A_436 = arith.constant 96 : index
        %get3A_437 = tpu.vector_load %arg15[%get3A_435, %get3A_436] {strides = array<i32>} : memref<80x128xf32, #tpu.memory_space<vmem>>, vector<16xf32>,
        %mul3A_438 = arith.mulf %get3A_437, %gather3A : vector<16xf32>
        %swap3A_439 = arith.index_cast %scan3A_389 : i32 to index
        %swap3A_440 = arith.constant 96 : index
        %swap3A_441 = tpu.vector_load %arg15[%swap3A_439, %swap3A_440] {strides = array<i32>} : memref<80x128xf32, #tpu.memory_space<vmem>>, vector<16xf32>,
        tpu.vector_store %arg15[%swap3A_439, %swap3A_440], %mul3A_438 {strides = array<i32>} : memref<80x128xf32, #tpu.memory_space<vmem>>, vector<16xf32>,
        %get3A_442 = arith.index_cast %scan3A_389 : i32 to index
        %get3A_443 = arith.constant 112 : index
        %get3A_444 = tpu.vector_load %arg15[%get3A_442, %get3A_443] {strides = array<i32>} : memref<80x128xf32, #tpu.memory_space<vmem>>, vector<16xf32>,
        %mul3A_445 = arith.mulf %get3A_444, %gather3A : vector<16xf32>
        %swap3A_446 = arith.index_cast %scan3A_389 : i32 to index
        %swap3A_447 = arith.constant 112 : index
        %swap3A_448 = tpu.vector_load %arg15[%swap3A_446, %swap3A_447] {strides = array<i32>} : memref<80x128xf32, #tpu.memory_space<vmem>>, vector<16xf32>,
        tpu.vector_store %arg15[%swap3A_446, %swap3A_447], %mul3A_445 {strides = array<i32>} : memref<80x128xf32, #tpu.memory_space<vmem>>, vector<16xf32>,
        %scan3A_449 = arith.constant 0 : i32
        scf.yield %scan3A_449 : i32
      }
      %scan3A_369 = arith.constant 80 : i32
      "tpu.region"() ({
        %run_scoped3A = tpu.sem_alloc : memref<!tpu.dma_semaphore, #tpu.memory_space<semaphore_mem>>
        %dma_start3A_389 = arith.constant 0 : i32
        %dma_start3A_390 = arith.constant 0 : i32
        %dma_start3A_391 = tpu.memref_slice %arg22[%dma_start3A_389, %dma_start3A_390] : memref<5008x128xf32, #tpu.memory_space<vmem_shared>> -> memref<5008x128xf32, #tpu.memory_space<vmem_shared>>
        tpu.enqueue_indirect_dma source(%arg15 : memref<80x128xf32, #tpu.memory_space<vmem>>) target(%dma_start3A_391 : memref<5008x128xf32, #tpu.memory_space<vmem_shared>>) offsets(%arg17 : memref<80xi32, #tpu.memory_space<vmem>>) semaphore(%run_scoped3A : memref<!tpu.dma_semaphore, #tpu.memory_space<semaphore_mem>>) {add = true}
        %dma_wait3A_392 = arith.constant 0 : i32
        %dma_wait3A_393 = arith.constant 0 : i32
        %dma_wait3A_394 = tpu.memref_slice %arg22[%dma_wait3A_392, %dma_wait3A_393] : memref<5008x128xf32, #tpu.memory_space<vmem_shared>> -> memref<5008x128xf32, #tpu.memory_space<vmem_shared>>
        tpu.wait_indirect_dma semaphore(%run_scoped3A : memref<!tpu.dma_semaphore, #tpu.memory_space<semaphore_mem>>) src(%arg15 : memref<80x128xf32, #tpu.memory_space<vmem>>) dst(%dma_wait3A_394 : memref<5008x128xf32, #tpu.memory_space<vmem_shared>>)
        tpu.yield
      }) : () -> ()
      %mul3A_370 = arith.constant 2 : i32
      %mul3A_371 = arith.muli %mul3A_370, %while3A_302 : i32
      %add3A_372 = arith.constant 2 : i32
      %add3A_373 = arith.addi %mul3A_371, %add3A_372 : i32
      %lt3A_374 = arith.cmpi slt, %add3A_373, %select_n3A : i32
      %convert_element_type3A_375 = arith.extui %lt3A_374 : i1 to i32
      %cond3A_376 = arith.constant 0 : i32
      %cond3A_377 = arith.cmpi ne, %convert_element_type3A_375, %cond3A_376 : i32
      scf.if %cond3A_377 {
        %add3A_389 = arith.constant 160 : i32
        %add3A_390 = arith.addi %mul3A_307, %add3A_389 : i32
        %add3A_391 = arith.constant 0 : i32
        %add3A_392 = arith.addi %add3A_390, %add3A_391 : i32
        %get3A_393 = arith.index_cast %add3A_392 : i32 to index
        %get3A_394 = tpu.vector_load %arg11[%get3A_393] {strides = array<i32>} : memref<10080xi32, #tpu.memory_space<vmem>>, vector<16xi32>,
        %swap3A_395 = arith.constant 0 : index
        %swap3A_396 = tpu.vector_load %arg16[%swap3A_395] {strides = array<i32>} : memref<80xi32, #tpu.memory_space<vmem>>, vector<16xi32>,
        tpu.vector_store %arg16[%swap3A_395], %get3A_394 {strides = array<i32>} : memref<80xi32, #tpu.memory_space<vmem>>, vector<16xi32>,
        %get3A_397 = arith.index_cast %add3A_392 : i32 to index
        %get3A_398 = tpu.vector_load %arg12[%get3A_397] {strides = array<i32>} : memref<10080xi32, #tpu.memory_space<vmem>>, vector<16xi32>,
        %swap3A_399 = arith.constant 0 : index
        %swap3A_400 = tpu.vector_load %arg17[%swap3A_399] {strides = array<i32>} : memref<80xi32, #tpu.memory_space<vmem>>, vector<16xi32>,
        tpu.vector_store %arg17[%swap3A_399], %get3A_398 {strides = array<i32>} : memref<80xi32, #tpu.memory_space<vmem>>, vector<16xi32>,
        %add3A_401 = arith.constant 16 : i32
        %add3A_402 = arith.addi %add3A_390, %add3A_401 : i32
        %get3A_403 = arith.index_cast %add3A_402 : i32 to index
        %get3A_404 = tpu.vector_load %arg11[%get3A_403] {strides = array<i32>} : memref<10080xi32, #tpu.memory_space<vmem>>, vector<16xi32>,
        %swap3A_405 = arith.constant 16 : index
        %swap3A_406 = tpu.vector_load %arg16[%swap3A_405] {strides = array<i32>} : memref<80xi32, #tpu.memory_space<vmem>>, vector<16xi32>,
        tpu.vector_store %arg16[%swap3A_405], %get3A_404 {strides = array<i32>} : memref<80xi32, #tpu.memory_space<vmem>>, vector<16xi32>,
        %get3A_407 = arith.index_cast %add3A_402 : i32 to index
        %get3A_408 = tpu.vector_load %arg12[%get3A_407] {strides = array<i32>} : memref<10080xi32, #tpu.memory_space<vmem>>, vector<16xi32>,
        %swap3A_409 = arith.constant 16 : index
        %swap3A_410 = tpu.vector_load %arg17[%swap3A_409] {strides = array<i32>} : memref<80xi32, #tpu.memory_space<vmem>>, vector<16xi32>,
        tpu.vector_store %arg17[%swap3A_409], %get3A_408 {strides = array<i32>} : memref<80xi32, #tpu.memory_space<vmem>>, vector<16xi32>,
        %add3A_411 = arith.constant 32 : i32
        %add3A_412 = arith.addi %add3A_390, %add3A_411 : i32
        %get3A_413 = arith.index_cast %add3A_412 : i32 to index
        %get3A_414 = tpu.vector_load %arg11[%get3A_413] {strides = array<i32>} : memref<10080xi32, #tpu.memory_space<vmem>>, vector<16xi32>,
        %swap3A_415 = arith.constant 32 : index
        %swap3A_416 = tpu.vector_load %arg16[%swap3A_415] {strides = array<i32>} : memref<80xi32, #tpu.memory_space<vmem>>, vector<16xi32>,
        tpu.vector_store %arg16[%swap3A_415], %get3A_414 {strides = array<i32>} : memref<80xi32, #tpu.memory_space<vmem>>, vector<16xi32>,
        %get3A_417 = arith.index_cast %add3A_412 : i32 to index
        %get3A_418 = tpu.vector_load %arg12[%get3A_417] {strides = array<i32>} : memref<10080xi32, #tpu.memory_space<vmem>>, vector<16xi32>,
        %swap3A_419 = arith.constant 32 : index
        %swap3A_420 = tpu.vector_load %arg17[%swap3A_419] {strides = array<i32>} : memref<80xi32, #tpu.memory_space<vmem>>, vector<16xi32>,
        tpu.vector_store %arg17[%swap3A_419], %get3A_418 {strides = array<i32>} : memref<80xi32, #tpu.memory_space<vmem>>, vector<16xi32>,
        %add3A_421 = arith.constant 48 : i32
        %add3A_422 = arith.addi %add3A_390, %add3A_421 : i32
        %get3A_423 = arith.index_cast %add3A_422 : i32 to index
        %get3A_424 = tpu.vector_load %arg11[%get3A_423] {strides = array<i32>} : memref<10080xi32, #tpu.memory_space<vmem>>, vector<16xi32>,
        %swap3A_425 = arith.constant 48 : index
        %swap3A_426 = tpu.vector_load %arg16[%swap3A_425] {strides = array<i32>} : memref<80xi32, #tpu.memory_space<vmem>>, vector<16xi32>,
        tpu.vector_store %arg16[%swap3A_425], %get3A_424 {strides = array<i32>} : memref<80xi32, #tpu.memory_space<vmem>>, vector<16xi32>,
        %get3A_427 = arith.index_cast %add3A_422 : i32 to index
        %get3A_428 = tpu.vector_load %arg12[%get3A_427] {strides = array<i32>} : memref<10080xi32, #tpu.memory_space<vmem>>, vector<16xi32>,
        %swap3A_429 = arith.constant 48 : index
        %swap3A_430 = tpu.vector_load %arg17[%swap3A_429] {strides = array<i32>} : memref<80xi32, #tpu.memory_space<vmem>>, vector<16xi32>,
        tpu.vector_store %arg17[%swap3A_429], %get3A_428 {strides = array<i32>} : memref<80xi32, #tpu.memory_space<vmem>>, vector<16xi32>,
        %add3A_431 = arith.constant 64 : i32
        %add3A_432 = arith.addi %add3A_390, %add3A_431 : i32
        %get3A_433 = arith.index_cast %add3A_432 : i32 to index
        %get3A_434 = tpu.vector_load %arg11[%get3A_433] {strides = array<i32>} : memref<10080xi32, #tpu.memory_space<vmem>>, vector<16xi32>,
        %swap3A_435 = arith.constant 64 : index
        %swap3A_436 = tpu.vector_load %arg16[%swap3A_435] {strides = array<i32>} : memref<80xi32, #tpu.memory_space<vmem>>, vector<16xi32>,
        tpu.vector_store %arg16[%swap3A_435], %get3A_434 {strides = array<i32>} : memref<80xi32, #tpu.memory_space<vmem>>, vector<16xi32>,
        %get3A_437 = arith.index_cast %add3A_432 : i32 to index
        %get3A_438 = tpu.vector_load %arg12[%get3A_437] {strides = array<i32>} : memref<10080xi32, #tpu.memory_space<vmem>>, vector<16xi32>,
        %swap3A_439 = arith.constant 64 : index
        %swap3A_440 = tpu.vector_load %arg17[%swap3A_439] {strides = array<i32>} : memref<80xi32, #tpu.memory_space<vmem>>, vector<16xi32>,
        tpu.vector_store %arg17[%swap3A_439], %get3A_438 {strides = array<i32>} : memref<80xi32, #tpu.memory_space<vmem>>, vector<16xi32>,
        %dma_start3A_441 = arith.constant 0 : i32
        %dma_start3A_442 = arith.constant 0 : i32
        %dma_start3A_443 = tpu.memref_slice %arg7[%dma_start3A_441, %dma_start3A_442] : memref<10000x128xf32, #tpu.memory_space<hbm>> -> memref<10000x128xf32, #tpu.memory_space<hbm>>
        tpu.enqueue_indirect_dma source(%dma_start3A_443 : memref<10000x128xf32, #tpu.memory_space<hbm>>) target(%arg15 : memref<80x128xf32, #tpu.memory_space<vmem>>) offsets(%arg16 : memref<80xi32, #tpu.memory_space<vmem>>) semaphore(%arg24 : memref<!tpu.dma_semaphore, #tpu.memory_space<semaphore_mem>>)
      } else {
      }
      %dma_wait3A_378 = arith.constant 0 : i32
      %dma_wait3A_379 = arith.constant 0 : i32
      %dma_wait3A_380 = tpu.memref_slice %arg7[%dma_wait3A_378, %dma_wait3A_379] : memref<10000x128xf32, #tpu.memory_space<hbm>> -> memref<10000x128xf32, #tpu.memory_space<hbm>>
      tpu.wait_indirect_dma semaphore(%arg25 : memref<!tpu.dma_semaphore, #tpu.memory_space<semaphore_mem>>) src(%dma_wait3A_380 : memref<10000x128xf32, #tpu.memory_space<hbm>>) dst(%arg18 : memref<80x128xf32, #tpu.memory_space<vmem>>)
      %scan3A_381 = arith.constant 0 : i32
      %scan3A_382 = arith.constant 0 : i32
      %scan3A_383 = arith.constant 80 : i32
      %scan3A_384 = arith.addi %scan3A_382, %scan3A_383 : i32
      %scan3A_385 = arith.constant 1 : i32
      %scan3A_386 = scf.for %scan3A_389 = %scan3A_382 to %scan3A_384 step %scan3A_385 iter_args(%scan3A_390 = %scan3A_381) -> (i32)  : i32 {
        %add3A_391 = arith.addi %add3A_309, %scan3A_389 : i32
        %broadcast_in_dim3A_392 = vector.broadcast %add3A_391 : i32 to vector<16xi32>
        %gather3A = tpu.vector_load_idx %arg13[%broadcast_in_dim3A_392] : memref<10080xf32, #tpu.memory_space<vmem>>[vector<16xi32>], vector<16xf32>,
        %get3A_393 = arith.index_cast %scan3A_389 : i32 to index
        %get3A_394 = arith.constant 0 : index
        %get3A_395 = tpu.vector_load %arg18[%get3A_393, %get3A_394] {strides = array<i32>} : memref<80x128xf32, #tpu.memory_space<vmem>>, vector<16xf32>,
        %mul3A_396 = arith.mulf %get3A_395, %gather3A : vector<16xf32>
        %swap3A_397 = arith.index_cast %scan3A_389 : i32 to index
        %swap3A_398 = arith.constant 0 : index
        %swap3A_399 = tpu.vector_load %arg18[%swap3A_397, %swap3A_398] {strides = array<i32>} : memref<80x128xf32, #tpu.memory_space<vmem>>, vector<16xf32>,
        tpu.vector_store %arg18[%swap3A_397, %swap3A_398], %mul3A_396 {strides = array<i32>} : memref<80x128xf32, #tpu.memory_space<vmem>>, vector<16xf32>,
        %get3A_400 = arith.index_cast %scan3A_389 : i32 to index
        %get3A_401 = arith.constant 16 : index
        %get3A_402 = tpu.vector_load %arg18[%get3A_400, %get3A_401] {strides = array<i32>} : memref<80x128xf32, #tpu.memory_space<vmem>>, vector<16xf32>,
        %mul3A_403 = arith.mulf %get3A_402, %gather3A : vector<16xf32>
        %swap3A_404 = arith.index_cast %scan3A_389 : i32 to index
        %swap3A_405 = arith.constant 16 : index
        %swap3A_406 = tpu.vector_load %arg18[%swap3A_404, %swap3A_405] {strides = array<i32>} : memref<80x128xf32, #tpu.memory_space<vmem>>, vector<16xf32>,
        tpu.vector_store %arg18[%swap3A_404, %swap3A_405], %mul3A_403 {strides = array<i32>} : memref<80x128xf32, #tpu.memory_space<vmem>>, vector<16xf32>,
        %get3A_407 = arith.index_cast %scan3A_389 : i32 to index
        %get3A_408 = arith.constant 32 : index
        %get3A_409 = tpu.vector_load %arg18[%get3A_407, %get3A_408] {strides = array<i32>} : memref<80x128xf32, #tpu.memory_space<vmem>>, vector<16xf32>,
        %mul3A_410 = arith.mulf %get3A_409, %gather3A : vector<16xf32>
        %swap3A_411 = arith.index_cast %scan3A_389 : i32 to index
        %swap3A_412 = arith.constant 32 : index
        %swap3A_413 = tpu.vector_load %arg18[%swap3A_411, %swap3A_412] {strides = array<i32>} : memref<80x128xf32, #tpu.memory_space<vmem>>, vector<16xf32>,
        tpu.vector_store %arg18[%swap3A_411, %swap3A_412], %mul3A_410 {strides = array<i32>} : memref<80x128xf32, #tpu.memory_space<vmem>>, vector<16xf32>,
        %get3A_414 = arith.index_cast %scan3A_389 : i32 to index
        %get3A_415 = arith.constant 48 : index
        %get3A_416 = tpu.vector_load %arg18[%get3A_414, %get3A_415] {strides = array<i32>} : memref<80x128xf32, #tpu.memory_space<vmem>>, vector<16xf32>,
        %mul3A_417 = arith.mulf %get3A_416, %gather3A : vector<16xf32>
        %swap3A_418 = arith.index_cast %scan3A_389 : i32 to index
        %swap3A_419 = arith.constant 48 : index
        %swap3A_420 = tpu.vector_load %arg18[%swap3A_418, %swap3A_419] {strides = array<i32>} : memref<80x128xf32, #tpu.memory_space<vmem>>, vector<16xf32>,
        tpu.vector_store %arg18[%swap3A_418, %swap3A_419], %mul3A_417 {strides = array<i32>} : memref<80x128xf32, #tpu.memory_space<vmem>>, vector<16xf32>,
        %get3A_421 = arith.index_cast %scan3A_389 : i32 to index
        %get3A_422 = arith.constant 64 : index
        %get3A_423 = tpu.vector_load %arg18[%get3A_421, %get3A_422] {strides = array<i32>} : memref<80x128xf32, #tpu.memory_space<vmem>>, vector<16xf32>,
        %mul3A_424 = arith.mulf %get3A_423, %gather3A : vector<16xf32>
        %swap3A_425 = arith.index_cast %scan3A_389 : i32 to index
        %swap3A_426 = arith.constant 64 : index
        %swap3A_427 = tpu.vector_load %arg18[%swap3A_425, %swap3A_426] {strides = array<i32>} : memref<80x128xf32, #tpu.memory_space<vmem>>, vector<16xf32>,
        tpu.vector_store %arg18[%swap3A_425, %swap3A_426], %mul3A_424 {strides = array<i32>} : memref<80x128xf32, #tpu.memory_space<vmem>>, vector<16xf32>,
        %get3A_428 = arith.index_cast %scan3A_389 : i32 to index
        %get3A_429 = arith.constant 80 : index
        %get3A_430 = tpu.vector_load %arg18[%get3A_428, %get3A_429] {strides = array<i32>} : memref<80x128xf32, #tpu.memory_space<vmem>>, vector<16xf32>,
        %mul3A_431 = arith.mulf %get3A_430, %gather3A : vector<16xf32>
        %swap3A_432 = arith.index_cast %scan3A_389 : i32 to index
        %swap3A_433 = arith.constant 80 : index
        %swap3A_434 = tpu.vector_load %arg18[%swap3A_432, %swap3A_433] {strides = array<i32>} : memref<80x128xf32, #tpu.memory_space<vmem>>, vector<16xf32>,
        tpu.vector_store %arg18[%swap3A_432, %swap3A_433], %mul3A_431 {strides = array<i32>} : memref<80x128xf32, #tpu.memory_space<vmem>>, vector<16xf32>,
        %get3A_435 = arith.index_cast %scan3A_389 : i32 to index
        %get3A_436 = arith.constant 96 : index
        %get3A_437 = tpu.vector_load %arg18[%get3A_435, %get3A_436] {strides = array<i32>} : memref<80x128xf32, #tpu.memory_space<vmem>>, vector<16xf32>,
        %mul3A_438 = arith.mulf %get3A_437, %gather3A : vector<16xf32>
        %swap3A_439 = arith.index_cast %scan3A_389 : i32 to index
        %swap3A_440 = arith.constant 96 : index
        %swap3A_441 = tpu.vector_load %arg18[%swap3A_439, %swap3A_440] {strides = array<i32>} : memref<80x128xf32, #tpu.memory_space<vmem>>, vector<16xf32>,
        tpu.vector_store %arg18[%swap3A_439, %swap3A_440], %mul3A_438 {strides = array<i32>} : memref<80x128xf32, #tpu.memory_space<vmem>>, vector<16xf32>,
        %get3A_442 = arith.index_cast %scan3A_389 : i32 to index
        %get3A_443 = arith.constant 112 : index
        %get3A_444 = tpu.vector_load %arg18[%get3A_442, %get3A_443] {strides = array<i32>} : memref<80x128xf32, #tpu.memory_space<vmem>>, vector<16xf32>,
        %mul3A_445 = arith.mulf %get3A_444, %gather3A : vector<16xf32>
        %swap3A_446 = arith.index_cast %scan3A_389 : i32 to index
        %swap3A_447 = arith.constant 112 : index
        %swap3A_448 = tpu.vector_load %arg18[%swap3A_446, %swap3A_447] {strides = array<i32>} : memref<80x128xf32, #tpu.memory_space<vmem>>, vector<16xf32>,
        tpu.vector_store %arg18[%swap3A_446, %swap3A_447], %mul3A_445 {strides = array<i32>} : memref<80x128xf32, #tpu.memory_space<vmem>>, vector<16xf32>,
        %scan3A_449 = arith.constant 0 : i32
        scf.yield %scan3A_449 : i32
      }
      %scan3A_387 = arith.constant 80 : i32
      "tpu.region"() ({
        %run_scoped3A = tpu.sem_alloc : memref<!tpu.dma_semaphore, #tpu.memory_space<semaphore_mem>>
        %dma_start3A_389 = arith.constant 0 : i32
        %dma_start3A_390 = arith.constant 0 : i32
        %dma_start3A_391 = tpu.memref_slice %arg22[%dma_start3A_389, %dma_start3A_390] : memref<5008x128xf32, #tpu.memory_space<vmem_shared>> -> memref<5008x128xf32, #tpu.memory_space<vmem_shared>>
        tpu.enqueue_indirect_dma source(%arg18 : memref<80x128xf32, #tpu.memory_space<vmem>>) target(%dma_start3A_391 : memref<5008x128xf32, #tpu.memory_space<vmem_shared>>) offsets(%arg20 : memref<80xi32, #tpu.memory_space<vmem>>) semaphore(%run_scoped3A : memref<!tpu.dma_semaphore, #tpu.memory_space<semaphore_mem>>) {add = true}
        %dma_wait3A_392 = arith.constant 0 : i32
        %dma_wait3A_393 = arith.constant 0 : i32
        %dma_wait3A_394 = tpu.memref_slice %arg22[%dma_wait3A_392, %dma_wait3A_393] : memref<5008x128xf32, #tpu.memory_space<vmem_shared>> -> memref<5008x128xf32, #tpu.memory_space<vmem_shared>>
        tpu.wait_indirect_dma semaphore(%run_scoped3A : memref<!tpu.dma_semaphore, #tpu.memory_space<semaphore_mem>>) src(%arg18 : memref<80x128xf32, #tpu.memory_space<vmem>>) dst(%dma_wait3A_394 : memref<5008x128xf32, #tpu.memory_space<vmem_shared>>)
        tpu.yield
      }) : () -> ()
      %while3A_388 = arith.constant 0 : i32
      scf.yield %while3A_388 : i32
    }
    %rem3A_284 = arith.constant 2 : i32
    %rem3A_285 = arith.remsi %select_n3A, %rem3A_284 : i32
    %eq3A_286 = arith.constant 1 : i32
    %eq3A_287 = arith.cmpi eq, %rem3A_285, %eq3A_286 : i32
    %convert_element_type3A_288 = arith.extui %eq3A_287 : i1 to i32
    %cond3A_289 = arith.constant 0 : i32
    %cond3A_290 = arith.cmpi ne, %convert_element_type3A_288, %cond3A_289 : i32
    scf.if %cond3A_290 {
      %dma_wait3A = arith.constant 0 : i32
      %dma_wait3A_302 = arith.constant 0 : i32
      %dma_wait3A_303 = tpu.memref_slice %arg7[%dma_wait3A, %dma_wait3A_302] : memref<10000x128xf32, #tpu.memory_space<hbm>> -> memref<10000x128xf32, #tpu.memory_space<hbm>>
      tpu.wait_indirect_dma semaphore(%arg24 : memref<!tpu.dma_semaphore, #tpu.memory_space<semaphore_mem>>) src(%dma_wait3A_303 : memref<10000x128xf32, #tpu.memory_space<hbm>>) dst(%arg15 : memref<80x128xf32, #tpu.memory_space<vmem>>)
      %sub3A_304 = arith.constant 1 : i32
      %sub3A_305 = arith.subi %select_n3A, %sub3A_304 : i32
      %mul3A_306 = arith.constant 80 : i32
      %mul3A_307 = arith.muli %sub3A_305, %mul3A_306 : i32
      %scan3A_308 = arith.constant 0 : i32
      %scan3A_309 = arith.constant 0 : i32
      %scan3A_310 = arith.constant 80 : i32
      %scan3A_311 = arith.addi %scan3A_309, %scan3A_310 : i32
      %scan3A_312 = arith.constant 1 : i32
      %scan3A_313 = scf.for %scan3A_315 = %scan3A_309 to %scan3A_311 step %scan3A_312 iter_args(%scan3A_316 = %scan3A_308) -> (i32)  : i32 {
        %add3A_317 = arith.addi %mul3A_307, %scan3A_315 : i32
        %broadcast_in_dim3A_318 = vector.broadcast %add3A_317 : i32 to vector<16xi32>
        %gather3A = tpu.vector_load_idx %arg13[%broadcast_in_dim3A_318] : memref<10080xf32, #tpu.memory_space<vmem>>[vector<16xi32>], vector<16xf32>,
        %get3A = arith.index_cast %scan3A_315 : i32 to index
        %get3A_319 = arith.constant 0 : index
        %get3A_320 = tpu.vector_load %arg15[%get3A, %get3A_319] {strides = array<i32>} : memref<80x128xf32, #tpu.memory_space<vmem>>, vector<16xf32>,
        %mul3A_321 = arith.mulf %get3A_320, %gather3A : vector<16xf32>
        %swap3A_322 = arith.index_cast %scan3A_315 : i32 to index
        %swap3A_323 = arith.constant 0 : index
        %swap3A_324 = tpu.vector_load %arg15[%swap3A_322, %swap3A_323] {strides = array<i32>} : memref<80x128xf32, #tpu.memory_space<vmem>>, vector<16xf32>,
        tpu.vector_store %arg15[%swap3A_322, %swap3A_323], %mul3A_321 {strides = array<i32>} : memref<80x128xf32, #tpu.memory_space<vmem>>, vector<16xf32>,
        %get3A_325 = arith.index_cast %scan3A_315 : i32 to index
        %get3A_326 = arith.constant 16 : index
        %get3A_327 = tpu.vector_load %arg15[%get3A_325, %get3A_326] {strides = array<i32>} : memref<80x128xf32, #tpu.memory_space<vmem>>, vector<16xf32>,
        %mul3A_328 = arith.mulf %get3A_327, %gather3A : vector<16xf32>
        %swap3A_329 = arith.index_cast %scan3A_315 : i32 to index
        %swap3A_330 = arith.constant 16 : index
        %swap3A_331 = tpu.vector_load %arg15[%swap3A_329, %swap3A_330] {strides = array<i32>} : memref<80x128xf32, #tpu.memory_space<vmem>>, vector<16xf32>,
        tpu.vector_store %arg15[%swap3A_329, %swap3A_330], %mul3A_328 {strides = array<i32>} : memref<80x128xf32, #tpu.memory_space<vmem>>, vector<16xf32>,
        %get3A_332 = arith.index_cast %scan3A_315 : i32 to index
        %get3A_333 = arith.constant 32 : index
        %get3A_334 = tpu.vector_load %arg15[%get3A_332, %get3A_333] {strides = array<i32>} : memref<80x128xf32, #tpu.memory_space<vmem>>, vector<16xf32>,
        %mul3A_335 = arith.mulf %get3A_334, %gather3A : vector<16xf32>
        %swap3A_336 = arith.index_cast %scan3A_315 : i32 to index
        %swap3A_337 = arith.constant 32 : index
        %swap3A_338 = tpu.vector_load %arg15[%swap3A_336, %swap3A_337] {strides = array<i32>} : memref<80x128xf32, #tpu.memory_space<vmem>>, vector<16xf32>,
        tpu.vector_store %arg15[%swap3A_336, %swap3A_337], %mul3A_335 {strides = array<i32>} : memref<80x128xf32, #tpu.memory_space<vmem>>, vector<16xf32>,
        %get3A_339 = arith.index_cast %scan3A_315 : i32 to index
        %get3A_340 = arith.constant 48 : index
        %get3A_341 = tpu.vector_load %arg15[%get3A_339, %get3A_340] {strides = array<i32>} : memref<80x128xf32, #tpu.memory_space<vmem>>, vector<16xf32>,
        %mul3A_342 = arith.mulf %get3A_341, %gather3A : vector<16xf32>
        %swap3A_343 = arith.index_cast %scan3A_315 : i32 to index
        %swap3A_344 = arith.constant 48 : index
        %swap3A_345 = tpu.vector_load %arg15[%swap3A_343, %swap3A_344] {strides = array<i32>} : memref<80x128xf32, #tpu.memory_space<vmem>>, vector<16xf32>,
        tpu.vector_store %arg15[%swap3A_343, %swap3A_344], %mul3A_342 {strides = array<i32>} : memref<80x128xf32, #tpu.memory_space<vmem>>, vector<16xf32>,
        %get3A_346 = arith.index_cast %scan3A_315 : i32 to index
        %get3A_347 = arith.constant 64 : index
        %get3A_348 = tpu.vector_load %arg15[%get3A_346, %get3A_347] {strides = array<i32>} : memref<80x128xf32, #tpu.memory_space<vmem>>, vector<16xf32>,
        %mul3A_349 = arith.mulf %get3A_348, %gather3A : vector<16xf32>
        %swap3A_350 = arith.index_cast %scan3A_315 : i32 to index
        %swap3A_351 = arith.constant 64 : index
        %swap3A_352 = tpu.vector_load %arg15[%swap3A_350, %swap3A_351] {strides = array<i32>} : memref<80x128xf32, #tpu.memory_space<vmem>>, vector<16xf32>,
        tpu.vector_store %arg15[%swap3A_350, %swap3A_351], %mul3A_349 {strides = array<i32>} : memref<80x128xf32, #tpu.memory_space<vmem>>, vector<16xf32>,
        %get3A_353 = arith.index_cast %scan3A_315 : i32 to index
        %get3A_354 = arith.constant 80 : index
        %get3A_355 = tpu.vector_load %arg15[%get3A_353, %get3A_354] {strides = array<i32>} : memref<80x128xf32, #tpu.memory_space<vmem>>, vector<16xf32>,
        %mul3A_356 = arith.mulf %get3A_355, %gather3A : vector<16xf32>
        %swap3A_357 = arith.index_cast %scan3A_315 : i32 to index
        %swap3A_358 = arith.constant 80 : index
        %swap3A_359 = tpu.vector_load %arg15[%swap3A_357, %swap3A_358] {strides = array<i32>} : memref<80x128xf32, #tpu.memory_space<vmem>>, vector<16xf32>,
        tpu.vector_store %arg15[%swap3A_357, %swap3A_358], %mul3A_356 {strides = array<i32>} : memref<80x128xf32, #tpu.memory_space<vmem>>, vector<16xf32>,
        %get3A_360 = arith.index_cast %scan3A_315 : i32 to index
        %get3A_361 = arith.constant 96 : index
        %get3A_362 = tpu.vector_load %arg15[%get3A_360, %get3A_361] {strides = array<i32>} : memref<80x128xf32, #tpu.memory_space<vmem>>, vector<16xf32>,
        %mul3A_363 = arith.mulf %get3A_362, %gather3A : vector<16xf32>
        %swap3A_364 = arith.index_cast %scan3A_315 : i32 to index
        %swap3A_365 = arith.constant 96 : index
        %swap3A_366 = tpu.vector_load %arg15[%swap3A_364, %swap3A_365] {strides = array<i32>} : memref<80x128xf32, #tpu.memory_space<vmem>>, vector<16xf32>,
        tpu.vector_store %arg15[%swap3A_364, %swap3A_365], %mul3A_363 {strides = array<i32>} : memref<80x128xf32, #tpu.memory_space<vmem>>, vector<16xf32>,
        %get3A_367 = arith.index_cast %scan3A_315 : i32 to index
        %get3A_368 = arith.constant 112 : index
        %get3A_369 = tpu.vector_load %arg15[%get3A_367, %get3A_368] {strides = array<i32>} : memref<80x128xf32, #tpu.memory_space<vmem>>, vector<16xf32>,
        %mul3A_370 = arith.mulf %get3A_369, %gather3A : vector<16xf32>
        %swap3A_371 = arith.index_cast %scan3A_315 : i32 to index
        %swap3A_372 = arith.constant 112 : index
        %swap3A_373 = tpu.vector_load %arg15[%swap3A_371, %swap3A_372] {strides = array<i32>} : memref<80x128xf32, #tpu.memory_space<vmem>>, vector<16xf32>,
        tpu.vector_store %arg15[%swap3A_371, %swap3A_372], %mul3A_370 {strides = array<i32>} : memref<80x128xf32, #tpu.memory_space<vmem>>, vector<16xf32>,
        %scan3A_374 = arith.constant 0 : i32
        scf.yield %scan3A_374 : i32
      }
      %scan3A_314 = arith.constant 80 : i32
      "tpu.region"() ({
        %run_scoped3A = tpu.sem_alloc : memref<!tpu.dma_semaphore, #tpu.memory_space<semaphore_mem>>
        %dma_start3A = arith.constant 0 : i32
        %dma_start3A_315 = arith.constant 0 : i32
        %dma_start3A_316 = tpu.memref_slice %arg22[%dma_start3A, %dma_start3A_315] : memref<5008x128xf32, #tpu.memory_space<vmem_shared>> -> memref<5008x128xf32, #tpu.memory_space<vmem_shared>>
        tpu.enqueue_indirect_dma source(%arg15 : memref<80x128xf32, #tpu.memory_space<vmem>>) target(%dma_start3A_316 : memref<5008x128xf32, #tpu.memory_space<vmem_shared>>) offsets(%arg17 : memref<80xi32, #tpu.memory_space<vmem>>) semaphore(%run_scoped3A : memref<!tpu.dma_semaphore, #tpu.memory_space<semaphore_mem>>) {add = true}
        %dma_wait3A_317 = arith.constant 0 : i32
        %dma_wait3A_318 = arith.constant 0 : i32
        %dma_wait3A_319 = tpu.memref_slice %arg22[%dma_wait3A_317, %dma_wait3A_318] : memref<5008x128xf32, #tpu.memory_space<vmem_shared>> -> memref<5008x128xf32, #tpu.memory_space<vmem_shared>>
        tpu.wait_indirect_dma semaphore(%run_scoped3A : memref<!tpu.dma_semaphore, #tpu.memory_space<semaphore_mem>>) src(%arg15 : memref<80x128xf32, #tpu.memory_space<vmem>>) dst(%dma_wait3A_319 : memref<5008x128xf32, #tpu.memory_space<vmem_shared>>)
        tpu.yield
      }) : () -> ()
    } else {
    }
    %barrier3A_291 = arith.constant 0 : index
    tpu.barrier barrier_id(%barrier3A_291)
    %lt3A_292 = arith.constant 8 : i32
    %lt3A_293 = arith.cmpi slt, %arg1, %lt3A_292 : i32
    %convert_element_type3A_294 = arith.extui %lt3A_293 : i1 to i32
    %cond3A_295 = arith.constant 0 : i32
    %cond3A_296 = arith.cmpi ne, %convert_element_type3A_294, %cond3A_295 : i32
    scf.if %cond3A_296 {
      %mul3A_302 = arith.constant 624 : i32
      %mul3A_303 = arith.muli %arg1, %mul3A_302 : i32
      %mul3A_304 = arith.constant 624 : i32
      %mul3A_305 = arith.muli %arg1, %mul3A_304 : i32
      %add3A_306 = arith.addi %mul3A_0, %mul3A_305 : i32
      "tpu.region"() ({
        %run_scoped3A = tpu.sem_alloc : memref<!tpu.dma_semaphore, #tpu.memory_space<semaphore_mem>>
        %dma_start3A = arith.constant 128 : i32
        %dma_start3A_307 = tpu.memref_slice %arg8[%add3A_306, %dma_start3A] : memref<10000x256xf32, #tpu.memory_space<hbm>> -> memref<624x128xf32, #tpu.memory_space<hbm>>
        %dma_start3A_308 = arith.constant 0 : i32
        %dma_start3A_309 = tpu.memref_slice %arg22[%mul3A_303, %dma_start3A_308] : memref<5008x128xf32, #tpu.memory_space<vmem_shared>> -> memref<624x128xf32, #tpu.memory_space<vmem_shared>>
        tpu.enqueue_dma source(%dma_start3A_309 : memref<624x128xf32, #tpu.memory_space<vmem_shared>>) target(%dma_start3A_307 : memref<624x128xf32, #tpu.memory_space<hbm>>) target_semaphore(%run_scoped3A : memref<!tpu.dma_semaphore, #tpu.memory_space<semaphore_mem>>)
        %dma_wait3A = arith.constant 128 : i32
        %dma_wait3A_310 = tpu.memref_slice %arg8[%add3A_306, %dma_wait3A] : memref<10000x256xf32, #tpu.memory_space<hbm>> -> memref<624x128xf32, #tpu.memory_space<hbm>>
        %dma_wait3A_311 = arith.constant 0 : i32
        %dma_wait3A_312 = tpu.memref_slice %arg22[%mul3A_303, %dma_wait3A_311] : memref<5008x128xf32, #tpu.memory_space<vmem_shared>> -> memref<624x128xf32, #tpu.memory_space<vmem_shared>>
        tpu.wait_dma2 semaphore(%run_scoped3A : memref<!tpu.dma_semaphore, #tpu.memory_space<semaphore_mem>>) src(%dma_wait3A_312 : memref<624x128xf32, #tpu.memory_space<vmem_shared>>) dst(%dma_wait3A_310 : memref<624x128xf32, #tpu.memory_space<hbm>>)
        tpu.yield
      }) : () -> ()
    } else {
    }
    %eq3A_297 = arith.constant 8 : i32
    %eq3A_298 = arith.cmpi eq, %arg1, %eq3A_297 : i32
    %convert_element_type3A_299 = arith.extui %eq3A_298 : i1 to i32
    %cond3A_300 = arith.constant 0 : i32
    %cond3A_301 = arith.cmpi ne, %convert_element_type3A_299, %cond3A_300 : i32
    scf.if %cond3A_301 {
      %add3A_302 = arith.constant 4992 : i32
      %add3A_303 = arith.addi %mul3A_0, %add3A_302 : i32
      "tpu.region"() ({
        %run_scoped3A = tpu.sem_alloc : memref<!tpu.dma_semaphore, #tpu.memory_space<semaphore_mem>>
        %dma_start3A = arith.constant 128 : i32
        %dma_start3A_304 = tpu.memref_slice %arg8[%add3A_303, %dma_start3A] : memref<10000x256xf32, #tpu.memory_space<hbm>> -> memref<8x128xf32, #tpu.memory_space<hbm>>
        %dma_start3A_305 = arith.constant 4992 : i32
        %dma_start3A_306 = arith.constant 0 : i32
        %dma_start3A_307 = tpu.memref_slice %arg22[%dma_start3A_305, %dma_start3A_306] : memref<5008x128xf32, #tpu.memory_space<vmem_shared>> -> memref<8x128xf32, #tpu.memory_space<vmem_shared>>
        tpu.enqueue_dma source(%dma_start3A_307 : memref<8x128xf32, #tpu.memory_space<vmem_shared>>) target(%dma_start3A_304 : memref<8x128xf32, #tpu.memory_space<hbm>>) target_semaphore(%run_scoped3A : memref<!tpu.dma_semaphore, #tpu.memory_space<semaphore_mem>>)
        %dma_wait3A = arith.constant 128 : i32
        %dma_wait3A_308 = tpu.memref_slice %arg8[%add3A_303, %dma_wait3A] : memref<10000x256xf32, #tpu.memory_space<hbm>> -> memref<8x128xf32, #tpu.memory_space<hbm>>
        %dma_wait3A_309 = arith.constant 4992 : i32
        %dma_wait3A_310 = arith.constant 0 : i32
        %dma_wait3A_311 = tpu.memref_slice %arg22[%dma_wait3A_309, %dma_wait3A_310] : memref<5008x128xf32, #tpu.memory_space<vmem_shared>> -> memref<8x128xf32, #tpu.memory_space<vmem_shared>>
        tpu.wait_dma2 semaphore(%run_scoped3A : memref<!tpu.dma_semaphore, #tpu.memory_space<semaphore_mem>>) src(%dma_wait3A_311 : memref<8x128xf32, #tpu.memory_space<vmem_shared>>) dst(%dma_wait3A_308 : memref<8x128xf32, #tpu.memory_space<hbm>>)
        tpu.yield
      }) : () -> ()
    } else {
    }
    return
  }
}

module attributes {stable_mosaic.version = 14 : i64} {
  func.func @_tc_body(%arg0: i32, %arg1: memref<1000x256xf32, #tpu.memory_space<vmem>>, %arg2: memref<256x256xf32, #tpu.memory_space<vmem>>, %arg3: memref<1x256xf32, #tpu.memory_space<vmem>>, %arg4: memref<1x256xf32, #tpu.memory_space<vmem>>, %arg5: memref<1000x128xf32, #tpu.memory_space<vmem>>, %arg6: memref<1000x128xf32, #tpu.memory_space<vmem>>, %arg7: memref<1000x1xf32, #tpu.memory_space<vmem>>, %arg8: memref<1000x1xf32, #tpu.memory_space<vmem>>) attributes {dimension_semantics = [#tpu.dimension_semantics<arbitrary>], iteration_bounds = array<i64: 10>, scalar_prefetch = 0 : i64, scratch_operands = 0 : i64, tpu.core_type = #tpu.core_type<tc>, window_params = [{transform_indices = @transform_0, window_bounds = array<i64: 1000, 256>}, {pipeline_mode = #tpu.pipeline_mode<synchronous>, transform_indices = @transform_1, window_bounds = array<i64: 256, 256>}, {pipeline_mode = #tpu.pipeline_mode<synchronous>, transform_indices = @transform_2, window_bounds = array<i64: 1, 256>}, {pipeline_mode = #tpu.pipeline_mode<synchronous>, transform_indices = @transform_3, window_bounds = array<i64: 1, 256>}, {transform_indices = @transform_4, window_bounds = array<i64: 1000, 128>}, {transform_indices = @transform_5, window_bounds = array<i64: 1000, 128>}, {transform_indices = @transform_6, window_bounds = array<i64: 1000, 1>}, {transform_indices = @transform_7, window_bounds = array<i64: 1000, 1>}]} {
    %get3A = arith.constant 0 : index
    %get3A_0 = arith.constant 0 : index
    %get3A_1 = vector.load %arg1[%get3A, %get3A_0] : memref<1000x256xf32, #tpu.memory_space<vmem>>, vector<1000x256xf32>
    %get3A_2 = arith.constant 0 : index
    %get3A_3 = arith.constant 0 : index
    %get3A_4 = vector.load %arg2[%get3A_2, %get3A_3] : memref<256x256xf32, #tpu.memory_space<vmem>>, vector<256x256xf32>
    %dot_general3A = arith.constant dense<0.000000e+00> : vector<1000x256xf32>
    %dot_general3A_5 = tpu.matmul %get3A_1, %get3A_4, %dot_general3A {dimension_numbers = #tpu.dot_dimension_numbers<[1], [1], [0], [0], [0, 0, 1, 0], [], []>, transpose_lhs_hint = false} : vector<1000x256xf32>, vector<256x256xf32>, vector<1000x256xf32> -> vector<1000x256xf32>
    %slice3A = vector.extract_strided_slice %dot_general3A_5 {offsets = [0, 0], sizes = [1000, 128], strides = [1, 1]} : vector<1000x256xf32> to vector<1000x128xf32>
    %swap3A = arith.constant 0 : index
    %swap3A_6 = arith.constant 0 : index
    %swap3A_7 = vector.load %arg5[%swap3A, %swap3A_6] : memref<1000x128xf32, #tpu.memory_space<vmem>>, vector<1000x128xf32>
    tpu.vector_store %arg5[%swap3A, %swap3A_6], %slice3A {strides = array<i32>} : memref<1000x128xf32, #tpu.memory_space<vmem>>, vector<1000x128xf32>,
    %slice3A_8 = vector.extract_strided_slice %dot_general3A_5 {offsets = [0, 128], sizes = [1000, 128], strides = [1, 1]} : vector<1000x256xf32> to vector<1000x128xf32>
    %swap3A_9 = arith.constant 0 : index
    %swap3A_10 = arith.constant 0 : index
    %swap3A_11 = vector.load %arg6[%swap3A_9, %swap3A_10] : memref<1000x128xf32, #tpu.memory_space<vmem>>, vector<1000x128xf32>
    tpu.vector_store %arg6[%swap3A_9, %swap3A_10], %slice3A_8 {strides = array<i32>} : memref<1000x128xf32, #tpu.memory_space<vmem>>, vector<1000x128xf32>,
    %get3A_12 = arith.constant 0 : index
    %get3A_13 = arith.constant 0 : index
    %get3A_14 = vector.load %arg3[%get3A_12, %get3A_13] : memref<1x256xf32, #tpu.memory_space<vmem>>, vector<1x256xf32>
    %mul3A = vector.broadcast %get3A_14 : vector<1x256xf32> to vector<1000x256xf32>
    %mul3A_15 = arith.mulf %dot_general3A_5, %mul3A : vector<1000x256xf32>
    %reduce_sum3A = arith.constant dense<0.000000e+00> : vector<1000xf32>
    %reduce_sum3A_16 = vector.multi_reduction <add>, %mul3A_15, %reduce_sum3A [1] : vector<1000x256xf32> to vector<1000xf32>
    %broadcast_in_dim3A = vector.shape_cast %reduce_sum3A_16 : vector<1000xf32> to vector<1000x1xf32>
    %swap3A_17 = arith.constant 0 : index
    %swap3A_18 = arith.constant 0 : index
    %swap3A_19 = vector.load %arg7[%swap3A_17, %swap3A_18] : memref<1000x1xf32, #tpu.memory_space<vmem>>, vector<1000x1xf32>
    tpu.vector_store %arg7[%swap3A_17, %swap3A_18], %broadcast_in_dim3A {strides = array<i32>} : memref<1000x1xf32, #tpu.memory_space<vmem>>, vector<1000x1xf32>,
    %get3A_20 = arith.constant 0 : index
    %get3A_21 = arith.constant 0 : index
    %get3A_22 = vector.load %arg4[%get3A_20, %get3A_21] : memref<1x256xf32, #tpu.memory_space<vmem>>, vector<1x256xf32>
    %mul3A_23 = vector.broadcast %get3A_22 : vector<1x256xf32> to vector<1000x256xf32>
    %mul3A_24 = arith.mulf %dot_general3A_5, %mul3A_23 : vector<1000x256xf32>
    %reduce_sum3A_25 = arith.constant dense<0.000000e+00> : vector<1000xf32>
    %reduce_sum3A_26 = vector.multi_reduction <add>, %mul3A_24, %reduce_sum3A_25 [1] : vector<1000x256xf32> to vector<1000xf32>
    %broadcast_in_dim3A_27 = vector.shape_cast %reduce_sum3A_26 : vector<1000xf32> to vector<1000x1xf32>
    %swap3A_28 = arith.constant 0 : index
    %swap3A_29 = arith.constant 0 : index
    %swap3A_30 = vector.load %arg8[%swap3A_28, %swap3A_29] : memref<1000x1xf32, #tpu.memory_space<vmem>>, vector<1000x1xf32>
    tpu.vector_store %arg8[%swap3A_28, %swap3A_29], %broadcast_in_dim3A_27 {strides = array<i32>} : memref<1000x1xf32, #tpu.memory_space<vmem>>, vector<1000x1xf32>,
    return
  }
  func.func @transform_0(%arg0: i32) -> (i32, i32) {
    %c0_i32 = arith.constant 0 : i32
    %c0_i32_0 = arith.constant 0 : i32
    return %arg0, %c0_i32 : i32, i32
  }
  func.func @transform_1(%arg0: i32) -> (i32, i32) {
    %c0_i32 = arith.constant 0 : i32
    %c0_i32_0 = arith.constant 0 : i32
    %c0_i32_1 = arith.constant 0 : i32
    return %c0_i32, %c0_i32_0 : i32, i32
  }
  func.func @transform_2(%arg0: i32) -> (i32, i32) {
    %c0_i32 = arith.constant 0 : i32
    %c0_i32_0 = arith.constant 0 : i32
    %c0_i32_1 = arith.constant 0 : i32
    return %c0_i32, %c0_i32_0 : i32, i32
  }
  func.func @transform_3(%arg0: i32) -> (i32, i32) {
    %c0_i32 = arith.constant 0 : i32
    %c0_i32_0 = arith.constant 0 : i32
    %c0_i32_1 = arith.constant 0 : i32
    return %c0_i32, %c0_i32_0 : i32, i32
  }
  func.func @transform_4(%arg0: i32) -> (i32, i32) {
    %c0_i32 = arith.constant 0 : i32
    %c0_i32_0 = arith.constant 0 : i32
    return %arg0, %c0_i32 : i32, i32
  }
  func.func @transform_5(%arg0: i32) -> (i32, i32) {
    %c0_i32 = arith.constant 0 : i32
    %c0_i32_0 = arith.constant 0 : i32
    return %arg0, %c0_i32 : i32, i32
  }
  func.func @transform_6(%arg0: i32) -> (i32, i32) {
    %c0_i32 = arith.constant 0 : i32
    %c0_i32_0 = arith.constant 0 : i32
    return %arg0, %c0_i32 : i32, i32
  }
  func.func @transform_7(%arg0: i32) -> (i32, i32) {
    %c0_i32 = arith.constant 0 : i32
    %c0_i32_0 = arith.constant 0 : i32
    return %arg0, %c0_i32 : i32, i32
  }
}

</mosaic_0001>

<sc_bundles>
// kernel: kernel.4.cloned.1.call-start
scs
__scs_entry_jumppad:
0x0: {  	(pc) =	sbr.rel $0x88, $3  }
0x1: {  	(tag) =	ssettag $0x0;
	lr =	simm.s32 $0x1  }
0x2: {  	[smem:$0x3F9C] =	sst lr;
	_ =	strace $0xD0000000  }
0x3: {  	_ = 	snop  }
0x4: {  	_ = 	snop  }
0x5: {  	_ = 	snop  }
0x6: {  	_ = 	snop  }
0x7: {  	_ = 	snop  }
__scs_overlays_trampoline_lowered:
0x8: {  	[smem:$0x3FAB] =	sst s0  }
0x9: {  	[smem:$0x3FAC] =	sst s1  }
0xa: {  	[smem:$0x3FAD] =	sst s2  }
0xb: {  	[smem:$0x3FAE] =	sst s3  }
0xc: {  	[smem:$0x3FAF] =	sst s4  }
0xd: {  	[smem:$0x3FB0] =	sst s5  }
0xe: {  	[smem:$0x3FB1] =	sst s6  }
0xf: {  	[smem:$0x3FB2] =	sst s7  }
0x10: {  	[smem:$0x3FB3] =	sst s8  }
0x11: {  	[smem:$0x3FB4] =	sst s9;
	s0 =	simm.s32 @!p0 $0x0  }
0x12: {  	s1 =	sld [smem:$0x3F9A];
	s0 =	simm.s32 @p0 $0x1  }
0x13: {  	[smem:$0x3FB5] =	sst s0;
	s0 =	simm.s32 @!p1 $0x0  }
0x14: {  	s2 =	sld [smem:$0x3F99];
	s0 =	simm.s32 @p1 $0x1  }
0x15: {  	[smem:$0x3FB6] =	sst s0;
	s0 =	simm.s32 @!p2 $0x0  }
0x16: {  	s3 =	sld [smem:$0x3FDB];
	s0 =	simm.s32 @p2 $0x1  }
0x17: {  	s4 =	simm.s32 $0x1BF5;
	[smem:$0x3FB8] =	sst s0  }
0x18: {  	s0 =	sld [smem:$0x3F9B];
	_ =	swait.ge [sflag:s4], $0x0  }
0x19: {  	s7 =	sld [smem:$0x3F9C]  }
0x1a: {  	s8 =	sadd.s32 $0xFFFFE003, lr  }
0x1b: {  	s9 =	sadd.s32 $0xFFFFFEF7, lr;
	s5 =	simm.s32 $0xFFFFFFFF;
	p2 =	slt.u32 s8, $0xFFFFF086  }
0x1c: {  	p1 =	slt.u32 s9, $0xF7A;
	s5 =	simm.s32 @!p2 $0x0  }
0x1d: {  	s5 =	simm.s32 @p1 $0x1;
	p0 =	seq.s32 s7, s2  }
0x1e: {  	s7 =	smul.u32 @!p0 $0xF7A, s2;
	p2 =	seq.s32 @!p0 s5, $0x0  }
0x1f: {  	s9 =	smul.u32 $0xF7A, s1;
	s8 =	simm.s32 @!p0 $0x1BF5;
	p2 =	por !p2, p0  }
0x20: {  	[sflag:s8] =	ssyncset.s32 @!p0 $0xFFFFF086;
	s6 =	sadd.s32 @!p0 s3, s7;
	s7 =	simm.s32 @!p0 $0x108  }
0x21: {  	s3 =	sadd.s32 s3, s9;
	s6 =	sadd.s32 @!p0 $0x88, s6;
	s7 =	simm.s32 @p2 $0x1082  }
0x22: {  	[simem:s7], [sflag:s8] =	dma.local @!p0 [hbm:s6], $0xF7A  }
0x23: {  	s9 =	sor.u32 $0xD0000000, s2;
	s6 =	simm.s32 $0x108;
	_ =	swait.ge @!p0 [sflag:s8], $0x0  }
0x24: {  	s3 =	sadd.s32 $0x88, s3;
	s6 =	simm.s32 @!p1 $0x1082;
	[sflag:s4] =	ssyncset.s32 $0xFFFFF086  }
0x25: {  	[simem:s6], [sflag:s4] =	dma.local [hbm:s3], $0xF7A  }
0x26: {  	[smem:$0x3F9C] =	sst s1;
	(tag) =	ssettag s2;
	_ =	strace s9  }
0x27: {  	s1 =	sld [smem:$0x3FAC]  }
0x28: {  	s2 =	sld [smem:$0x3FAD]  }
0x29: {  	s4 =	sld [smem:$0x3FAF]  }
0x2a: {  	p0 =	seq.s32 s5, $0x0;
	s5 =	sld [smem:$0x3FB0]  }
0x2b: {  	s6 =	sld [smem:$0x3FB1]  }
0x2c: {  	s7 =	sld [smem:$0x3FB2]  }
0x2d: {  	s3 =	simm.s32 $0x108;
	s8 =	sld [smem:$0x3FB3]  }
0x2e: {  	s3 =	simm.s32 @!p0 $0x1082;
	s9 =	sld [smem:$0x3FB4]  }
0x2f: {  	lr =	sadd.s32 s0, s3;
	s0 =	sld [smem:$0x3FAB]  }
0x30: {  	s3 =	sld [smem:$0x3FAE]  }
0x31: {  	[smem:$0x3FB7] =	sst s10  }
0x32: {  	s10 =	sld [smem:$0x3FB5];
	_ =	sdelay $0x3  }
0x33: {  	p0 =	seq.s32 s10, $0x1;
	s10 =	sld [smem:$0x3FB7];
	_ =	sdelay $0x3  }
0x34: {  	[smem:$0x3FB7] =	sst s10  }
0x35: {  	s10 =	sld [smem:$0x3FB6];
	_ =	sdelay $0x3  }
0x36: {  	p1 =	seq.s32 s10, $0x1;
	s10 =	sld [smem:$0x3FB7];
	_ =	sdelay $0x3  }
0x37: {  	[smem:$0x3FB7] =	sst s10  }
0x38: {  	s10 =	sld [smem:$0x3FB8]  }
0x39: {  	_ = 	snop;
	(pc) =	sbr.ind lr, $3  }
0x3a: {  	_ = 	snop  }
0x3b: {  	_ = 	snop  }
0x3c: {  	p2 =	seq.s32 s10, $0x1;
	s10 =	sld [smem:$0x3FB7]  }
0x3d: {  	_ =	shalt  }
0x3e: {  	_ =	shalt  }
0x3f: {  	_ =	shalt  }
0x40: {  	_ =	shalt  }
0x41: {  	_ =	shalt  }
0x42: {  	_ =	shalt  }
0x43: {  	_ =	shalt  }
0x44: {  	_ =	shalt  }
0x45: {  	_ =	shalt  }
0x46: {  	_ =	shalt  }
0x47: {  	_ =	shalt  }
0x48: {  	_ =	shalt  }
0x49: {  	_ =	shalt  }
0x4a: {  	_ =	shalt  }
0x4b: {  	_ =	shalt  }
0x4c: {  	_ =	shalt  }
0x4d: {  	_ =	shalt  }
0x4e: {  	_ =	shalt  }
0x4f: {  	_ =	shalt  }
0x50: {  	_ =	shalt  }
0x51: {  	_ =	shalt  }
0x52: {  	_ =	shalt  }
0x53: {  	_ =	shalt  }
0x54: {  	_ =	shalt  }
0x55: {  	_ =	shalt  }
0x56: {  	_ =	shalt  }
0x57: {  	_ =	shalt  }
0x58: {  	_ =	shalt  }
0x59: {  	_ =	shalt  }
0x5a: {  	_ =	shalt  }
0x5b: {  	_ =	shalt  }
0x5c: {  	_ =	shalt  }
0x5d: {  	_ =	shalt  }
0x5e: {  	_ =	shalt  }
0x5f: {  	_ =	shalt  }
0x60: {  	_ =	shalt  }
0x61: {  	_ =	shalt  }
0x62: {  	_ =	shalt  }
0x63: {  	_ =	shalt  }
0x64: {  	_ =	shalt  }
0x65: {  	_ =	shalt  }
0x66: {  	_ =	shalt  }
0x67: {  	_ =	shalt  }
0x68: {  	_ =	shalt  }
0x69: {  	_ =	shalt  }
0x6a: {  	_ =	shalt  }
0x6b: {  	_ =	shalt  }
0x6c: {  	_ =	shalt  }
0x6d: {  	_ =	shalt  }
0x6e: {  	_ =	shalt  }
0x6f: {  	_ =	shalt  }
0x70: {  	_ =	shalt  }
0x71: {  	_ =	shalt  }
0x72: {  	_ =	shalt  }
0x73: {  	_ =	shalt  }
0x74: {  	_ =	shalt  }
0x75: {  	_ =	shalt  }
0x76: {  	_ =	shalt  }
0x77: {  	_ =	shalt  }
0x78: {  	_ =	shalt  }
0x79: {  	_ =	shalt  }
0x7a: {  	_ =	shalt  }
0x7b: {  	_ =	shalt  }
0x7c: {  	_ =	shalt  }
0x7d: {  	_ =	shalt  }
0x7e: {  	_ =	shalt  }
0x7f: {  	_ =	shalt  }
0x80: {  	_ =	shalt  }
0x81: {  	_ =	shalt  }
0x82: {  	_ =	shalt  }
0x83: {  	_ =	shalt  }
0x84: {  	_ =	shalt  }
0x85: {  	_ =	shalt  }
0x86: {  	_ =	shalt  }
0x87: {  	_ =	shalt  }
.Lfunc_end0:
.L_simem_size_0:
called_computation_lowered:
.L_overlay_start_0:
0x88: {  	s2 =	sld [smem:$0x3FD9]  }
0x89: {  	s3 =	sld [smem:$0x3FFE];
	_ =	sdelay $0x1  }
0x8a: {  	s1 =	srdreg.scid  }
0x8b: {  	s0 =	sand.u32 $0x1, s1  }
0x8c: {  	s17 =	sshll.u32 s0, $0xA;
	s2 =	sadd.s32 s3, s2  }
0x8d: {  	s2 =	sadd.s32 s2, s17  }
0x8e: {  	[smem:$0x3FC3] =	sst s2  }
0x8f: {  	_ = 	snop  }
0x90: {  	s2 =	sld [smem:$0x3FD0];
	(tm) =	ssettm $0x1  }
0x91: {  	s18 =	sld [smem:$0x3FFB];
	_ =	sdelay $0x3  }
0x92: {  	_ =	strace s18  }
0x93: {  	s3 =	sld [smem:$0x3FFC];
	_ =	sdelay $0x3  }
0x94: {  	_ =	strace s3  }
0x95: {  	s3 =	sld [smem:$0x3FFD];
	_ =	sdelay $0x3  }
0x96: {  	_ =	strace s3  }
0x97: {  	_ =	strace $0x8FFFFFFF  }
0x98: {  	s19 =	sld [smem:$0x3FDB];
	_ =	sdelay $0x1  }
0x99: {  	s4 =	simm.s32 $_scs_section_size  }
0x9a: {  	s5 =	simm.s32 $_size__tile_overlayer_lowered;
	s6 =	simm.s32 $_tile_overlayer_lowered  }
0x9b: {  	s22 =	simm.s32 $0x1BFF;
	s21 =	sshll.u32 s6, $0x1;
	s3 =	sadd.s32 s4, s19  }
0x9c: {  	s7 =	simm.s32 $0x0;
	s20 =	sshll.u32 s5, $0x1;
	s5 =	sadd.s32 s21, s3  }
0x9d: {  	[timem:s7], [sflag:s22] =	dma.local [hbm:s5], s20  }
0x9e: {  	_ =	swait.ge [sflag:s22], s20  }
0x9f: {  	s4 =	ssub.s32 $0x0, s20;
	[sflag:s22] =	ssyncset.done $0x0  }
0xa0: {  	[sflag:s22] =	ssyncadd.s32 s4;
	_ =	sdelay $0x1  }
0xa1: {  	s23 =	simm.s32 $0x1B8B  }
0xa2: {  	_ =	swait.ge [sflag:s23], $0x1  }
0xa3: {  	[sflag:s23] =	ssyncset.done $0x0  }
0xa4: {  	s25 =	simm.s32 $0x1B8E;
	s24 =	sld [smem:$0x3FFE];
	[sflag:s23] =	ssyncadd.s32 $0xFFFFFFFF  }
0xa5: {  	s26 =	simm.s32 $execute0_lowered;
	[smem:$0x3FD2] =	sst s25  }
0xa6: {  	s5 =	sshll.u32 s26, $0x1;
	_ =	strace $0x80000046;
	[dreg:$0x1] =	wrdreg $0xFFFFFFFF  }
0xa7: {  	s28 =	simm.s32 $_size_execute0_lowered;
	s3 =	sadd.s32 s3, s5;
	[dreg:$0x0] =	wrdreg $0x0  }
0xa8: {  	s5 =	sshll.u32 s28, $0x1;
	[dreg:$0x2] =	wrdreg s3  }
0xa9: {  	[dreg:$0x3] =	wrdreg s5  }
0xaa: {  	[dreg:$0x4] =	wrdreg $0xC0  }
0xab: {  	_ =	task [dreg:s7], $0x5FFFF  }
0xac: {  	[dreg:$0x1] =	wrdreg $0xFFFFFFFF  }
0xad: {  	[dreg:$0x0] =	wrdreg $0x60  }
0xae: {  	[dreg:$0x2] =	wrdreg s24  }
0xaf: {  	[dreg:$0x3] =	wrdreg s2  }
0xb0: {  	[dreg:$0x4] =	wrdreg $0x11C800  }
0xb1: {  	[dreg:$0x5] =	wrdreg $0x1B9000  }
0xb2: {  	[dreg:$0x6] =	wrdreg $0x9  }
0xb3: {  	_ =	task.clear_ibuf [dreg:s7], $0x7FFFF;
	_ =	strace $0x90000046  }
0xb4: {  	s29 =	simm.s32 $0x9;
	_ =	strace $0x80000048  }
0xb5: {  	_ =	swait.ge [sflag:s29], $0x1  }
0xb6: {  	[sflag:s29] =	ssyncadd.s32 $0xFFFFFFFF  }
0xb7: {  	_ =	strace $0x90000048  }
0xb8: {  	_ =	sfence  }
0xb9: {  	s30 =	sld [smem:$0x0];
	_ =	sdelay $0x2  }
0xba: {  	s31 =	sshll.u32 s1, $0xD;
	s1 =	sshrl.u32 s1, $0x2  }
0xbb: {  	s3 =	sand.u32 $0x4000, s31;
	s1 =	sadd.s32 s1, s30  }
0xbc: {  	s0 =	sor.u32 s3, s0;
	s1 =	sshll.u32 s1, $0x11  }
0xbd: {  	s0 =	sor.u32 s1, s0  }
0xbe: {  	s0 =	sadd.s32 $0x8F2B, s0  }
0xbf: {  	[sflag:s0] =	ssyncadd.remote.s32 $0x1  }
0xc0: {  	_ =	sfence.sel $0xFFFF  }
0xc1: {  	[dreg:$0x0] =	wrdreg $0xFFFFFFFF;
	(pc) =	sbr.abs _section_cstart, $3  }
0xc2: {  	[dreg:$0x1] =	wrdreg $0xFFFFFFFF  }
0xc3: {  	_ =	task.clear_ibuf [dreg:s7], $0x2FFFF;
	_ =	strace $0x9FFFFFFF  }
0xc4: {  	(tm) =	ssettm $0x7FFFFFFF  }
0xc5: {  	_ =	shalt  }
tec
execute0_lowered:
.L_overlay_start_1:
0x0: {  	(tag) =	ssettag $0x1  }
0x1: {  	s0 =	rddreg [dreg:$0x0]  }
0x2: {  	s2 =	rddreg [dreg:$0x1]  }
0x3: {  	s1 =	rddreg [dreg:$0x2];
	s3 =	srdreg.scid  }
0x4: {  	s13 =	rddreg [dreg:$0x3];
	s15 =	stileid.u32;
	s28 =	simm.s32 $0xB200  }
0x5: {  	s29 =	simm.s32 $0x1;
	s30 =	simm.s32 $0x8A80;
	s10 =	smul.u32 $0x27200, s15  }
0x6: {  	s31 =	simm.s32 $0xF280;
	s4 =	sand.u32 $0x1, s3;
	s12 =	smul.u32 $0x4E2, s15  }
0x7: {  	s3 =	simm.s32 $0x0;
	s7 =	sadd.s32 $0x58400, s0;
	s19 =	smul.u32 $0x270, s15  }
0x8: {  	s22 =	smul.u32 $0x4E000, s15;
	s23 =	sadd.s32 $0x9C000, s1;
	p0 =	sgt.u32 s15, $0x7  }
0x9: {  	p2 =	sne.s32 s15, $0x0;
	s5 =	smul.u32 $0x1388, s4;
	[smem:$0x7FF] =	sst s3  }
0xa: {  	s9 =	ssub.s32 $0x2, s4;
	s16 =	smul.u32 $0x138800, s4;
	p1 =	sne.s32 @p0 s15, $0x8  }
0xb: {  	_ =	strace $0x80000047;
	[dreg:$0x5] =	wrdreg s7;
	s7 =	sadd.s32 $0x31200, s0  }
0xc: {  	s11 =	sshrl.u32 s9, $0x1;
	s14 =	sadd.s32 s0, s12;
	[dreg:$0xd] =	wrdreg s23  }
0xd: {  	s23 =	simm.s32 $0x2780;
	s6 =	sshrl.u32 s5, $0x3;
	s9 =	ssub.s32 s9, s11  }
0xe: {  	s11 =	sshrl.u32 s10, $0x2;
	[dreg:$0x7] =	wrdreg s14;
	s17 =	sadd.s32 $0x5000, s14  }
0xf: {  	s21 =	sadd.s32 $0x1388, s5;
	s4 =	sadd.s32 s19, s5;
	s8 =	sadd.s32 s6, s0  }
0x10: {  	s6 =	sadd.s32 $0xA000, s0;
	[dreg:$0x9] =	wrdreg s17;
	s0 =	sshrl.u32 s16, $0x3  }
0x11: {  	s4 =	sshll.u32 s4, $0x5;
	s26 =	smax.u32 s9, $0x1;
	s8 =	sadd.s32 $0x58A00, s8  }
0x12: {  	s0 =	sadd.s32 s2, s0;
	s2 =	sadd.s32 s2, s4;
	[dreg:$0x13] =	wrdreg s26  }
0x13: {  	s26 =	simm.s32 $0xCA00;
	s4 =	simm.s32 $0x2;
	[dreg:$0x6] =	wrdreg s8  }
0x14: {  	s8 =	sadd.s32 s11, s1;
	s24 =	sadd.s32 $0x27000, s0;
	[dreg:$0xf] =	wrdreg s2  }
0x15: {  	s11 =	sshrl.u32 s22, $0x2;
	s2 =	sadd.s32 $0x80, s2;
	[dreg:$0x8] =	wrdreg s8  }
0x16: {  	s0 =	sadd.s32 $0x27080, s0;
	s22 =	simm.s32 $0x3;
	[dreg:$0xe] =	wrdreg s24  }
0x17: {  	s18 =	sadd.s32 $0x2800, s8;
	s20 =	sadd.s32 $0x5000, s8;
	[dreg:$0x11] =	wrdreg s2  }
0x18: {  	s8 =	sadd.s32 $0x7800, s8;
	s25 =	sadd.s32 s11, s1;
	[dreg:$0x12] =	wrdreg s0  }
0x19: {  	v1 =	vlaneseq.u32;
	s0 =	simm.s32 @!p2 $0x0;
	s24 =	simm.s32 $0x11B00;
	[dreg:$0xa] =	wrdreg s18  }
0x1a: {  	v3 =	vimm.f32 $0.0e+00;
	vm3 =	vcmask $0x704;
	vm1 =	vcmask $0xB08;
	[dreg:$0xb] =	wrdreg s20;
	s0 =	simm.s32 @p2 $0x1;
	p2 =	por p1, !p0  }
.Ltmp0:
0x1b: {  	vm11 =	vcmask $0x1310;
	vm4 =	vcmask $0x1714;
	vm15 =	vcmask $0x1F1C;
	[smem:$0x7FB] =	sst s0;
	s0 =	simm.s32 @!p2 $0x0;
	(pc) =	sbr.rel .LBB2_1-.Ltmp0, $4  }
0x1c: {  	vm8 =	vcmask $0x2320;
	vm10 =	vcmask $0x2B28;
	vm2 =	vcmask $0x2F2C;
	[dreg:$0xc] =	wrdreg s8;
	p1 =	por !p1, !p0;
	s0 =	simm.s32 @p2 $0x1  }
0x1d: {  	vm14 =	vcmask $0x3330;
	vm7 =	vcmask $0x3734;
	vm5 =	vcmask $0x3B38;
	s11 =	simm.s32 $0x0;
	[smem:$0x7FC] =	sst s0;
	s0 =	simm.s32 @!p1 $0x0  }
0x1e: {  	v6 =	vimm.s32 $0x0;
	v7 =	vimm.s32 $0x1388;
	v4 =	vor.u32 $0x10, v1;
	[dreg:$0x10] =	wrdreg s25;
	s25 =	simm.s32 $0xF300;
	s0 =	simm.s32 @p1 $0x1  }
0x1f: {  	v5 =	vor.u32 $0x20, v1;
	v0 =	vmov s5;
	v2 =	vmov s21;
	s8 =	simm.s32 $0x11B80;
	[smem:$0x7FD] =	sst s0;
	s0 =	simm.s32 $0x50  }
.LBB2_37:
0x20: {  	[tilespmem:s2+$0x30] =	vst v16  }
0x21: {  	[tilespmem:s2+$0xFFFFFFC0] =	vst v14  }
0x22: {  	v8 =	vmul.f32 v8, v9;
	[tilespmem:s2+$0x10] =	vst v15  }
0x23: {  	v12 =	vmul.f32 v12, v9;
	[tilespmem:s2+$0xFFFFFFE0] =	vst v13  }
0x24: {  	v10 =	vmul.f32 v10, v9;
	[tilespmem:s2+$0xFFFFFFF0] =	vst v8  }
0x25: {  	v8 =	vmul.f32 v11, v9;
	[tilespmem:s2+$0x0] =	vst v12  }
0x26: {  	[tilespmem:s2+$0x20] =	vst v10  }
0x27: {  	[tilespmem:s2+$0xFFFFFFD0] =	vst v8  }
0x28: {  	[spmem:s1] =	stream.indirect.scatter.add.f32 [tilespmem:s26], [sflag:$0x3], $0x80, s31, s0, $0xb8;
	[tilespmem:$0x1BA80] =	vst v63  }
0x29: {  	_ =	swait.ge [sflag:s22], $0x2800  }
0x2a: {  	[sflag:s22] =	ssyncset.done $0x0  }
0x2b: {  	[sflag:s22] =	ssyncadd.s32 $0xFFFFD800  }
.LBB2_38:
0x2c: {  	[bflag:$0x0] =	sbarrier.arrive $0xFFFF;
	s2 =	simm.s32 @!p0 $0x8  }
0x2d: {  	s5 =	simm.s32 @!p0 $0x100;
	s9 =	simm.s32 @!p0 $0x80;
	s12 =	rddreg [dreg:$0x11]  }
0x2e: {  	[hbm:s12@s5], [sflag:s20] =	dma.strided @!p0 [spmem:s21@s9], $0x2700, s2, $0x10   }
0x2f: {  	s2 =	simm.s32 @!p0 $0x3  }
0x30: {  	_ =	swait.ge @!p0 [sflag:s2], $0x2700  }
0x31: {  	s5 =	sshll.u32 @p6 s15, $0x6;
	[sflag:s2] =	ssyncset.done @!p0 $0x0  }
0x32: {  	[sflag:s2] =	ssyncadd.s32 @!p0 $0xFFFFD900;
	s2 =	sor.u32 @p6 $0x1C03, s5;
	s5 =	rddreg [dreg:$0xd]  }
0x33: {  	s9 =	rddreg [dreg:$0x12];
	s5 =	sshrl.u32 @p6 s5, $0x3  }
0x34: {  	[hbm:s9], [sflag:s2] =	dma.local @p6 [spmem:s5], $0x80  }
0x35: {  	s2 =	simm.s32 @p6 $0x3  }
0x36: {  	_ =	swait.ge @p6 [sflag:s2], $0x80  }
0x37: {  	s11 =	sadd.s32 $0x1, s11;
	s21 =	rddreg [dreg:$0x13]  }
0x38: {  	p1 =	sne.s32 s11, s21  }
.Ltmp1:
0x39: {  	_ = 	snop;
	(pc) =	sbr.rel @!p1 .LBB2_39-.Ltmp1, $3  }
0x3a: {  	_ =	sdelay $0x1  }
0x3b: {  	[sflag:s2] =	ssyncset.done @p6 $0x0  }
0x3c: {  	s13 =	smov.u32 s10;
	[sflag:s2] =	ssyncadd.s32 @p6 $0xFFFFFF80  }
.LBB2_1:
0x3d: {  	s2 =	rddreg [dreg:$0x5]  }
0x3e: {  	[tilespmem:s3], [sflag:$0x3] =	stream.linear.gather [hbm4b:s2+s3], $0x2780, $0x38;
	[tilespmem:$0x1BA80] =	vst v63  }
0x3f: {  	_ =	swait.ge [sflag:s22], $0x2780  }
0x40: {  	[sflag:s22] =	ssyncset.done $0x0  }
0x41: {  	s18 =	rddreg [dreg:$0x6];
	[sflag:s22] =	ssyncadd.s32 $0xFFFFD880  }
0x42: {  	[tilespmem:s23], [sflag:$0x3] =	stream.linear.gather [hbm4b:s18+s3], $0x1388, $0x38;
	[tilespmem:$0x1BA80] =	vst v63  }
0x43: {  	_ =	swait.ge [sflag:s22], $0x1388  }
0x44: {  	[sflag:s22] =	ssyncset.done $0x0  }
0x45: {  	s5 =	simm.s32 $0x3B80;
	s19 =	rddreg [dreg:$0x9];
	[sflag:s22] =	ssyncadd.s32 $0xFFFFEC78  }
0x46: {  	[tilespmem:s5], [sflag:$0x3] =	stream.linear.gather [hbm4b:s19+s3], $0x2710, $0x38;
	[tilespmem:$0x1BA80] =	vst v63  }
0x47: {  	_ =	swait.ge [sflag:s22], $0x2710  }
0x48: {  	[sflag:s22] =	ssyncset.done $0x0  }
0x49: {  	s21 =	simm.s32 $0x6300;
	s20 =	rddreg [dreg:$0x7];
	[sflag:s22] =	ssyncadd.s32 $0xFFFFD8F0  }
0x4a: {  	[tilespmem:s21], [sflag:$0x3] =	stream.linear.gather [hbm4b:s20+s3], $0x2710, $0x38;
	[tilespmem:$0x1BA80] =	vst v63  }
0x4b: {  	_ =	swait.ge [sflag:s22], $0x2710  }
0x4c: {  	[sflag:s22] =	ssyncset.done $0x0  }
0x4d: {  	vm13 =	vmmov vm7;
	s2 =	simm.s32 $0x0;
	s5 =	simm.s32 $0x200;
	[sflag:s22] =	ssyncadd.s32 $0xFFFFD8F0  }
.LBB2_2:
0x4e: {  	p3 =	sne.s32 s5, $0x9E00;
	[tilespmem:s2+$0xCA70] =	vst v3  }
0x4f: {  	[tilespmem:s2+$0xCA00] =	vst v3  }
0x50: {  	[tilespmem:s2+$0xCA10] =	vst v3  }
.Ltmp2:
0x51: {  	[tilespmem:s2+$0xCA20] =	vst v3;
	(pc) =	sbr.rel @p3 .LBB2_2-.Ltmp2, $4  }
0x52: {  	[tilespmem:s2+$0xCA30] =	vst v3  }
0x53: {  	[tilespmem:s2+$0xCA40] =	vst v3  }
0x54: {  	[tilespmem:s2+$0xCA50] =	vst v3  }
0x55: {  	[tilespmem:s2+$0xCA60] =	vst v3;
	s2 =	sshra.s32 s5, $0x2;
	s5 =	sadd.s32 $0x200, s5  }
0x56: {  	[tilespmem:s2+$0xCA70] =	vst v3  }
0x57: {  	[tilespmem:s2+$0xCA00] =	vst v3  }
0x58: {  	[tilespmem:s2+$0xCA10] =	vst v3  }
0x59: {  	[tilespmem:s2+$0xCA20] =	vst v3  }
0x5a: {  	[tilespmem:s2+$0xCA30] =	vst v3  }
0x5b: {  	[tilespmem:s2+$0xCA40] =	vst v3  }
0x5c: {  	[tilespmem:s2+$0xCA50] =	vst v3  }
0x5d: {  	[tilespmem:s2+$0xCA60] =	vst v3;
	s18 =	rddreg [dreg:$0x8]  }
0x5e: {  	[spmem:s18] =	stream.linear.scatter [tilespmem:s26], [sflag:$0x3], $0x2800, $0x38;
	[tilespmem:$0x1BA80] =	vst v63  }
0x5f: {  	_ =	swait.ge [sflag:s22], $0x2800  }
0x60: {  	[sflag:s22] =	ssyncset.done $0x0  }
0x61: {  	s19 =	rddreg [dreg:$0xa];
	[sflag:s22] =	ssyncadd.s32 $0xFFFFD800  }
0x62: {  	[spmem:s19] =	stream.linear.scatter [tilespmem:s26], [sflag:$0x3], $0x2800, $0x38;
	[tilespmem:$0x1BA80] =	vst v63  }
0x63: {  	_ =	swait.ge [sflag:s22], $0x2800  }
0x64: {  	[sflag:s22] =	ssyncset.done $0x0  }
0x65: {  	s20 =	rddreg [dreg:$0xb];
	[sflag:s22] =	ssyncadd.s32 $0xFFFFD800  }
0x66: {  	[spmem:s20] =	stream.linear.scatter [tilespmem:s26], [sflag:$0x3], $0x2800, $0x38;
	[tilespmem:$0x1BA80] =	vst v63  }
0x67: {  	_ =	swait.ge [sflag:s22], $0x2800  }
0x68: {  	[sflag:s22] =	ssyncset.done $0x0  }
0x69: {  	s21 =	rddreg [dreg:$0xc];
	[sflag:s22] =	ssyncadd.s32 $0xFFFFD800  }
0x6a: {  	[spmem:s21] =	stream.linear.scatter [tilespmem:s26], [sflag:$0x3], $0x2480, $0x38;
	[tilespmem:$0x1BA80] =	vst v63  }
0x6b: {  	_ =	swait.ge [sflag:s22], $0x2480  }
0x6c: {  	[sflag:s22] =	ssyncset.done $0x0  }
0x6d: {  	vm7 =	vmmov vm15;
	s2 =	simm.s32 $0x0;
	s5 =	simm.s32 $0x200;
	[sflag:s22] =	ssyncadd.s32 $0xFFFFDB80  }
.LBB2_4:
0x6e: {  	p3 =	sne.s32 s5, $0x5E00;
	[tilespmem:s2+$0xB270] =	vst v3  }
0x6f: {  	[tilespmem:s2+$0xB200] =	vst v3  }
0x70: {  	[tilespmem:s2+$0xB210] =	vst v3  }
.Ltmp3:
0x71: {  	[tilespmem:s2+$0xB220] =	vst v3;
	(pc) =	sbr.rel @p3 .LBB2_4-.Ltmp3, $4  }
0x72: {  	[tilespmem:s2+$0xB230] =	vst v3  }
0x73: {  	[tilespmem:s2+$0xB240] =	vst v3  }
0x74: {  	[tilespmem:s2+$0xB250] =	vst v3  }
0x75: {  	[tilespmem:s2+$0xB260] =	vst v3;
	s2 =	sshra.s32 s5, $0x2;
	s5 =	sadd.s32 $0x200, s5  }
0x76: {  	[tilespmem:s2+$0xB270] =	vst v3  }
0x77: {  	[tilespmem:s2+$0xB200] =	vst v3  }
0x78: {  	[tilespmem:s2+$0xB210] =	vst v3  }
0x79: {  	[tilespmem:s2+$0xB220] =	vst v3  }
0x7a: {  	[tilespmem:s2+$0xB230] =	vst v3  }
0x7b: {  	[tilespmem:s2+$0xB240] =	vst v3  }
0x7c: {  	[tilespmem:s2+$0xB250] =	vst v3;
	s20 =	sld [smem:$0x7FB]  }
0x7d: {  	[tilespmem:s2+$0xB260] =	vst v3  }
0x7e: {  	[tilespmem:$0x11C00] =	vst v1  }
0x7f: {  	[tilespmem:$0x11C10] =	vst v4;
	p1 =	seq.s32 s20, $0x1  }
0x80: {  	[tilespmem:$0x11C20] =	vst v5;
	s2 =	simm.s32 @!p1 $0xB200  }
0x81: {  	[spmem:s13] =	stream.linear.scatter @!p1 [tilespmem:s2], [sflag:$0x3], $0x1800, $0x38;
	[tilespmem:$0x1BA80] =	vst v63  }
0x82: {  	s2 =	simm.s32 @!p1 $0x3  }
0x83: {  	_ =	swait.ge @!p1 [sflag:s2], $0x1800  }
0x84: {  	[sflag:s2] =	ssyncset.done @!p1 $0x0  }
0x85: {  	[sflag:s2] =	ssyncadd.s32 @!p1 $0xFFFFE800  }
0x86: {  	s21 =	simm.s32 $0x0;
	[bflag:$0x0] =	sbarrier.arrive $0xFFFF  }
0x87: {  	v8 =	vld [tilespmem:s21+$0x6300];
	_ =	sdelay $0x2  }
0x88: {  	v10 =	vld [tilespmem:s21+$0x3B80];
	_ =	sdelay $0x1  }
0x89: {  	vm0 =	vge.s32 v8, v0;
	vm15 =	vlt.s32 v8, v2  }
0x8a: {  	v8 =	vsub.s32 v8, v0;
	vm15 =	vmand vm0, vm15  }
0x8b: {  	v9 =	vnsel vm15, $0x0, v8;
	_ =	sdelay $0x3  }
0x8c: {  	v11 =	vld.idx.msk [tilespmem:v10+s3+$0x0], $0xffff  }
0x8d: {  	v9 =	vld.idx.msk [tilespmem:v9+s23+$0x0], $0xffff;
	_ =	sdelay $0x4  }
0x8e: {  	v9 =	vadd.f32 v9, v11;
	_ =	sdelay $0x1  }
0x8f: {  	v11 =	vmul.f32 $9.999999770e-03, v9;
	_ =	sdelay $0x1  }
0x90: {  	v9 =	vmax.f32 v9, v11  }
0x91: {  	v9 =	vmul.f32 $1.442695020e+00, v9;
	_ =	sdelay $0x1  }
0x92: {  	(erf) = vpow2.f32 v9;
	_ =	sdelay $0x5  }
0x93: {  	v8 =	vnsel vm15, $0x1388, v8;
	v9 =	vsel vm15, $0x1, v6  }
0x94: {  	(xrf0) =	vadd.scan.msk.s32 $0xffff, v9  }
0x95: {  	vm6 =	vcmask $0xF0C  }
0x96: {  	v9 =	vpop (erf)  }
0x97: {  	v9 =	vnsel vm15, $0x0, v9  }
0x98: {  	vm0 =	vcmask $0x1B18;
	[tilespmem:v8+s28+$0x0] =	vst.idx.add.f32.msk $0x1, v9  }
0x99: {  	[tilespmem:v8+s28+$0x0] =	vst.idx.add.f32.msk vm3, v9  }
0x9a: {  	v11, _, _ =	vpop (xrf0);
	[tilespmem:v8+s28+$0x0] =	vst.idx.add.f32.msk vm1, v9  }
0x9b: {  	vm9 =	vcmask $0x2724;
	(v2sf) =	vpush v11, $0xF;
	[tilespmem:v8+s28+$0x0] =	vst.idx.add.f32.msk vm6, v9  }
0x9c: {  	[tilespmem:v8+s28+$0x0] =	vst.idx.add.f32.msk vm11, v9  }
0x9d: {  	[tilespmem:v8+s28+$0x0] =	vst.idx.add.f32.msk vm4, v9  }
0x9e: {  	[tilespmem:v8+s28+$0x0] =	vst.idx.add.f32.msk vm0, v9  }
0x9f: {  	[tilespmem:v8+s28+$0x0] =	vst.idx.add.f32.msk vm7, v9  }
0xa0: {  	[tilespmem:v8+s28+$0x0] =	vst.idx.add.f32.msk vm8, v9  }
0xa1: {  	[tilespmem:v8+s28+$0x0] =	vst.idx.add.f32.msk vm9, v9  }
0xa2: {  	[tilespmem:v8+s28+$0x0] =	vst.idx.add.f32.msk vm10, v9  }
0xa3: {  	vm12 =	vmmov vm3;
	vm3 =	vmmov vm4;
	vm4 =	vmmov vm11;
	[tilespmem:v8+s28+$0x0] =	vst.idx.add.f32.msk vm2, v9  }
0xa4: {  	vm11 =	vmmov vm2;
	vm2 =	vmmov vm14;
	[tilespmem:v8+s28+$0x0] =	vst.idx.add.f32.msk vm14, v9;
	vm14 =	vcmask $0x3F3C;
	_ =	sdelay $0x3  }
0xa5: {  	[tilespmem:v8+s28+$0x0] =	vst.idx.add.f32.msk vm13, v9  }
0xa6: {  	[tilespmem:v8+s28+$0x0] =	vst.idx.add.f32.msk vm5, v9  }
0xa7: {  	s2 =	simm.s32 $0x0;
	s5 =	spop (v2sf);
	[tilespmem:v8+s28+$0x0] =	vst.idx.add.f32.msk vm14, v9  }
0xa8: {  	s9 =	simm.s32 $0x40;
	s16 =	simm.s32 $0x80;
	vm9 =	vmmov vm12;
	vm12 =	vmmov vm0;
	s5 =	sadd.s32 $0x0, s5;
	[tilespmem:s2+$0x3B80] =	vst.msk vm15, v10  }
.LBB2_6:
0xa9: {  	p3 =	sne.s32 s16, $0x9C00  }
0xaa: {  	s12 =	sshra.s32 s9, $0x2;
	[tilespmem:s2+$0x6300] =	vst.msk vm15, v8;
	s9 =	smov.u32 s16;
	s16 =	sadd.s32 $0x40, s16  }
0xab: {  	[tilespmem:s2+$0x8A80] =	vst.msk vm15, v9;
	s2 =	smov.u32 s5  }
0xac: {  	v8 =	vld [tilespmem:s12+$0x6300];
	_ =	sdelay $0x2  }
0xad: {  	v10 =	vld [tilespmem:s12+$0x3B80];
	_ =	sdelay $0x1  }
0xae: {  	vm15 =	vge.s32 v8, v0;
	vm0 =	vlt.s32 v8, v2;
	v8 =	vsub.s32 v8, v0  }
0xaf: {  	vm15 =	vmand vm15, vm0  }
0xb0: {  	v9 =	vnsel vm15, $0x0, v8;
	v11 =	vsel vm15, $0x1, v6  }
0xb1: {  	(xrf0) =	vadd.scan.msk.s32 $0xffff, v11;
	_ =	sdelay $0x2  }
0xb2: {  	v11 =	vld.idx.msk [tilespmem:v10+s3+$0x0], $0xffff  }
0xb3: {  	v9 =	vld.idx.msk [tilespmem:v9+s23+$0x0], $0xffff;
	_ =	sdelay $0x1  }
0xb4: {  	v12, _, _ =	vpop (xrf0)  }
0xb5: {  	(v2sf) =	vpush v12, $0xF;
	_ =	sdelay $0x2  }
0xb6: {  	v9 =	vadd.f32 v9, v11;
	_ =	sdelay $0x1  }
0xb7: {  	v11 =	vmul.f32 $9.999999770e-03, v9;
	_ =	sdelay $0x1  }
0xb8: {  	v9 =	vmax.f32 v9, v11  }
0xb9: {  	v9 =	vmul.f32 $1.442695020e+00, v9;
	_ =	sdelay $0x1  }
0xba: {  	(erf) = vpow2.f32 v9;
	_ =	sdelay $0x4  }
0xbb: {  	v8 =	vnsel vm15, $0x1388, v8;
	s12 =	spop (v2sf)  }
0xbc: {  	s5 =	sadd.s32 s5, s12;
	_ =	sdelay $0x2  }
0xbd: {  	v9 =	vpop (erf)  }
0xbe: {  	v9 =	vnsel vm15, $0x0, v9  }
0xbf: {  	[tilespmem:v8+s28+$0x0] =	vst.idx.add.f32.msk $0x1, v9  }
0xc0: {  	[tilespmem:v8+s28+$0x0] =	vst.idx.add.f32.msk vm9, v9  }
0xc1: {  	[tilespmem:v8+s28+$0x0] =	vst.idx.add.f32.msk vm1, v9  }
0xc2: {  	vm0 =	vcmask $0x2724;
	[tilespmem:v8+s28+$0x0] =	vst.idx.add.f32.msk vm6, v9  }
0xc3: {  	[tilespmem:v8+s28+$0x0] =	vst.idx.add.f32.msk vm4, v9  }
0xc4: {  	[tilespmem:v8+s28+$0x0] =	vst.idx.add.f32.msk vm3, v9  }
0xc5: {  	[tilespmem:v8+s28+$0x0] =	vst.idx.add.f32.msk vm12, v9  }
0xc6: {  	[tilespmem:v8+s28+$0x0] =	vst.idx.add.f32.msk vm7, v9  }
0xc7: {  	[tilespmem:v8+s28+$0x0] =	vst.idx.add.f32.msk vm8, v9  }
0xc8: {  	[tilespmem:v8+s28+$0x0] =	vst.idx.add.f32.msk vm0, v9  }
0xc9: {  	[tilespmem:v8+s28+$0x0] =	vst.idx.add.f32.msk vm10, v9  }
0xca: {  	[tilespmem:v8+s28+$0x0] =	vst.idx.add.f32.msk vm11, v9  }
.Ltmp4:
0xcb: {  	[tilespmem:v8+s28+$0x0] =	vst.idx.add.f32.msk vm2, v9;
	(pc) =	sbr.rel @p3 .LBB2_6-.Ltmp4, $4  }
0xcc: {  	[tilespmem:v8+s28+$0x0] =	vst.idx.add.f32.msk vm13, v9  }
0xcd: {  	[tilespmem:v8+s28+$0x0] =	vst.idx.add.f32.msk vm5, v9  }
0xce: {  	[tilespmem:v8+s28+$0x0] =	vst.idx.add.f32.msk vm14, v9  }
0xcf: {  	[tilespmem:s2+$0x3B80] =	vst.msk vm15, v10  }
0xd0: {  	[tilespmem:s2+$0x6300] =	vst.msk vm15, v8  }
0xd1: {  	s9 =	sshra.s32 s9, $0x2;
	[tilespmem:s2+$0x8A80] =	vst.msk vm15, v9  }
0xd2: {  	v8 =	vld [tilespmem:s9+$0x6300];
	_ =	sdelay $0x2  }
0xd3: {  	v9 =	vld [tilespmem:s9+$0x3B80];
	_ =	sdelay $0x1  }
0xd4: {  	vm0 =	vge.s32 v8, v0;
	vm15 =	vlt.s32 v8, v2  }
0xd5: {  	v8 =	vsub.s32 v8, v0;
	vm15 =	vmand vm0, vm15  }
0xd6: {  	v10 =	vnsel vm15, $0x0, v8;
	_ =	sdelay $0x3  }
0xd7: {  	v11 =	vld.idx.msk [tilespmem:v9+s3+$0x0], $0xffff  }
0xd8: {  	v10 =	vld.idx.msk [tilespmem:v10+s23+$0x0], $0xffff;
	_ =	sdelay $0x4  }
0xd9: {  	v10 =	vadd.f32 v10, v11;
	_ =	sdelay $0x1  }
0xda: {  	v11 =	vmul.f32 $9.999999770e-03, v10;
	_ =	sdelay $0x1  }
0xdb: {  	v10 =	vmax.f32 v10, v11  }
0xdc: {  	v10 =	vmul.f32 $1.442695020e+00, v10;
	_ =	sdelay $0x1  }
0xdd: {  	(erf) = vpow2.f32 v10;
	_ =	sdelay $0x4  }
0xde: {  	v61 =	vsel vm15, $0x1, v6  }
0xdf: {  	v8 =	vnsel vm15, $0x1388, v8;
	(xrf0) =	vadd.scan.msk.s32 $0xffff, v61;
	_ =	sdelay $0x2  }
0xe0: {  	v62 =	vpop (erf)  }
0xe1: {  	v10 =	vnsel vm15, $0x0, v62  }
0xe2: {  	[tilespmem:v8+s28+$0x0] =	vst.idx.add.f32.msk $0x1, v10  }
0xe3: {  	v63, _, _ =	vpop (xrf0);
	[tilespmem:v8+s28+$0x0] =	vst.idx.add.f32.msk vm9, v10  }
0xe4: {  	(v2sf) =	vpush v63, $0xF;
	[tilespmem:v8+s28+$0x0] =	vst.idx.add.f32.msk vm1, v10  }
0xe5: {  	vm1 =	vcmask $0x2724;
	[tilespmem:v8+s28+$0x0] =	vst.idx.add.f32.msk vm6, v10  }
0xe6: {  	[tilespmem:v8+s28+$0x0] =	vst.idx.add.f32.msk vm4, v10  }
0xe7: {  	[tilespmem:v8+s28+$0x0] =	vst.idx.add.f32.msk vm3, v10  }
0xe8: {  	[tilespmem:v8+s28+$0x0] =	vst.idx.add.f32.msk vm12, v10  }
0xe9: {  	[tilespmem:v8+s28+$0x0] =	vst.idx.add.f32.msk vm7, v10  }
0xea: {  	[tilespmem:v8+s28+$0x0] =	vst.idx.add.f32.msk vm8, v10  }
0xeb: {  	[tilespmem:v8+s28+$0x0] =	vst.idx.add.f32.msk vm1, v10  }
0xec: {  	[tilespmem:v8+s28+$0x0] =	vst.idx.add.f32.msk vm10, v10  }
0xed: {  	[tilespmem:v8+s28+$0x0] =	vst.idx.add.f32.msk vm11, v10  }
0xee: {  	[tilespmem:v8+s28+$0x0] =	vst.idx.add.f32.msk vm2, v10  }
0xef: {  	[tilespmem:v8+s28+$0x0] =	vst.idx.add.f32.msk vm13, v10  }
0xf0: {  	[tilespmem:v8+s28+$0x0] =	vst.idx.add.f32.msk vm5, v10  }
0xf1: {  	[tilespmem:v8+s28+$0x0] =	vst.idx.add.f32.msk vm14, v10  }
0xf2: {  	[tilespmem:s5+$0x3B80] =	vst.msk vm15, v9  }
0xf3: {  	s20 =	spop (v2sf);
	[tilespmem:s5+$0x6300] =	vst.msk vm15, v8  }
0xf4: {  	s2 =	sadd.s32 s5, s20;
	[tilespmem:s5+$0x8A80] =	vst.msk vm15, v10  }
0xf5: {  	[tilespmem:s2+$0x8A80] =	vst v3  }
0xf6: {  	[tilespmem:s2+$0x6300] =	vst v7  }
0xf7: {  	s5 =	sadd.s32 $0x4F, s2;
	[tilespmem:s2+$0x8A90] =	vst v3  }
0xf8: {  	[tilespmem:s2+$0x6310] =	vst v7;
	s21 =	smulhi.u32 $0x66666667, s5;
	s12 =	sshra.s32 s5, $0x1F  }
0xf9: {  	[tilespmem:s2+$0x8AA0] =	vst v3;
	s12 =	smul.u32 $0x66666667, s12  }
0xfa: {  	[tilespmem:s2+$0x6320] =	vst v7  }
0xfb: {  	[tilespmem:s2+$0x8AB0] =	vst v3;
	s9 =	sadd.s32 s12, s21  }
0xfc: {  	[tilespmem:s2+$0x6330] =	vst v7;
	s12 =	sshrl.u32 s9, $0x1F;
	s9 =	sshra.s32 s9, $0x5  }
0xfd: {  	s10 =	simm.s32 $0x30;
	[tilespmem:s2+$0x8AC0] =	vst v3;
	s9 =	sadd.s32 s12, s9  }
0xfe: {  	s14 =	simm.s32 $0x11C00;
	[tilespmem:s2+$0x6340] =	vst v7;
	s2 =	ssub.s32 $0xFFFFFFB1, s2;
	s12 =	smul.u32 $0xFFFFFFB0, s9  }
0xff: {  	[spmem:s13] =	stream.indirect.scatter.add.f32 [tilespmem:s28], [sflag:$0x3], $0x80, s14, s10, $0xb8;
	[tilespmem:$0x1BA80] =	vst v63  }
0x100: {  	p1 =	slt.s32 s5, $0x1;
	p3 =	sne.s32 s12, s2  }
0x101: {  	p1 =	por !p1, !p3  }
0x102: {  	s2 =	simm.s32 $0x1;
	p1 =	por !p1, !p1  }
0x103: {  	_ =	swait.ge [sflag:s22], $0x1800;
	s2 =	simm.s32 @!p1 $0x0  }
0x104: {  	[sflag:s22] =	ssyncset.done $0x0;
	s16 =	ssub.s32 s9, s2  }
0x105: {  	[sflag:s22] =	ssyncadd.s32 $0xFFFFE800;
	p4 =	slt.s32 s16, $0x1  }
.Ltmp5:
0x106: {  	[bflag:$0x0] =	sbarrier.arrive $0xFFFF;
	(pc) =	sbr.rel @p4 .LBB2_14-.Ltmp5, $4  }
0x107: {  	[tilespmem:s28], [sflag:$0x3] =	stream.linear.gather [spmem:s13], $0x1800, $0x38;
	[tilespmem:$0x1BA80] =	vst v63  }
0x108: {  	vm0 =	vmmov vm8;
	_ =	swait.ge [sflag:s22], $0x1800  }
0x109: {  	vm6 =	vmmov vm11;
	vm3 =	vmmov vm9;
	vm12 =	vmmov vm2;
	[sflag:s22] =	ssyncset.done $0x0  }
0x10a: {  	vm11 =	vmmov vm4;
	vm15 =	vmmov vm7;
	vm7 =	vmmov vm13;
	[sflag:s22] =	ssyncadd.s32 $0xFFFFE800  }
0x10b: {  	s5 =	smul.u32 $0x5, s16;
	_ =	sdelay $0x1  }
0x10c: {  	p1 =	sne.s32 s5, $0x1  }
.Ltmp6:
0x10d: {  	_ = 	snop;
	(pc) =	sbr.rel @!p1 .LBB2_9-.Ltmp6, $3  }
0x10e: {  	_ =	sdelay $0x1  }
0x10f: {  	s9 =	simm.s32 $0x6300  }
0x110: {  	s2 =	simm.s32 $0x8A80;
	p3 =	por $0x0, $0x0;
	v8 =	vld [tilespmem:s9+$0x0];
	s5 =	sadd.s32 $0xFFFFFFFF, s5  }
0x111: {  	_ =	sdelay $0x7  }
0x112: {  	v8 =	vld.idx.msk [tilespmem:v8+s28+$0x0], $0xffff;
	_ =	sdelay $0x4  }
0x113: {  	v8 =	vadd.f32 $9.999999710e-10, v8;
	_ =	sdelay $0x1  }
0x114: {  	(erf) = vrcp.f32 v8;
	_ =	sdelay $0x4  }
0x115: {  	v8 =	vld [tilespmem:s2+$0x0];
	_ =	sdelay $0x2  }
0x116: {  	p1 =	sne.s32 s5, $0x1  }
.Ltmp7:
0x117: {  	v9 =	vpop (erf);
	(pc) =	sbr.rel @!p1 .LBB2_11-.Ltmp7, $3  }
0x118: {  	v8 =	vmul.f32 v9, v8;
	_ =	sdelay $0x1  }
0x119: {  	s9 =	simm.s32 $0x6310;
	[tilespmem:s2+$0x0] =	vst v8  }
0x11a: {  	s12 =	sadd.s32 $0xFFFFFFFF, s5;
	p3 =	por $0x1, $0x1;
	s5 =	simm.s32 $0x8A80;
	v8 =	vld [tilespmem:s9+$0x0]  }
.LBB2_12:
0x11b: {  	p5 =	sne.s32 s12, $0x1;
	_ =	sdelay $0x6  }
0x11c: {  	v8 =	vld.idx.msk [tilespmem:v8+s28+$0x0], $0xffff;
	_ =	sdelay $0x5  }
0x11d: {  	v8 =	vadd.f32 $9.999999710e-10, v8;
	_ =	sdelay $0x1  }
0x11e: {  	(erf) = vrcp.f32 v8;
	_ =	sdelay $0x3  }
0x11f: {  	s5 =	sadd.s32 $0x10, s5  }
0x120: {  	v8 =	vld [tilespmem:s5+$0x0];
	_ =	sdelay $0x3  }
.Ltmp8:
0x121: {  	v9 =	vpop (erf);
	(pc) =	sbr.rel @p5 .LBB2_12-.Ltmp8, $3  }
0x122: {  	v8 =	vmul.f32 v9, v8;
	_ =	sdelay $0x1  }
0x123: {  	s9 =	sadd.s32 $0x10, s9;
	[tilespmem:s5+$0x0] =	vst v8  }
0x124: {  	s12 =	sadd.s32 $0xFFFFFFFF, s12;
	v8 =	vld [tilespmem:s9+$0x0]  }
.LBB2_13:
0x125: {  	_ =	sdelay $0x7  }
0x126: {  	v8 =	vld.idx.msk [tilespmem:v8+s28+$0x0], $0xffff;
	_ =	sdelay $0x4  }
0x127: {  	v8 =	vadd.f32 $9.999999710e-10, v8;
	_ =	sdelay $0x1  }
0x128: {  	(erf) = vrcp.f32 v8;
	_ =	sdelay $0x2  }
0x129: {  	s5 =	sadd.s32 @p3 $0x10, s5  }
0x12a: {  	s2 =	smov.u32 @p3 s5  }
0x12b: {  	v8 =	vld [tilespmem:s2+$0x0];
	_ =	sdelay $0x3  }
0x12c: {  	v9 =	vpop (erf)  }
0x12d: {  	v8 =	vmul.f32 v9, v8;
	_ =	sdelay $0x1  }
0x12e: {  	[tilespmem:s2+$0x0] =	vst v8  }
0x12f: {  	v8 =	vld [tilespmem:$0x3B80]  }
0x130: {  	v59 =	vld [tilespmem:$0x6300]  }
0x131: {  	v10 =	vld [tilespmem:$0x3B90]  }
0x132: {  	v11 =	vld [tilespmem:$0x6310]  }
0x133: {  	v12 =	vld [tilespmem:$0x3BA0]  }
0x134: {  	v60 =	vld [tilespmem:$0x3BB0];
	[tilespmem:$0xF200] =	vst v8  }
0x135: {  	v61 =	vld [tilespmem:$0x6330];
	[tilespmem:$0xF280] =	vst v59  }
0x136: {  	v62 =	vld [tilespmem:$0x3BC0];
	[tilespmem:$0xF210] =	vst v10  }
0x137: {  	v63 =	vld [tilespmem:$0x6340];
	[tilespmem:$0xF290] =	vst v11  }
0x138: {  	v8 =	vld [tilespmem:$0x6320];
	[tilespmem:$0xF220] =	vst v12  }
0x139: {  	[tilespmem:$0xF230] =	vst v60  }
0x13a: {  	[tilespmem:$0xF2B0] =	vst v61  }
0x13b: {  	[tilespmem:$0xF240] =	vst v62  }
0x13c: {  	[tilespmem:$0xF2C0] =	vst v63  }
0x13d: {  	s21 =	simm.s32 $0xF200;
	[tilespmem:$0xF2A0] =	vst v8  }
0x13e: {  	[tilespmem:s26], [sflag:$0x1] =	stream.indirect.gather [hbm4b:s6+s0], $0x80, s21, s0, $0xb8;
	[tilespmem:$0x1BA80] =	vst v63  }
.LBB2_14:
0x13f: {  	p1 =	sgt.s32 s16, $0x0;
	s2 =	sshrl.u32 s16, $0x1F;
	s5 =	simm.s32 $0x1  }
0x140: {  	s9 =	sshra.s32 s16, $0x1F;
	s2 =	sadd.s32 s2, s16;
	s5 =	simm.s32 @!p1 $0x0  }
0x141: {  	s5 =	sadd.s32 s5, s9;
	s20 =	sand.u32 $0xFFFFFFFE, s2  }
0x142: {  	p6 =	sne.s32 s5, $0x1;
	p3 =	sne.s32 s16, s20  }
0x143: {  	p1 =	por !p3, !p6  }
0x144: {  	s5 =	simm.s32 $0x1;
	p1 =	por !p1, !p1  }
0x145: {  	s2 =	sshra.s32 s2, $0x1;
	s5 =	simm.s32 @!p1 $0x0  }
0x146: {  	s18 =	ssub.s32 s2, s5  }
0x147: {  	p5 =	slt.s32 s18, $0x1  }
.Ltmp9:
0x148: {  	_ = 	snop;
	(pc) =	sbr.rel @p5 .LBB2_21-.Ltmp9, $3  }
0x149: {  	_ =	sdelay $0x1  }
0x14a: {  	vm13 =	vmmov vm5;
	vm1 =	vcmask $0xB08;
	vm4 =	vcmask $0x1714  }
0x14b: {  	s10 =	smov.u32 s13;
	s19 =	sadd.s32 $0xFFFFFFFE, s16;
	vm8 =	vmmov vm0;
	vm2 =	vmmov vm6;
	vm14 =	vmmov vm12  }
0x14c: {  	s21 =	simm.s32 $0x0;
	s9 =	simm.s32 $0x50;
	s17 =	simm.s32 $0x0  }
.LBB2_16:
0x14d: {  	s5 =	smul.u32 $0xA0, s17;
	_ =	sdelay $0x1  }
0x14e: {  	v8 =	vld [tilespmem:s5+$0x3BD0];
	_ =	sdelay $0x4  }
0x14f: {  	[tilespmem:$0x11B00] =	vst v8  }
0x150: {  	v8 =	vld [tilespmem:s5+$0x6350];
	_ =	sdelay $0x4  }
0x151: {  	[tilespmem:$0x11B80] =	vst v8  }
0x152: {  	v8 =	vld [tilespmem:s5+$0x3BE0];
	_ =	sdelay $0x4  }
0x153: {  	[tilespmem:$0x11B10] =	vst v8  }
0x154: {  	v8 =	vld [tilespmem:s5+$0x6360];
	_ =	sdelay $0x4  }
0x155: {  	[tilespmem:$0x11B90] =	vst v8  }
0x156: {  	v8 =	vld [tilespmem:s5+$0x3BF0];
	_ =	sdelay $0x4  }
0x157: {  	[tilespmem:$0x11B20] =	vst v8  }
0x158: {  	v8 =	vld [tilespmem:s5+$0x6370];
	_ =	sdelay $0x4  }
0x159: {  	[tilespmem:$0x11BA0] =	vst v8  }
0x15a: {  	v8 =	vld [tilespmem:s5+$0x3C00];
	_ =	sdelay $0x4  }
0x15b: {  	[tilespmem:$0x11B30] =	vst v8  }
0x15c: {  	v8 =	vld [tilespmem:s5+$0x6380];
	_ =	sdelay $0x4  }
0x15d: {  	[tilespmem:$0x11BB0] =	vst v8  }
0x15e: {  	v8 =	vld [tilespmem:s5+$0x3C10];
	_ =	sdelay $0x4  }
0x15f: {  	[tilespmem:$0x11B40] =	vst v8  }
0x160: {  	v8 =	vld [tilespmem:s5+$0x6390];
	_ =	sdelay $0x4  }
0x161: {  	[tilespmem:$0x11BC0] =	vst v8  }
0x162: {  	[tilespmem:s25], [sflag:$0x2] =	stream.indirect.gather [hbm4b:s6+s0], $0x80, s24, s0, $0xb8;
	[tilespmem:$0x1BA80] =	vst v63  }
0x163: {  	s2 =	sadd.s32 $0x0, s21;
	_ =	swait.ge [sflag:s29], $0x2800  }
0x164: {  	v8 =	vmov s2;
	[sflag:s29] =	ssyncset.done $0x0  }
0x165: {  	s2 =	simm.s32 $0xCA40;
	[sflag:s29] =	ssyncadd.s32 $0xFFFFD800  }
0x166: {  	v12 =	vld [tilespmem:s2+$0x30]  }
0x167: {  	v15 =	vld [tilespmem:s2+$0x10]  }
0x168: {  	v13 =	vld [tilespmem:s2+$0xFFFFFFC0]  }
0x169: {  	v9 =	vld.idx.msk [tilespmem:v8+s30+$0x0], $0xffff  }
0x16a: {  	v17 =	vld [tilespmem:s2+$0xFFFFFFE0]  }
0x16b: {  	v8 =	vld [tilespmem:s2+$0xFFFFFFF0]  }
0x16c: {  	v10 =	vld [tilespmem:s2+$0x20]  }
0x16d: {  	v11 =	vld [tilespmem:s2+$0xFFFFFFD0]  }
0x16e: {  	v16 =	vmul.f32 v12, v9;
	v12 =	vld [tilespmem:s2+$0x0]  }
0x16f: {  	v14 =	vmul.f32 v13, v9  }
0x170: {  	s12 =	simm.s32 $0x1;
	s13 =	simm.s32 $0xCA40;
	v13 =	vmul.f32 v17, v9;
	v15 =	vmul.f32 v15, v9  }
.LBB2_17:
0x171: {  	p3 =	sne.s32 s12, $0x4F  }
0x172: {  	v11 =	vmul.f32 v11, v9;
	v10 =	vmul.f32 v10, v9;
	[tilespmem:s2+$0x30] =	vst v16;
	s13 =	sadd.s32 $0x80, s13;
	s14 =	smov.u32 s12;
	s12 =	sadd.s32 $0x1, s12  }
0x173: {  	[tilespmem:s2+$0xFFFFFFC0] =	vst v14;
	v14 =	vmul.f32 v8, v9;
	v9 =	vmul.f32 v12, v9  }
0x174: {  	s14 =	sadd.s32 s14, s21;
	[tilespmem:s2+$0x10] =	vst v15  }
0x175: {  	v12 =	vmov s14;
	[tilespmem:s2+$0xFFFFFFE0] =	vst v13  }
0x176: {  	v8 =	vld [tilespmem:s13+$0xFFFFFFF0];
	[tilespmem:s2+$0xFFFFFFF0] =	vst v14  }
0x177: {  	v13 =	vld [tilespmem:s13+$0x30];
	[tilespmem:s2+$0x0] =	vst v9  }
0x178: {  	v15 =	vld [tilespmem:s13+$0x10];
	[tilespmem:s2+$0x20] =	vst v10  }
0x179: {  	v14 =	vld [tilespmem:s13+$0xFFFFFFC0];
	[tilespmem:s2+$0xFFFFFFD0] =	vst v11;
	s2 =	smov.u32 s13  }
0x17a: {  	v9 =	vld.idx.msk [tilespmem:v12+s30+$0x0], $0xffff  }
0x17b: {  	v17 =	vld [tilespmem:s13+$0xFFFFFFE0]  }
0x17c: {  	v10 =	vld [tilespmem:s13+$0x20]  }
.Ltmp10:
0x17d: {  	v11 =	vld [tilespmem:s13+$0xFFFFFFD0];
	(pc) =	sbr.rel @p3 .LBB2_17-.Ltmp10, $3  }
0x17e: {  	v12 =	vld [tilespmem:s13+$0x0];
	_ =	sdelay $0x1  }
0x17f: {  	v14 =	vmul.f32 v14, v9;
	v16 =	vmul.f32 v13, v9  }
0x180: {  	v15 =	vmul.f32 v15, v9;
	v13 =	vmul.f32 v17, v9  }
0x181: {  	[tilespmem:s2+$0x30] =	vst v16  }
0x182: {  	[tilespmem:s2+$0xFFFFFFC0] =	vst v14  }
0x183: {  	v8 =	vmul.f32 v8, v9;
	[tilespmem:s2+$0x10] =	vst v15  }
0x184: {  	v10 =	vmul.f32 v10, v9;
	[tilespmem:s2+$0xFFFFFFE0] =	vst v13  }
0x185: {  	v12 =	vmul.f32 v12, v9;
	[tilespmem:s2+$0xFFFFFFF0] =	vst v8  }
0x186: {  	v8 =	vmul.f32 v11, v9;
	[tilespmem:s2+$0x20] =	vst v10  }
0x187: {  	[tilespmem:s2+$0x0] =	vst v12  }
0x188: {  	[tilespmem:s2+$0xFFFFFFD0] =	vst v8  }
0x189: {  	[spmem:s1] =	stream.indirect.scatter.add.f32 [tilespmem:s26], [sflag:$0x3], $0x80, s31, s0, $0xb8;
	[tilespmem:$0x1BA80] =	vst v63  }
0x18a: {  	_ =	swait.ge [sflag:s22], $0x2800  }
0x18b: {  	s13 =	sshll.u32 s17, $0x1;
	[sflag:s22] =	ssyncset.done $0x0  }
0x18c: {  	p3 =	sge.s32 s13, s19;
	[sflag:s22] =	ssyncadd.s32 $0xFFFFD800  }
0x18d: {  	v8 =	vld @!p3 [tilespmem:s5+$0x3C20];
	_ =	sdelay $0x4  }
0x18e: {  	[tilespmem:$0xF200] =	vst @!p3 v8  }
0x18f: {  	v8 =	vld @!p3 [tilespmem:s5+$0x63A0];
	_ =	sdelay $0x4  }
0x190: {  	[tilespmem:$0xF280] =	vst @!p3 v8  }
0x191: {  	v8 =	vld @!p3 [tilespmem:s5+$0x3C30];
	_ =	sdelay $0x4  }
0x192: {  	[tilespmem:$0xF210] =	vst @!p3 v8  }
0x193: {  	v8 =	vld @!p3 [tilespmem:s5+$0x63B0];
	_ =	sdelay $0x4  }
0x194: {  	[tilespmem:$0xF290] =	vst @!p3 v8  }
0x195: {  	v8 =	vld @!p3 [tilespmem:s5+$0x3C40];
	_ =	sdelay $0x4  }
0x196: {  	[tilespmem:$0xF220] =	vst @!p3 v8  }
0x197: {  	v8 =	vld @!p3 [tilespmem:s5+$0x63C0];
	_ =	sdelay $0x4  }
0x198: {  	[tilespmem:$0xF2A0] =	vst @!p3 v8  }
0x199: {  	v8 =	vld @!p3 [tilespmem:s5+$0x3C50];
	_ =	sdelay $0x4  }
0x19a: {  	[tilespmem:$0xF230] =	vst @!p3 v8  }
0x19b: {  	v8 =	vld @!p3 [tilespmem:s5+$0x63D0];
	_ =	sdelay $0x4  }
0x19c: {  	[tilespmem:$0xF2B0] =	vst @!p3 v8  }
0x19d: {  	v8 =	vld @!p3 [tilespmem:s5+$0x3C60];
	_ =	sdelay $0x4  }
0x19e: {  	[tilespmem:$0xF240] =	vst @!p3 v8  }
0x19f: {  	v8 =	vld @!p3 [tilespmem:s5+$0x63E0];
	_ =	sdelay $0x4  }
0x1a0: {  	s12 =	simm.s32 @!p3 $0xCA00;
	s2 =	simm.s32 @!p3 $0x50;
	s5 =	simm.s32 @!p3 $0xF200;
	[tilespmem:$0xF2C0] =	vst @!p3 v8  }
0x1a1: {  	[tilespmem:s12], [sflag:$0x1] =	stream.indirect.gather @!p3 [hbm4b:s6+s2], $0x80, s5, s2, $0xb8;
	[tilespmem:$0x1BA80] =	vst v63  }
0x1a2: {  	s14 =	sadd.s32 $0x0, s9;
	_ =	swait.ge [sflag:s4], $0x2800  }
0x1a3: {  	v8 =	vmov s14;
	[sflag:s4] =	ssyncset.done $0x0  }
0x1a4: {  	s2 =	simm.s32 $0xF340;
	[sflag:s4] =	ssyncadd.s32 $0xFFFFD800  }
0x1a5: {  	v12 =	vld [tilespmem:s2+$0x30]  }
0x1a6: {  	v15 =	vld [tilespmem:s2+$0x10]  }
0x1a7: {  	v13 =	vld [tilespmem:s2+$0xFFFFFFC0]  }
0x1a8: {  	v9 =	vld.idx.msk [tilespmem:v8+s30+$0x0], $0xffff  }
0x1a9: {  	v17 =	vld [tilespmem:s2+$0xFFFFFFE0]  }
0x1aa: {  	v8 =	vld [tilespmem:s2+$0xFFFFFFF0]  }
0x1ab: {  	v10 =	vld [tilespmem:s2+$0x20]  }
0x1ac: {  	v11 =	vld [tilespmem:s2+$0xFFFFFFD0]  }
0x1ad: {  	v16 =	vmul.f32 v12, v9;
	v12 =	vld [tilespmem:s2+$0x0]  }
0x1ae: {  	v14 =	vmul.f32 v13, v9  }
0x1af: {  	s5 =	simm.s32 $0x1;
	s12 =	simm.s32 $0xF340;
	v13 =	vmul.f32 v17, v9;
	v15 =	vmul.f32 v15, v9  }
.LBB2_19:
0x1b0: {  	p3 =	sne.s32 s5, $0x4F  }
0x1b1: {  	v11 =	vmul.f32 v11, v9;
	v10 =	vmul.f32 v10, v9;
	[tilespmem:s2+$0x30] =	vst v16;
	s12 =	sadd.s32 $0x80, s12;
	s13 =	smov.u32 s5;
	s5 =	sadd.s32 $0x1, s5  }
0x1b2: {  	[tilespmem:s2+$0xFFFFFFC0] =	vst v14;
	v14 =	vmul.f32 v8, v9;
	v9 =	vmul.f32 v12, v9  }
0x1b3: {  	s13 =	sadd.s32 s13, s9;
	[tilespmem:s2+$0x10] =	vst v15  }
0x1b4: {  	v12 =	vmov s13;
	[tilespmem:s2+$0xFFFFFFE0] =	vst v13  }
0x1b5: {  	v8 =	vld [tilespmem:s12+$0xFFFFFFF0];
	[tilespmem:s2+$0xFFFFFFF0] =	vst v14  }
0x1b6: {  	v13 =	vld [tilespmem:s12+$0x30];
	[tilespmem:s2+$0x0] =	vst v9  }
0x1b7: {  	v15 =	vld [tilespmem:s12+$0x10];
	[tilespmem:s2+$0x20] =	vst v10  }
0x1b8: {  	v14 =	vld [tilespmem:s12+$0xFFFFFFC0];
	[tilespmem:s2+$0xFFFFFFD0] =	vst v11;
	s2 =	smov.u32 s12  }
0x1b9: {  	v9 =	vld.idx.msk [tilespmem:v12+s30+$0x0], $0xffff  }
0x1ba: {  	v17 =	vld [tilespmem:s12+$0xFFFFFFE0]  }
0x1bb: {  	v10 =	vld [tilespmem:s12+$0x20]  }
.Ltmp11:
0x1bc: {  	v11 =	vld [tilespmem:s12+$0xFFFFFFD0];
	(pc) =	sbr.rel @p3 .LBB2_19-.Ltmp11, $3  }
0x1bd: {  	v12 =	vld [tilespmem:s12+$0x0];
	_ =	sdelay $0x1  }
0x1be: {  	v14 =	vmul.f32 v14, v9;
	v16 =	vmul.f32 v13, v9  }
0x1bf: {  	v15 =	vmul.f32 v15, v9;
	v13 =	vmul.f32 v17, v9  }
0x1c0: {  	[tilespmem:s2+$0x30] =	vst v16  }
0x1c1: {  	[tilespmem:s2+$0xFFFFFFC0] =	vst v14  }
0x1c2: {  	v8 =	vmul.f32 v8, v9;
	[tilespmem:s2+$0x10] =	vst v15  }
0x1c3: {  	v10 =	vmul.f32 v10, v9;
	[tilespmem:s2+$0xFFFFFFE0] =	vst v13  }
0x1c4: {  	v12 =	vmul.f32 v12, v9;
	[tilespmem:s2+$0xFFFFFFF0] =	vst v8  }
0x1c5: {  	s17 =	sadd.s32 $0x1, s17;
	v8 =	vmul.f32 v11, v9;
	[tilespmem:s2+$0x20] =	vst v10  }
0x1c6: {  	p1 =	sne.s32 s17, s18;
	[tilespmem:s2+$0x0] =	vst v12  }
.Ltmp12:
0x1c7: {  	[tilespmem:s2+$0xFFFFFFD0] =	vst v8;
	(pc) =	sbr.rel @p1 .LBB2_16-.Ltmp12, $4  }
0x1c8: {  	[spmem:s1] =	stream.indirect.scatter.add.f32 [tilespmem:s25], [sflag:$0x3], $0x80, s8, s0, $0xb8;
	[tilespmem:$0x1BA80] =	vst v63  }
0x1c9: {  	_ =	swait.ge [sflag:s22], $0x2800  }
0x1ca: {  	[sflag:s22] =	ssyncset.done $0x0  }
0x1cb: {  	s21 =	sadd.s32 $0xA0, s21;
	s9 =	sadd.s32 $0xA0, s9;
	[sflag:s22] =	ssyncadd.s32 $0xFFFFD800  }
.LBB2_21:
0x1cc: {  	s2 =	ssub.s32 s16, s20  }
0x1cd: {  	p3 =	sne.s32 s2, $0x1  }
.Ltmp13:
0x1ce: {  	_ = 	snop;
	(pc) =	sbr.rel @p3 .LBB2_25-.Ltmp13, $2  }
0x1cf: {  	_ =	sdelay $0x2  }
0x1d0: {  	vm5 =	vmmov vm13  }
0x1d1: {  	s5 =	smul.u32 $0x50, s16;
	_ =	sdelay $0x1  }
0x1d2: {  	_ =	swait.ge [sflag:s29], $0x2800;
	s2 =	sadd.s32 $0xFFFFFFB0, s5  }
0x1d3: {  	[sflag:s29] =	ssyncset.done $0x0;
	v8 =	vmov s2  }
0x1d4: {  	[sflag:s29] =	ssyncadd.s32 $0xFFFFD800;
	s2 =	simm.s32 $0xCA40  }
0x1d5: {  	v12 =	vld [tilespmem:s2+$0x30]  }
0x1d6: {  	v15 =	vld [tilespmem:s2+$0x10]  }
0x1d7: {  	v13 =	vld [tilespmem:s2+$0xFFFFFFC0]  }
0x1d8: {  	v9 =	vld.idx.msk [tilespmem:v8+s30+$0x0], $0xffff  }
0x1d9: {  	v17 =	vld [tilespmem:s2+$0xFFFFFFE0]  }
0x1da: {  	v10 =	vld [tilespmem:s2+$0x20]  }
0x1db: {  	p1 =	por $0x0, $0x0;
	v11 =	vld [tilespmem:s2+$0xFFFFFFD0]  }
.Ltmp14:
0x1dc: {  	v8 =	vld [tilespmem:s2+$0xFFFFFFF0];
	(pc) =	sbr.rel @p1 .LBB2_24-.Ltmp14, $3  }
0x1dd: {  	v16 =	vmul.f32 v12, v9;
	v12 =	vld [tilespmem:s2+$0x0];
	_ =	sdelay $0x1  }
0x1de: {  	v14 =	vmul.f32 v13, v9  }
0x1df: {  	s9 =	simm.s32 $0xFFFFFFB1;
	s12 =	simm.s32 $0xCA40;
	v13 =	vmul.f32 v17, v9;
	v15 =	vmul.f32 v15, v9  }
.LBB2_23:
0x1e0: {  	v11 =	vmul.f32 v11, v9;
	v10 =	vmul.f32 v10, v9;
	[tilespmem:s2+$0x30] =	vst v16;
	s12 =	sadd.s32 $0x80, s12;
	s13 =	smov.u32 s9;
	s9 =	sadd.s32 $0x1, s9  }
0x1e1: {  	p6 =	seq.s32 s9, $0x0;
	[tilespmem:s2+$0xFFFFFFC0] =	vst v14;
	v14 =	vmul.f32 v8, v9;
	v9 =	vmul.f32 v12, v9  }
0x1e2: {  	s13 =	sadd.s32 s13, s5;
	[tilespmem:s2+$0x10] =	vst v15  }
0x1e3: {  	v12 =	vmov s13;
	[tilespmem:s2+$0xFFFFFFE0] =	vst v13  }
0x1e4: {  	v8 =	vld [tilespmem:s12+$0xFFFFFFF0];
	[tilespmem:s2+$0xFFFFFFF0] =	vst v14  }
0x1e5: {  	v13 =	vld [tilespmem:s12+$0x30];
	[tilespmem:s2+$0x0] =	vst v9  }
0x1e6: {  	v15 =	vld [tilespmem:s12+$0x10];
	[tilespmem:s2+$0x20] =	vst v10  }
0x1e7: {  	v14 =	vld [tilespmem:s12+$0xFFFFFFC0];
	[tilespmem:s2+$0xFFFFFFD0] =	vst v11;
	s2 =	smov.u32 s12  }
0x1e8: {  	v9 =	vld.idx.msk [tilespmem:v12+s30+$0x0], $0xffff  }
0x1e9: {  	v17 =	vld [tilespmem:s12+$0xFFFFFFE0]  }
0x1ea: {  	v10 =	vld [tilespmem:s12+$0x20]  }
.Ltmp15:
0x1eb: {  	v11 =	vld [tilespmem:s12+$0xFFFFFFD0];
	(pc) =	sbr.rel @!p6 .LBB2_23-.Ltmp15, $3  }
0x1ec: {  	v12 =	vld [tilespmem:s12+$0x0];
	_ =	sdelay $0x1  }
0x1ed: {  	v14 =	vmul.f32 v14, v9;
	v16 =	vmul.f32 v13, v9  }
0x1ee: {  	v15 =	vmul.f32 v15, v9;
	v13 =	vmul.f32 v17, v9  }
.LBB2_24:
0x1ef: {  	[tilespmem:s2+$0x30] =	vst v16  }
0x1f0: {  	[tilespmem:s2+$0xFFFFFFC0] =	vst v14  }
0x1f1: {  	v8 =	vmul.f32 v8, v9;
	[tilespmem:s2+$0x10] =	vst v15  }
0x1f2: {  	v10 =	vmul.f32 v10, v9;
	[tilespmem:s2+$0xFFFFFFE0] =	vst v13  }
0x1f3: {  	v12 =	vmul.f32 v12, v9;
	[tilespmem:s2+$0xFFFFFFF0] =	vst v8  }
0x1f4: {  	v8 =	vmul.f32 v11, v9;
	[tilespmem:s2+$0x20] =	vst v10  }
0x1f5: {  	[tilespmem:s2+$0x0] =	vst v12  }
0x1f6: {  	[tilespmem:s2+$0xFFFFFFD0] =	vst v8  }
0x1f7: {  	[spmem:s1] =	stream.indirect.scatter.add.f32 [tilespmem:s26], [sflag:$0x3], $0x80, s31, s0, $0xb8;
	[tilespmem:$0x1BA80] =	vst v63  }
0x1f8: {  	_ =	swait.ge [sflag:s22], $0x2800  }
0x1f9: {  	[sflag:s22] =	ssyncset.done $0x0  }
0x1fa: {  	[sflag:s22] =	ssyncadd.s32 $0xFFFFD800  }
.LBB2_25:
0x1fb: {  	[bflag:$0x0] =	sbarrier.arrive $0xFFFF  }
0x1fc: {  	s5 =	sld [smem:$0x7FC];
	_ =	sdelay $0x2  }
0x1fd: {  	s2 =	rddreg [dreg:$0xd];
	p2 =	seq.s32 s5, $0x1  }
0x1fe: {  	s9 =	rddreg [dreg:$0xe];
	s2 =	sshrl.u32 @!p2 s2, $0x3;
	s5 =	simm.s32 @!p2 $0x1E03  }
0x1ff: {  	[hbm:s9], [sflag:s5] =	dma.local @!p2 [spmem:s2], $0x80  }
0x200: {  	s2 =	simm.s32 @!p2 $0x3  }
0x201: {  	s5 =	sshll.u32 @!p0 s15, $0x6;
	_ =	swait.ge @!p2 [sflag:s2], $0x80  }
0x202: {  	s9 =	simm.s32 @!p0 $0x80;
	s20 =	sor.u32 @!p0 $0x1C03, s5;
	[sflag:s2] =	ssyncset.done @!p2 $0x0  }
0x203: {  	s5 =	simm.s32 @!p0 $0x100;
	[sflag:s2] =	ssyncadd.s32 @!p2 $0xFFFFFF80;
	s2 =	rddreg [dreg:$0x10]  }
0x204: {  	s12 =	rddreg [dreg:$0xf];
	s21 =	sshrl.u32 @!p0 s2, $0x3;
	s2 =	simm.s32 @!p0 $0x8  }
0x205: {  	[hbm:s12@s5], [sflag:s20] =	dma.strided @!p0 [spmem:s21@s9], $0x2700, s2, $0x10   }
0x206: {  	s2 =	simm.s32 @!p0 $0x3  }
0x207: {  	_ =	swait.ge @!p0 [sflag:s2], $0x2700  }
0x208: {  	s17 =	sld [smem:$0x7FD];
	_ =	sdelay $0x1  }
0x209: {  	p1 =	por @p0 $0x0, $0x0;
	p6 =	por @!p2 $0x1, $0x1  }
0x20a: {  	s5 =	simm.s32 $0x200;
	[sflag:s2] =	ssyncset.done @!p0 $0x0;
	p2 =	seq.s32 s17, $0x1  }
0x20b: {  	[sflag:s2] =	ssyncadd.s32 @!p0 $0xFFFFD900;
	p6 =	por @!p2 p1, p1;
	p1 =	por @!p0 $0x0, $0x0  }
0x20c: {  	s2 =	simm.s32 $0x0;
	[bflag:$0x0] =	sbarrier.arrive $0xFFFF;
	p6 =	por @!p0 p1, p1  }
.LBB2_26:
0x20d: {  	p1 =	sne.s32 s5, $0x9E00;
	[tilespmem:s2+$0xCA70] =	vst v3  }
0x20e: {  	[tilespmem:s2+$0xCA00] =	vst v3  }
0x20f: {  	[tilespmem:s2+$0xCA10] =	vst v3  }
.Ltmp16:
0x210: {  	[tilespmem:s2+$0xCA20] =	vst v3;
	(pc) =	sbr.rel @p1 .LBB2_26-.Ltmp16, $4  }
0x211: {  	[tilespmem:s2+$0xCA30] =	vst v3  }
0x212: {  	[tilespmem:s2+$0xCA40] =	vst v3  }
0x213: {  	[tilespmem:s2+$0xCA50] =	vst v3  }
0x214: {  	[tilespmem:s2+$0xCA60] =	vst v3;
	s2 =	sshra.s32 s5, $0x2;
	s5 =	sadd.s32 $0x200, s5  }
0x215: {  	[tilespmem:s2+$0xCA70] =	vst v3  }
0x216: {  	[tilespmem:s2+$0xCA00] =	vst v3  }
0x217: {  	[tilespmem:s2+$0xCA10] =	vst v3  }
0x218: {  	[tilespmem:s2+$0xCA20] =	vst v3  }
0x219: {  	[tilespmem:s2+$0xCA30] =	vst v3  }
0x21a: {  	[tilespmem:s2+$0xCA40] =	vst v3  }
0x21b: {  	[tilespmem:s2+$0xCA50] =	vst v3  }
0x21c: {  	[tilespmem:s2+$0xCA60] =	vst v3;
	s13 =	rddreg [dreg:$0x8]  }
0x21d: {  	[spmem:s13] =	stream.linear.scatter [tilespmem:s26], [sflag:$0x3], $0x2800, $0x38;
	[tilespmem:$0x1BA80] =	vst v63  }
0x21e: {  	_ =	swait.ge [sflag:s22], $0x2800  }
0x21f: {  	[sflag:s22] =	ssyncset.done $0x0  }
0x220: {  	s14 =	rddreg [dreg:$0xa];
	[sflag:s22] =	ssyncadd.s32 $0xFFFFD800  }
0x221: {  	[spmem:s14] =	stream.linear.scatter [tilespmem:s26], [sflag:$0x3], $0x2800, $0x38;
	[tilespmem:$0x1BA80] =	vst v63  }
0x222: {  	_ =	swait.ge [sflag:s22], $0x2800  }
0x223: {  	[sflag:s22] =	ssyncset.done $0x0  }
0x224: {  	s15 =	rddreg [dreg:$0xb];
	[sflag:s22] =	ssyncadd.s32 $0xFFFFD800  }
0x225: {  	[spmem:s15] =	stream.linear.scatter [tilespmem:s26], [sflag:$0x3], $0x2800, $0x38;
	[tilespmem:$0x1BA80] =	vst v63  }
0x226: {  	_ =	swait.ge [sflag:s22], $0x2800  }
0x227: {  	[sflag:s22] =	ssyncset.done $0x0  }
0x228: {  	s17 =	rddreg [dreg:$0xc];
	[sflag:s22] =	ssyncadd.s32 $0xFFFFD800  }
0x229: {  	[spmem:s17] =	stream.linear.scatter [tilespmem:s26], [sflag:$0x3], $0x2480, $0x38;
	[tilespmem:$0x1BA80] =	vst v63  }
0x22a: {  	_ =	swait.ge [sflag:s22], $0x2480  }
0x22b: {  	[sflag:s22] =	ssyncset.done $0x0  }
0x22c: {  	[sflag:s22] =	ssyncadd.s32 $0xFFFFDB80  }
0x22d: {  	[bflag:$0x0] =	sbarrier.arrive $0xFFFF  }
0x22e: {  	v8 =	vld @!p4 [tilespmem:$0x3B80]  }
0x22f: {  	v9 =	vld @!p4 [tilespmem:$0x6300]  }
0x230: {  	v10 =	vld @!p4 [tilespmem:$0x3B90]  }
0x231: {  	v11 =	vld @!p4 [tilespmem:$0x6310]  }
0x232: {  	v12 =	vld @!p4 [tilespmem:$0x3BA0]  }
0x233: {  	[tilespmem:$0xF200] =	vst @!p4 v8;
	v8 =	vld @!p4 [tilespmem:$0x6320]  }
0x234: {  	[tilespmem:$0xF280] =	vst @!p4 v9;
	v9 =	vld @!p4 [tilespmem:$0x3BB0]  }
0x235: {  	[tilespmem:$0xF210] =	vst @!p4 v10;
	v10 =	vld @!p4 [tilespmem:$0x6330]  }
0x236: {  	[tilespmem:$0xF290] =	vst @!p4 v11;
	v11 =	vld @!p4 [tilespmem:$0x3BC0]  }
0x237: {  	[tilespmem:$0xF220] =	vst @!p4 v12;
	v12 =	vld @!p4 [tilespmem:$0x6340]  }
0x238: {  	[tilespmem:$0xF2A0] =	vst @!p4 v8  }
.Ltmp17:
0x239: {  	[tilespmem:$0xF230] =	vst @!p4 v9;
	(pc) =	sbr.rel @p5 .LBB2_34-.Ltmp17, $4  }
0x23a: {  	[tilespmem:$0xF2B0] =	vst @!p4 v10  }
0x23b: {  	[tilespmem:$0xF240] =	vst @!p4 v11  }
0x23c: {  	s2 =	simm.s32 @!p4 $0x50;
	s5 =	simm.s32 @!p4 $0xF200;
	s9 =	simm.s32 @!p4 $0xCA00;
	[tilespmem:$0xF2C0] =	vst @!p4 v12  }
0x23d: {  	[tilespmem:s9], [sflag:$0x1] =	stream.indirect.gather @!p4 [hbm4b:s7+s2], $0x80, s5, s2, $0xb8;
	[tilespmem:$0x1BA80] =	vst v63  }
0x23e: {  	s9 =	simm.s32 $0x0;
	s17 =	simm.s32 $0x50;
	s5 =	simm.s32 $0x0  }
.LBB2_29:
0x23f: {  	s2 =	smul.u32 $0xA0, s5;
	_ =	sdelay $0x1  }
0x240: {  	v8 =	vld [tilespmem:s2+$0x3BD0];
	_ =	sdelay $0x4  }
0x241: {  	[tilespmem:$0x11B00] =	vst v8  }
0x242: {  	v8 =	vld [tilespmem:s2+$0x6350];
	_ =	sdelay $0x4  }
0x243: {  	[tilespmem:$0x11B80] =	vst v8  }
0x244: {  	v8 =	vld [tilespmem:s2+$0x3BE0];
	_ =	sdelay $0x4  }
0x245: {  	[tilespmem:$0x11B10] =	vst v8  }
0x246: {  	v8 =	vld [tilespmem:s2+$0x6360];
	_ =	sdelay $0x4  }
0x247: {  	[tilespmem:$0x11B90] =	vst v8  }
0x248: {  	v8 =	vld [tilespmem:s2+$0x3BF0];
	_ =	sdelay $0x4  }
0x249: {  	[tilespmem:$0x11B20] =	vst v8  }
0x24a: {  	v8 =	vld [tilespmem:s2+$0x6370];
	_ =	sdelay $0x4  }
0x24b: {  	[tilespmem:$0x11BA0] =	vst v8  }
0x24c: {  	v8 =	vld [tilespmem:s2+$0x3C00];
	_ =	sdelay $0x4  }
0x24d: {  	[tilespmem:$0x11B30] =	vst v8  }
0x24e: {  	v8 =	vld [tilespmem:s2+$0x6380];
	_ =	sdelay $0x4  }
0x24f: {  	[tilespmem:$0x11BB0] =	vst v8  }
0x250: {  	v8 =	vld [tilespmem:s2+$0x3C10];
	_ =	sdelay $0x4  }
0x251: {  	[tilespmem:$0x11B40] =	vst v8  }
0x252: {  	v8 =	vld [tilespmem:s2+$0x6390];
	_ =	sdelay $0x4  }
0x253: {  	[tilespmem:$0x11BC0] =	vst v8  }
0x254: {  	[tilespmem:s25], [sflag:$0x2] =	stream.indirect.gather [hbm4b:s7+s0], $0x80, s24, s0, $0xb8;
	[tilespmem:$0x1BA80] =	vst v63  }
0x255: {  	s12 =	sadd.s32 $0x0, s9;
	_ =	swait.ge [sflag:s29], $0x2800  }
0x256: {  	v8 =	vmov s12;
	[sflag:s29] =	ssyncset.done $0x0  }
0x257: {  	s12 =	simm.s32 $0xCA40;
	[sflag:s29] =	ssyncadd.s32 $0xFFFFD800  }
0x258: {  	v12 =	vld [tilespmem:s12+$0x30]  }
0x259: {  	v15 =	vld [tilespmem:s12+$0x10]  }
0x25a: {  	v13 =	vld [tilespmem:s12+$0xFFFFFFC0]  }
0x25b: {  	v9 =	vld.idx.msk [tilespmem:v8+s30+$0x0], $0xffff  }
0x25c: {  	v17 =	vld [tilespmem:s12+$0xFFFFFFE0]  }
0x25d: {  	v8 =	vld [tilespmem:s12+$0xFFFFFFF0]  }
0x25e: {  	v10 =	vld [tilespmem:s12+$0x20]  }
0x25f: {  	v11 =	vld [tilespmem:s12+$0xFFFFFFD0]  }
0x260: {  	v16 =	vmul.f32 v12, v9;
	v12 =	vld [tilespmem:s12+$0x0]  }
0x261: {  	v14 =	vmul.f32 v13, v9  }
0x262: {  	s13 =	simm.s32 $0x1;
	s14 =	simm.s32 $0xCA40;
	v13 =	vmul.f32 v17, v9;
	v15 =	vmul.f32 v15, v9  }
.LBB2_30:
0x263: {  	p4 =	sne.s32 s13, $0x4F  }
0x264: {  	v11 =	vmul.f32 v11, v9;
	v10 =	vmul.f32 v10, v9;
	[tilespmem:s12+$0x30] =	vst v16;
	s14 =	sadd.s32 $0x80, s14;
	s15 =	smov.u32 s13;
	s13 =	sadd.s32 $0x1, s13  }
0x265: {  	[tilespmem:s12+$0xFFFFFFC0] =	vst v14;
	v14 =	vmul.f32 v8, v9;
	v9 =	vmul.f32 v12, v9  }
0x266: {  	s15 =	sadd.s32 s15, s9;
	[tilespmem:s12+$0x10] =	vst v15  }
0x267: {  	v12 =	vmov s15;
	[tilespmem:s12+$0xFFFFFFE0] =	vst v13  }
0x268: {  	v8 =	vld [tilespmem:s14+$0xFFFFFFF0];
	[tilespmem:s12+$0xFFFFFFF0] =	vst v14  }
0x269: {  	v13 =	vld [tilespmem:s14+$0x30];
	[tilespmem:s12+$0x0] =	vst v9  }
0x26a: {  	v15 =	vld [tilespmem:s14+$0x10];
	[tilespmem:s12+$0x20] =	vst v10  }
0x26b: {  	v14 =	vld [tilespmem:s14+$0xFFFFFFC0];
	[tilespmem:s12+$0xFFFFFFD0] =	vst v11;
	s12 =	smov.u32 s14  }
0x26c: {  	v9 =	vld.idx.msk [tilespmem:v12+s30+$0x0], $0xffff  }
0x26d: {  	v17 =	vld [tilespmem:s14+$0xFFFFFFE0]  }
0x26e: {  	v10 =	vld [tilespmem:s14+$0x20]  }
.Ltmp18:
0x26f: {  	v11 =	vld [tilespmem:s14+$0xFFFFFFD0];
	(pc) =	sbr.rel @p4 .LBB2_30-.Ltmp18, $3  }
0x270: {  	v12 =	vld [tilespmem:s14+$0x0];
	_ =	sdelay $0x1  }
0x271: {  	v14 =	vmul.f32 v14, v9;
	v16 =	vmul.f32 v13, v9  }
0x272: {  	v15 =	vmul.f32 v15, v9;
	v13 =	vmul.f32 v17, v9  }
0x273: {  	[tilespmem:s12+$0x30] =	vst v16  }
0x274: {  	[tilespmem:s12+$0xFFFFFFC0] =	vst v14  }
0x275: {  	v8 =	vmul.f32 v8, v9;
	[tilespmem:s12+$0x10] =	vst v15  }
0x276: {  	v10 =	vmul.f32 v10, v9;
	[tilespmem:s12+$0xFFFFFFE0] =	vst v13  }
0x277: {  	v12 =	vmul.f32 v12, v9;
	[tilespmem:s12+$0xFFFFFFF0] =	vst v8  }
0x278: {  	v8 =	vmul.f32 v11, v9;
	[tilespmem:s12+$0x20] =	vst v10  }
0x279: {  	[tilespmem:s12+$0x0] =	vst v12  }
0x27a: {  	[tilespmem:s12+$0xFFFFFFD0] =	vst v8  }
0x27b: {  	[spmem:s1] =	stream.indirect.scatter.add.f32 [tilespmem:s26], [sflag:$0x3], $0x80, s31, s0, $0xb8;
	[tilespmem:$0x1BA80] =	vst v63  }
0x27c: {  	_ =	swait.ge [sflag:s22], $0x2800  }
0x27d: {  	s14 =	sshll.u32 s5, $0x1;
	[sflag:s22] =	ssyncset.done $0x0  }
0x27e: {  	p4 =	sge.s32 s14, s19;
	[sflag:s22] =	ssyncadd.s32 $0xFFFFD800  }
0x27f: {  	v8 =	vld @!p4 [tilespmem:s2+$0x3C20];
	_ =	sdelay $0x4  }
0x280: {  	[tilespmem:$0xF200] =	vst @!p4 v8  }
0x281: {  	v8 =	vld @!p4 [tilespmem:s2+$0x63A0];
	_ =	sdelay $0x4  }
0x282: {  	[tilespmem:$0xF280] =	vst @!p4 v8  }
0x283: {  	v8 =	vld @!p4 [tilespmem:s2+$0x3C30];
	_ =	sdelay $0x4  }
0x284: {  	[tilespmem:$0xF210] =	vst @!p4 v8  }
0x285: {  	v8 =	vld @!p4 [tilespmem:s2+$0x63B0];
	_ =	sdelay $0x4  }
0x286: {  	[tilespmem:$0xF290] =	vst @!p4 v8  }
0x287: {  	v8 =	vld @!p4 [tilespmem:s2+$0x3C40];
	_ =	sdelay $0x4  }
0x288: {  	[tilespmem:$0xF220] =	vst @!p4 v8  }
0x289: {  	v8 =	vld @!p4 [tilespmem:s2+$0x63C0];
	_ =	sdelay $0x4  }
0x28a: {  	[tilespmem:$0xF2A0] =	vst @!p4 v8  }
0x28b: {  	v8 =	vld @!p4 [tilespmem:s2+$0x3C50];
	_ =	sdelay $0x4  }
0x28c: {  	[tilespmem:$0xF230] =	vst @!p4 v8  }
0x28d: {  	v8 =	vld @!p4 [tilespmem:s2+$0x63D0];
	_ =	sdelay $0x4  }
0x28e: {  	[tilespmem:$0xF2B0] =	vst @!p4 v8  }
0x28f: {  	v8 =	vld @!p4 [tilespmem:s2+$0x3C60];
	_ =	sdelay $0x4  }
0x290: {  	[tilespmem:$0xF240] =	vst @!p4 v8  }
0x291: {  	v8 =	vld @!p4 [tilespmem:s2+$0x63E0];
	_ =	sdelay $0x4  }
0x292: {  	s13 =	simm.s32 @!p4 $0xCA00;
	s12 =	simm.s32 @!p4 $0xF200;
	s2 =	simm.s32 @!p4 $0x50;
	[tilespmem:$0xF2C0] =	vst @!p4 v8  }
0x293: {  	[tilespmem:s13], [sflag:$0x1] =	stream.indirect.gather @!p4 [hbm4b:s7+s2], $0x80, s12, s2, $0xb8;
	[tilespmem:$0x1BA80] =	vst v63  }
0x294: {  	s15 =	sadd.s32 $0x0, s17;
	_ =	swait.ge [sflag:s4], $0x2800  }
0x295: {  	v8 =	vmov s15;
	[sflag:s4] =	ssyncset.done $0x0  }
0x296: {  	s2 =	simm.s32 $0xF340;
	[sflag:s4] =	ssyncadd.s32 $0xFFFFD800  }
0x297: {  	v12 =	vld [tilespmem:s2+$0x30]  }
0x298: {  	v15 =	vld [tilespmem:s2+$0x10]  }
0x299: {  	v13 =	vld [tilespmem:s2+$0xFFFFFFC0]  }
0x29a: {  	v9 =	vld.idx.msk [tilespmem:v8+s30+$0x0], $0xffff  }
0x29b: {  	v17 =	vld [tilespmem:s2+$0xFFFFFFE0]  }
0x29c: {  	v8 =	vld [tilespmem:s2+$0xFFFFFFF0]  }
0x29d: {  	v10 =	vld [tilespmem:s2+$0x20]  }
0x29e: {  	v11 =	vld [tilespmem:s2+$0xFFFFFFD0]  }
0x29f: {  	v16 =	vmul.f32 v12, v9;
	v12 =	vld [tilespmem:s2+$0x0]  }
0x2a0: {  	v14 =	vmul.f32 v13, v9  }
0x2a1: {  	s12 =	simm.s32 $0x1;
	s13 =	simm.s32 $0xF340;
	v13 =	vmul.f32 v17, v9;
	v15 =	vmul.f32 v15, v9  }
.LBB2_32:
0x2a2: {  	p4 =	sne.s32 s12, $0x4F  }
0x2a3: {  	v11 =	vmul.f32 v11, v9;
	v10 =	vmul.f32 v10, v9;
	[tilespmem:s2+$0x30] =	vst v16;
	s13 =	sadd.s32 $0x80, s13;
	s14 =	smov.u32 s12;
	s12 =	sadd.s32 $0x1, s12  }
0x2a4: {  	[tilespmem:s2+$0xFFFFFFC0] =	vst v14;
	v14 =	vmul.f32 v8, v9;
	v9 =	vmul.f32 v12, v9  }
0x2a5: {  	s14 =	sadd.s32 s14, s17;
	[tilespmem:s2+$0x10] =	vst v15  }
0x2a6: {  	v12 =	vmov s14;
	[tilespmem:s2+$0xFFFFFFE0] =	vst v13  }
0x2a7: {  	v8 =	vld [tilespmem:s13+$0xFFFFFFF0];
	[tilespmem:s2+$0xFFFFFFF0] =	vst v14  }
0x2a8: {  	v13 =	vld [tilespmem:s13+$0x30];
	[tilespmem:s2+$0x0] =	vst v9  }
0x2a9: {  	v15 =	vld [tilespmem:s13+$0x10];
	[tilespmem:s2+$0x20] =	vst v10  }
0x2aa: {  	v14 =	vld [tilespmem:s13+$0xFFFFFFC0];
	[tilespmem:s2+$0xFFFFFFD0] =	vst v11;
	s2 =	smov.u32 s13  }
0x2ab: {  	v9 =	vld.idx.msk [tilespmem:v12+s30+$0x0], $0xffff  }
0x2ac: {  	v17 =	vld [tilespmem:s13+$0xFFFFFFE0]  }
0x2ad: {  	v10 =	vld [tilespmem:s13+$0x20]  }
.Ltmp19:
0x2ae: {  	v11 =	vld [tilespmem:s13+$0xFFFFFFD0];
	(pc) =	sbr.rel @p4 .LBB2_32-.Ltmp19, $3  }
0x2af: {  	v12 =	vld [tilespmem:s13+$0x0];
	_ =	sdelay $0x1  }
0x2b0: {  	v14 =	vmul.f32 v14, v9;
	v16 =	vmul.f32 v13, v9  }
0x2b1: {  	v15 =	vmul.f32 v15, v9;
	v13 =	vmul.f32 v17, v9  }
0x2b2: {  	[tilespmem:s2+$0x30] =	vst v16  }
0x2b3: {  	[tilespmem:s2+$0xFFFFFFC0] =	vst v14  }
0x2b4: {  	v8 =	vmul.f32 v8, v9;
	[tilespmem:s2+$0x10] =	vst v15  }
0x2b5: {  	v10 =	vmul.f32 v10, v9;
	[tilespmem:s2+$0xFFFFFFE0] =	vst v13  }
0x2b6: {  	v12 =	vmul.f32 v12, v9;
	[tilespmem:s2+$0xFFFFFFF0] =	vst v8  }
0x2b7: {  	s5 =	sadd.s32 $0x1, s5;
	v8 =	vmul.f32 v11, v9;
	[tilespmem:s2+$0x20] =	vst v10  }
0x2b8: {  	p1 =	sne.s32 s5, s18;
	[tilespmem:s2+$0x0] =	vst v12  }
.Ltmp20:
0x2b9: {  	[tilespmem:s2+$0xFFFFFFD0] =	vst v8;
	(pc) =	sbr.rel @p1 .LBB2_29-.Ltmp20, $4  }
0x2ba: {  	[spmem:s1] =	stream.indirect.scatter.add.f32 [tilespmem:s25], [sflag:$0x3], $0x80, s8, s0, $0xb8;
	[tilespmem:$0x1BA80] =	vst v63  }
0x2bb: {  	_ =	swait.ge [sflag:s22], $0x2800  }
0x2bc: {  	[sflag:s22] =	ssyncset.done $0x0  }
0x2bd: {  	s9 =	sadd.s32 $0xA0, s9;
	s17 =	sadd.s32 $0xA0, s17;
	[sflag:s22] =	ssyncadd.s32 $0xFFFFD800  }
.LBB2_34:
.Ltmp21:
0x2be: {  	(pc) =	sbr.rel @p3 .LBB2_38-.Ltmp21, $2  }
0x2bf: {  	_ =	sdelay $0x2  }
0x2c0: {  	s15 =	stileid.u32  }
0x2c1: {  	s5 =	smul.u32 $0x50, s16;
	_ =	sdelay $0x1  }
0x2c2: {  	_ =	swait.ge [sflag:s29], $0x2800;
	s2 =	sadd.s32 $0xFFFFFFB0, s5  }
0x2c3: {  	[sflag:s29] =	ssyncset.done $0x0;
	v8 =	vmov s2  }
0x2c4: {  	[sflag:s29] =	ssyncadd.s32 $0xFFFFD800;
	s2 =	simm.s32 $0xCA40  }
0x2c5: {  	v12 =	vld [tilespmem:s2+$0x30]  }
0x2c6: {  	v15 =	vld [tilespmem:s2+$0x10]  }
0x2c7: {  	v13 =	vld [tilespmem:s2+$0xFFFFFFC0]  }
0x2c8: {  	v9 =	vld.idx.msk [tilespmem:v8+s30+$0x0], $0xffff  }
0x2c9: {  	v17 =	vld [tilespmem:s2+$0xFFFFFFE0]  }
0x2ca: {  	v10 =	vld [tilespmem:s2+$0x20]  }
0x2cb: {  	p1 =	por $0x0, $0x0;
	v11 =	vld [tilespmem:s2+$0xFFFFFFD0]  }
.Ltmp22:
0x2cc: {  	v8 =	vld [tilespmem:s2+$0xFFFFFFF0];
	(pc) =	sbr.rel @p1 .LBB2_37-.Ltmp22, $3  }
0x2cd: {  	v16 =	vmul.f32 v12, v9;
	v12 =	vld [tilespmem:s2+$0x0];
	_ =	sdelay $0x1  }
0x2ce: {  	v14 =	vmul.f32 v13, v9  }
0x2cf: {  	s9 =	simm.s32 $0xFFFFFFB1;
	s12 =	simm.s32 $0xCA40;
	v13 =	vmul.f32 v17, v9;
	v15 =	vmul.f32 v15, v9  }
.LBB2_36:
0x2d0: {  	v11 =	vmul.f32 v11, v9;
	v10 =	vmul.f32 v10, v9;
	[tilespmem:s2+$0x30] =	vst v16;
	s12 =	sadd.s32 $0x80, s12;
	s13 =	smov.u32 s9;
	s9 =	sadd.s32 $0x1, s9  }
0x2d1: {  	p3 =	seq.s32 s9, $0x0;
	[tilespmem:s2+$0xFFFFFFC0] =	vst v14;
	v14 =	vmul.f32 v8, v9;
	v9 =	vmul.f32 v12, v9  }
0x2d2: {  	s13 =	sadd.s32 s13, s5;
	[tilespmem:s2+$0x10] =	vst v15  }
0x2d3: {  	v12 =	vmov s13;
	[tilespmem:s2+$0xFFFFFFE0] =	vst v13  }
0x2d4: {  	v8 =	vld [tilespmem:s12+$0xFFFFFFF0];
	[tilespmem:s2+$0xFFFFFFF0] =	vst v14  }
0x2d5: {  	v13 =	vld [tilespmem:s12+$0x30];
	[tilespmem:s2+$0x0] =	vst v9  }
0x2d6: {  	v15 =	vld [tilespmem:s12+$0x10];
	[tilespmem:s2+$0x20] =	vst v10  }
0x2d7: {  	v14 =	vld [tilespmem:s12+$0xFFFFFFC0];
	[tilespmem:s2+$0xFFFFFFD0] =	vst v11;
	s2 =	smov.u32 s12  }
0x2d8: {  	v9 =	vld.idx.msk [tilespmem:v12+s30+$0x0], $0xffff  }
0x2d9: {  	v17 =	vld [tilespmem:s12+$0xFFFFFFE0]  }
0x2da: {  	v10 =	vld [tilespmem:s12+$0x20]  }
.Ltmp23:
0x2db: {  	v11 =	vld [tilespmem:s12+$0xFFFFFFD0];
	(pc) =	sbr.rel @!p3 .LBB2_36-.Ltmp23, $3  }
0x2dc: {  	v12 =	vld [tilespmem:s12+$0x0];
	_ =	sdelay $0x1  }
0x2dd: {  	v14 =	vmul.f32 v14, v9;
	v16 =	vmul.f32 v13, v9  }
0x2de: {  	v15 =	vmul.f32 v15, v9;
	v13 =	vmul.f32 v17, v9  }
.Ltmp24:
0x2df: {  	_ = 	snop;
	(pc) =	sbr.rel .LBB2_37-.Ltmp24, $1  }
0x2e0: {  	_ =	sdelay $0x3  }
.LBB2_9:
.Ltmp25:
0x2e1: {  	(pc) =	sbr.rel .LBB2_13-.Ltmp25, $2  }
0x2e2: {  	_ =	sdelay $0x2  }
0x2e3: {  	s5 =	simm.s32 $0x8A80  }
.LBB2_11:
.Ltmp26:
0x2e4: {  	(pc) =	sbr.rel .LBB2_13-.Ltmp26, $2  }
0x2e5: {  	_ =	sdelay $0x2  }
0x2e6: {  	s5 =	simm.s32 $0x8A80  }
.LBB2_39:
0x2e7: {  	_ =	sfence.sel $0x180000  }
0x2e8: {  	[bflag:$0x0] =	sbarrier.arrive $0xFFFF  }
0x2e9: {  	_ =	strace $0x90000047  }
0x2ea: {  	[bflag:$0x2] =	sbarrier.arrive $0xFFFF  }
0x2eb: {  	s1 =	sld [smem:$0x7FB];
	_ =	sdelay $0x2  }
0x2ec: {  	s0 =	rddreg [dreg:$0x4];
	p0 =	seq.s32 s1, $0x1  }
0x2ed: {  	s0 =	sadd.s32 @!p0 $0x100000, s0  }
0x2ee: {  	[sflag:s0] =	ssyncadd.tile.s32 @!p0 $0x1;
	_ =	shalt  }
.Lfunc_end2:
_tile_overlayer_lowered:
.L_overlay_start_2:
0x2ef: {  	(tag) =	ssettag $0x2  }
0x2f0: {  	s0 =	rddreg [dreg:$0x0];
	s2 =	stileid.u32  }
0x2f1: {  	s1 =	rddreg [dreg:$0x1];
	p0 =	sne.s32 s2, $0x0  }
0x2f2: {  	s3 =	rddreg [dreg:$0x2];
	[bflag:$0x3] =	sbarrier.arrive $0xFFFF;
	s2 =	simm.s32 @!p0 $0x1C03  }
0x2f3: {  	[timem:s3], [sflag:s2] =	dma.local @!p0 [hbm:s0], s1  }
0x2f4: {  	s0 =	simm.s32 @!p0 $0x3  }
0x2f5: {  	_ =	swait.ge @!p0 [sflag:s0], s1  }
0x2f6: {  	s1 =	ssub.s32 @!p0 $0x0, s1;
	[sflag:s0] =	ssyncset.done @!p0 $0x0  }
0x2f7: {  	[sflag:s0] =	ssyncadd.s32 @!p0 s1  }
0x2f8: {  	[bflag:$0x3] =	sbarrier.arrive $0xFFFF  }
0x2f9: {  	_ =	shalt  }

</sc_bundles>
